<compile_context>
chip_gen: v7x
topology: tpu7x:2x2x1
jax: 0.10.2.dev20260603
libtpu: 0.0.44.dev20260713+nightly
codegen_flags: <defaults>
</compile_context>

<pallas_src>
import functools

import jax
import jax.numpy as jnp
import numpy as np
from jax.experimental import pallas as pl
from jax.experimental.pallas import tpu as pltpu
from jax.experimental.pallas import tpu_sc as plsc

B, N, D, K = 2, 4096, 256, 16
M = B * N
R = M * K
RB = 2048
PB = RB // K
NBLK = R // RB

def _dot(a, b):
    return jax.lax.dot(a, b, preferred_element_type=jnp.float32)



def _p0_body(x_ref, wq_ref, wk_ref, wv_ref, q_ref, k_ref, v_ref):
    xb = x_ref[...]
    q_ref[...] = _dot(xb, wq_ref[...])
    k_ref[...] = _dot(xb, wk_ref[...])
    v_ref[...] = _dot(xb, wv_ref[...])


def _projections(xf, Wq, Wk, Wv):
    blk = 1024
    grid = (M // blk,)
    spec_x = pl.BlockSpec((blk, D), lambda i: (i, 0))
    spec_w = pl.BlockSpec((D, D), lambda i: (0, 0))
    out = pl.pallas_call(
        _p0_body,
        grid=grid,
        in_specs=[spec_x, spec_w, spec_w, spec_w],
        out_specs=[spec_x, spec_x, spec_x],
        out_shape=[jax.ShapeDtypeStruct((M, D), jnp.float32)] * 3,
        compiler_params=pltpu.CompilerParams(
            dimension_semantics=("parallel",)),
    )(xf, Wq, Wk, Wv)
    return out



def _sc_gather(table, idx, Dt, chunk, dtype=jnp.float32):
    NW = 32
    per_w = R // NW
    nbody = per_w // (2 * chunk)
    mesh = plsc.VectorSubcoreMesh(core_axis_name="c", subcore_axis_name="s")

    @functools.partial(
        pl.kernel, mesh=mesh,
        out_type=jax.ShapeDtypeStruct((R, Dt), dtype),
        scratch_types=[
            pltpu.VMEM((per_w,), jnp.int32),
            pltpu.VMEM((chunk, Dt), dtype),
            pltpu.VMEM((chunk, Dt), dtype),
            pltpu.SemaphoreType.DMA,
            pltpu.SemaphoreType.DMA,
            pltpu.SemaphoreType.DMA,
            pltpu.SemaphoreType.DMA,
        ])
    def gk(table_hbm, idx_hbm, out_hbm, idx_v, buf0, buf1, gs0, gs1, os0, os1):
        wid = jax.lax.axis_index("s") * 2 + jax.lax.axis_index("c")
        base = wid * per_w
        pltpu.sync_copy(idx_hbm.at[pl.ds(base, per_w)], idx_v)
        bufs = (buf0, buf1)
        gss = (gs0, gs1)
        oss = (os0, os1)

        def body(g, carry):
            c0 = g * 2
            for j in range(2):
                @pl.when(g > 0)
                def _(j=j):
                    pltpu.make_async_copy(
                        bufs[j], out_hbm.at[pl.ds(0, chunk)], oss[j]).wait()
                pltpu.async_copy(
                    table_hbm.at[idx_v.at[pl.ds((c0 + j) * chunk, chunk)]],
                    bufs[j], gss[j])
            for j in range(2):
                pltpu.make_async_copy(
                    table_hbm.at[idx_v.at[pl.ds(0, chunk)]], bufs[j],
                    gss[j]).wait()
                pltpu.async_copy(
                    bufs[j], out_hbm.at[pl.ds(base + (c0 + j) * chunk, chunk)],
                    oss[j])
            return carry

        jax.lax.fori_loop(0, nbody, body, 0)
        for j in range(2):
            pltpu.make_async_copy(
                bufs[j], out_hbm.at[pl.ds(0, chunk)], oss[j]).wait()

    return gk(table, idx)



def _d2_body(pos_ref, post_ref, out_ref, tau_ref):
    pr = pos_ref[0]
    pc = post_ref[0]
    xr, yr, zr = pr[:, 0:1], pr[:, 1:2], pr[:, 2:3]
    xc, yc, zc = pc[0:1, :], pc[1:2, :], pc[2:3, :]
    sqr = xr * xr + yr * yr + zr * zr
    sqc = xc * xc + yc * yc + zc * zc
    d2b = (sqr + sqc) - 2.0 * _dot(pr, pc)
    out_ref[0] = d2b
    nr = d2b.shape[0]
    gmin = jnp.min(d2b.reshape(nr, 16, N // 16), axis=2)
    tau0 = jnp.max(gmin, axis=1)[:, None]
    t1 = tau0 * 0.5
    cnt1 = jnp.sum((d2b <= t1).astype(jnp.int32), axis=1, keepdims=True)
    tau = jnp.where(cnt1 >= 16, t1, tau0)
    tau_ref[...] = jnp.broadcast_to(tau, (nr, 16))


def _dist2(pospl):
    RB2 = 512
    posb = pospl.reshape(B, N, 128)
    post = jnp.swapaxes(posb, 1, 2)
    nb = N // RB2
    out, tau16 = pl.pallas_call(
        _d2_body,
        grid=(B, nb),
        in_specs=[
            pl.BlockSpec((1, RB2, 128), lambda b, i: (b, i, 0)),
            pl.BlockSpec((1, 128, N), lambda b, i: (b, 0, 0)),
        ],
        out_specs=[
            pl.BlockSpec((1, RB2, N), lambda b, i: (b, i, 0)),
            pl.BlockSpec((RB2, 16), lambda b, i: (b * nb + i, 0)),
        ],
        out_shape=[
            jax.ShapeDtypeStruct((B, N, N), jnp.float32),
            jax.ShapeDtypeStruct((M, 16), jnp.float32),
        ],
        compiler_params=pltpu.CompilerParams(
            dimension_semantics=("parallel", "parallel")),
    )(posb, post)
    return out, tau16



def _sc_knn(d2f, tau16):
    NW = 32
    rows_w = M // NW
    nbody = rows_w // 2
    nchunk = N // 16
    mesh = plsc.VectorSubcoreMesh(core_axis_name="c", subcore_axis_name="s")

    @functools.partial(
        pl.kernel, mesh=mesh,
        compiler_params=pltpu.CompilerParams(needs_layout_passes=False),
        out_type=jax.ShapeDtypeStruct((M, 16), jnp.int32),
        scratch_types=[
            pltpu.VMEM((2, N), jnp.float32),
            pltpu.VMEM((rows_w, 16), jnp.float32),
            pltpu.VMEM((N + 16,), jnp.float32),
            pltpu.VMEM((N + 16,), jnp.int32),
            pltpu.VMEM((16,), jnp.int32),
            pltpu.SemaphoreType.DMA,
            pltpu.SemaphoreType.DMA,
            pltpu.SemaphoreType.DMA,
        ])
    def knn(d2_hbm, tau_hbm, out_hbm, rowb, tau_v, cbuf, ibuf, obuf,
            s0, s1, so):
        wid = jax.lax.axis_index("s") * 2 + jax.lax.axis_index("c")
        base = wid * rows_w
        boff = (wid // 16) * N
        pltpu.sync_copy(tau_hbm.at[pl.ds(base, rows_w)], tau_v)
        pltpu.async_copy(d2_hbm.at[base], rowb.at[0], s0)

        def process_row(rslot, r_local):
            thr = tau_v[r_local]
            lane = jax.lax.iota(jnp.int32, 16)

            def group_body(g, off):
                c0 = g * 8
                vs, ms = [], []
                for u in range(8):
                    v = rowb[rslot, pl.ds((c0 + u) * 16, 16)]
                    vs.append(v)
                    ms.append(v <= thr)
                om = ms[0]
                for u in range(1, 8):
                    om = jnp.logical_or(om, ms[u])
                anyv = plsc.all_reduce_population_count(om)[0]

                def slow(off):
                    cnts = [plsc.all_reduce_population_count(ms[u])[0]
                            for u in range(8)]
                    for u in range(8):
                        iv = lane + (c0 + u) * 16
                        plsc.store_compressed(cbuf.at[pl.ds(off, 16)], vs[u],
                                              mask=ms[u])
                        plsc.store_compressed(ibuf.at[pl.ds(off, 16)], iv,
                                              mask=ms[u])
                        off = off + cnts[u]
                    return off

                return jax.lax.cond(anyv > 0, slow, lambda off: off, off)

            off = jax.lax.fori_loop(0, nchunk // 8, group_body, 0)
            cbuf[pl.ds(off, 16)] = jnp.full((16,), jnp.inf, jnp.float32)
            jj = (off + 15) // 16

            def fold(t, carry):
                bv, bi = carry
                cv = cbuf[pl.ds(t * 16, 16)]
                ci = ibuf[pl.ds(t * 16, 16)]
                scv, sci = plsc.sort_key_val(cv, ci)
                rv = jax.lax.rev(scv, (0,))
                ri = jax.lax.rev(sci, (0,))
                tm = bv <= rv
                lv = jnp.where(tm, bv, rv)
                li = jnp.where(tm, bi, ri)
                nb_, ni_ = plsc.sort_key_val(lv, li)
                return (nb_, ni_)

            bv0 = jnp.full((16,), jnp.inf, jnp.float32)
            bi0 = jnp.zeros((16,), jnp.int32)
            _, bi = jax.lax.fori_loop(0, jj, fold, (bv0, bi0))
            obuf[...] = bi + boff
            pltpu.async_copy(obuf, out_hbm.at[base + r_local], so)
            pltpu.make_async_copy(obuf, out_hbm.at[0], so).wait()

        def body(g, carry):
            r0 = 2 * g
            pltpu.async_copy(d2_hbm.at[base + r0 + 1], rowb.at[1], s1)
            pltpu.make_async_copy(d2_hbm.at[0], rowb.at[0], s0).wait()
            process_row(0, r0)

            @pl.when(g < nbody - 1)
            def _():
                pltpu.async_copy(d2_hbm.at[base + r0 + 2], rowb.at[0], s0)

            pltpu.make_async_copy(d2_hbm.at[0], rowb.at[1], s1).wait()
            process_row(1, r0 + 1)
            return carry

        jax.lax.fori_loop(0, nbody, body, 0)

    return knn(d2f, tau16)



def _p1_body(xyz_ref, posp_ref, w1_ref, st_ref):
    i = pl.program_id(0)
    npt = posp_ref.shape[0]
    pp = jnp.broadcast_to(posp_ref[...][:, None, :], (npt, K, 128)
                          ).reshape(npt * K, 128)
    rel = pp - xyz_ref[...]
    pe1 = _dot(rel, w1_ref[...])
    s = jnp.sum(pe1, axis=0)
    q2 = jnp.sum(pe1 * pe1, axis=0)
    blk = jnp.concatenate([s[None, :], q2[None, :]], axis=0)

    @pl.when(i == 0)
    def _():
        st_ref[...] = jnp.zeros_like(st_ref)

    st_ref[0:2, :] += blk


def _bn1_stats(kfg, posp, pos_w1):
    blk = 8192
    grid = (R // blk,)
    st = pl.pallas_call(
        _p1_body,
        grid=grid,
        in_specs=[pl.BlockSpec((blk, 128), lambda i: (i, 2)),
                  pl.BlockSpec((blk // K, 128), lambda i: (i, 0)),
                  pl.BlockSpec((128, D), lambda i: (0, 0))],
        out_specs=pl.BlockSpec((8, D), lambda i: (0, 0)),
        out_shape=jax.ShapeDtypeStruct((8, D), jnp.float32),
        compiler_params=pltpu.CompilerParams(
            dimension_semantics=("arbitrary",)),
    )(kfg, posp, pos_w1)
    return st



def _p2_body(kfg_ref, posp_ref, q_ref, w1_ref, w2_ref, wa1_ref,
             sc1_ref, sh1_ref, a1_ref, pe_ref, st_ref):
    i = pl.program_id(0)
    pp = jnp.broadcast_to(posp_ref[...][:, None, :], (PB, K, 128)
                          ).reshape(RB, 128)
    kfg = kfg_ref[...]
    rel = pp - kfg[:, D:]
    pe1 = _dot(rel, w1_ref[...])
    peR = jnp.maximum(pe1 * sc1_ref[...] + sh1_ref[...], 0.0)
    pe = _dot(peR, w2_ref[...])
    qb = q_ref[...]
    qrep = jnp.broadcast_to(qb[:, None, :], (PB, K, D)).reshape(RB, D)
    t = qrep - kfg[:, :D] + pe
    a1 = _dot(t, wa1_ref[...])
    a1_ref[...] = a1.astype(jnp.bfloat16)
    pe_ref[...] = pe.astype(jnp.bfloat16)
    s = jnp.sum(a1, axis=0)
    q2 = jnp.sum(a1 * a1, axis=0)
    blk = jnp.concatenate([s[None, :], q2[None, :]], axis=0)

    @pl.when(i == 0)
    def _():
        st_ref[...] = jnp.zeros_like(st_ref)

    st_ref[0:2, :] += blk


def _phase2(kfg, posp, q, pos_w1, pos_w2, attn_w1, sc1, sh1):
    grid = (NBLK,)
    a1, pe, st = pl.pallas_call(
        _p2_body,
        grid=grid,
        in_specs=[
            pl.BlockSpec((RB, D + 128), lambda i: (i, 0)),
            pl.BlockSpec((PB, 128), lambda i: (i, 0)),
            pl.BlockSpec((PB, D), lambda i: (i, 0)),
            pl.BlockSpec((128, D), lambda i: (0, 0)),
            pl.BlockSpec((D, D), lambda i: (0, 0)),
            pl.BlockSpec((D, D), lambda i: (0, 0)),
            pl.BlockSpec((1, D), lambda i: (0, 0)),
            pl.BlockSpec((1, D), lambda i: (0, 0)),
        ],
        out_specs=[
            pl.BlockSpec((RB, D), lambda i: (i, 0)),
            pl.BlockSpec((RB, D), lambda i: (i, 0)),
            pl.BlockSpec((8, D), lambda i: (0, 0)),
        ],
        out_shape=[
            jax.ShapeDtypeStruct((R, D), jnp.bfloat16),
            jax.ShapeDtypeStruct((R, D), jnp.bfloat16),
            jax.ShapeDtypeStruct((8, D), jnp.float32),
        ],
        compiler_params=pltpu.CompilerParams(
            dimension_semantics=("arbitrary",)),
    )(kfg, posp, q, pos_w1, pos_w2, attn_w1, sc1, sh1)
    return a1, pe, st



def _p3_body(a1_ref, pe_ref, vf_ref, x_ref, sc2_ref, sh2_ref, wa2_ref,
             wf_ref, bf_ref, out_ref):
    a1 = a1_ref[...].astype(jnp.float32)
    h = jnp.maximum(a1 * sc2_ref[...] + sh2_ref[...], 0.0)
    a2 = _dot(h, wa2_ref[...]) * (1.0 / 16.0)
    a3 = a2.reshape(PB, K, D)
    mx = jnp.max(a3, axis=1, keepdims=True)
    e = jnp.exp(a3 - mx)
    w = e / jnp.sum(e, axis=1, keepdims=True)
    vu = jax.lax.bitcast_convert_type(vf_ref[...], jnp.int32)
    vlo = jax.lax.bitcast_convert_type(vu << 16, jnp.float32)
    vhi = jax.lax.bitcast_convert_type(
        vu & jnp.int32(-65536), jnp.float32)
    val = jnp.concatenate([vlo, vhi], axis=1) + pe_ref[...].astype(
        jnp.float32)
    agg = jnp.sum(w * val.reshape(PB, K, D), axis=1)
    out_ref[...] = _dot(agg, wf_ref[...]) + bf_ref[...] + x_ref[...]


def _phase3(a1, pe, vf, xf, sc2, sh2, attn_w2, Wf, bfr):
    grid = (NBLK,)
    out = pl.pallas_call(
        _p3_body,
        grid=grid,
        in_specs=[
            pl.BlockSpec((RB, D), lambda i: (i, 0)),
            pl.BlockSpec((RB, D), lambda i: (i, 0)),
            pl.BlockSpec((RB, D // 2), lambda i: (i, 0)),
            pl.BlockSpec((PB, D), lambda i: (i, 0)),
            pl.BlockSpec((1, D), lambda i: (0, 0)),
            pl.BlockSpec((1, D), lambda i: (0, 0)),
            pl.BlockSpec((D, D), lambda i: (0, 0)),
            pl.BlockSpec((D, D), lambda i: (0, 0)),
            pl.BlockSpec((1, D), lambda i: (0, 0)),
        ],
        out_specs=pl.BlockSpec((PB, D), lambda i: (i, 0)),
        out_shape=jax.ShapeDtypeStruct((M, D), jnp.float32),
        compiler_params=pltpu.CompilerParams(
            dimension_semantics=("parallel",)),
    )(a1, pe, vf, xf, sc2, sh2, attn_w2, Wf, bfr)
    return out


def kernel(x, pos, Wq, Wk, Wv, pos_w1, bn1_g, bn1_b, pos_w2, attn_w1,
           bn2_g, bn2_b, attn_w2, Wf, bf):
    xf = x.reshape(M, D)

    q, kfull, vfull = _projections(xf, Wq, Wk, Wv)

    posf = pos.reshape(M, 3)
    pospl = jnp.zeros((M, 128), jnp.float32).at[:, :3].set(posf)
    d2, tau16 = _dist2(pospl)
    gidx = _sc_knn(d2.reshape(M, N), tau16).reshape(R)
    kaug = jnp.concatenate([kfull, pospl], axis=1)
    w1p = jnp.zeros((128, D), jnp.float32).at[:3].set(pos_w1)
    kfg = _sc_gather(kaug, gidx, D + 128, 128)
    vb16 = vfull.astype(jnp.bfloat16)
    vpack = jax.lax.bitcast_convert_type(
        jnp.stack([vb16[:, :D // 2], vb16[:, D // 2:]], axis=-1),
        jnp.float32)
    vf = _sc_gather(vpack, gidx, D // 2, 256)

    st1 = _bn1_stats(kfg, pospl, w1p)
    cnt = jnp.float32(R)
    mean1 = st1[0] / cnt
    var1 = st1[1] / cnt - mean1 * mean1
    sc1 = (bn1_g / jnp.sqrt(var1 + 1e-5))[None, :]
    sh1 = (bn1_b - mean1 * sc1[0])[None, :]

    a1, pe, st2 = _phase2(kfg, pospl, q, w1p, pos_w2, attn_w1, sc1, sh1)
    mean2 = st2[0] / cnt
    var2 = st2[1] / cnt - mean2 * mean2
    sc2 = (bn2_g / jnp.sqrt(var2 + 1e-5))[None, :]
    sh2 = (bn2_b - mean2 * sc2[0])[None, :]

    out = _phase3(a1, pe, vf, xf, sc2, sh2, attn_w2, Wf, bf[None, :])
    return out.reshape(B, N, D)

# --- scband reference (transcript-rebuilt; emitter-appended) ---
"""Pipeline reference for scband-point-transformer-block-56384330662312 (READ-ONLY COPY).

The authoritative reference and input builder live on the scoring server;
editing this copy changes nothing except your own understanding.
"""

import jax, jax.numpy as jnp
import numpy as np

B, N, DIM, K = 2, 4096, 256, 16


def _bn_train(h, g, b):
    # BatchNorm2d in training mode: stats over (batch, spatial) = axes (0,1,2) in channels-last layout
    m = jnp.mean(h, axis=(0, 1, 2), keepdims=True)
    v = jnp.var(h, axis=(0, 1, 2), keepdims=True)
    return (h - m) / jnp.sqrt(v + 1e-5) * g + b


def setup_inputs(seed: int = 0):
    key = jax.random.key(seed)
    ks = jax.random.split(key, 16)
    x = jax.random.normal(ks[0], (B, N, DIM), dtype=jnp.float32)
    pos = jax.random.uniform(ks[1], (B, N, 3), dtype=jnp.float32)
    s = 1.0 / np.sqrt(DIM)
    Wq = jax.random.normal(ks[2], (DIM, DIM), dtype=jnp.float32) * s
    Wk = jax.random.normal(ks[3], (DIM, DIM), dtype=jnp.float32) * s
    Wv = jax.random.normal(ks[4], (DIM, DIM), dtype=jnp.float32) * s
    pos_w1 = jax.random.normal(ks[5], (3, DIM), dtype=jnp.float32) * (1.0 / np.sqrt(3.0))
    bn1_g = jnp.ones((DIM,), jnp.float32)
    bn1_b = jnp.zeros((DIM,), jnp.float32)
    pos_w2 = jax.random.normal(ks[6], (DIM, DIM), dtype=jnp.float32) * s
    attn_w1 = jax.random.normal(ks[7], (DIM, DIM), dtype=jnp.float32) * s
    bn2_g = jnp.ones((DIM,), jnp.float32)
    bn2_b = jnp.zeros((DIM,), jnp.float32)
    attn_w2 = jax.random.normal(ks[8], (DIM, DIM), dtype=jnp.float32) * s
    Wf = jax.random.normal(ks[9], (DIM, DIM), dtype=jnp.float32) * s
    bf = jnp.zeros((DIM,), jnp.float32)
    return {"x": x, "pos": pos, "Wq": Wq, "Wk": Wk, "Wv": Wv,
            "pos_w1": pos_w1, "bn1_g": bn1_g, "bn1_b": bn1_b, "pos_w2": pos_w2,
            "attn_w1": attn_w1, "bn2_g": bn2_g, "bn2_b": bn2_b, "attn_w2": attn_w2,
            "Wf": Wf, "bf": bf}


def reference(x, pos, Wq, Wk, Wv, pos_w1, bn1_g, bn1_b, pos_w2, attn_w1, bn2_g, bn2_b, attn_w2, Wf, bf):
    x_pre = x
    # kNN_torch(pos, pos, k): pairwise sq-distances, k smallest
    sq = jnp.sum(pos * pos, axis=-1)
    d2 = sq[:, :, None] + sq[:, None, :] - 2.0 * jnp.einsum('bic,bjc->bij', pos, pos)
    _, knn_idx = jax.lax.top_k(-d2, K)  # [B, N, K]
    gather = jax.vmap(lambda p, i: p[i])  # index_points
    knn_xyz = gather(pos, knn_idx)  # [B, N, K, 3]
    q = x @ Wq
    kf = gather(x @ Wk, knn_idx)  # [B, N, K, DIM]
    vf = gather(x @ Wv, knn_idx)
    rel = pos[:, :, None, :] - knn_xyz  # [B, N, K, 3]
    # pos_mlp: 1x1 conv -> BN -> ReLU -> 1x1 conv (channels-last equivalents)
    pe = rel @ pos_w1
    pe = jnp.maximum(_bn_train(pe, bn1_g, bn1_b), 0.0)
    pe = pe @ pos_w2
    attn = q[:, :, None, :] - kf + pe
    attn = attn @ attn_w1
    attn = jnp.maximum(_bn_train(attn, bn2_g, bn2_b), 0.0)
    attn = attn @ attn_w2
    attn = jax.nn.softmax(attn / np.sqrt(DIM), axis=2)  # softmax over neighbor dim
    agg = jnp.sum(attn * (vf + pe), axis=2)  # [B, N, DIM]
    return agg @ Wf + bf + x_pre

if __name__ == "__main__":
    import jax
    _d = setup_inputs()
    print(jax.jit(kernel)(*tuple(_d.values())))

</pallas_src>

<mosaic_0001>
#map = affine_map<(d0, d1) -> (0, 0)>
#map1 = affine_map<(d0, d1) -> (0)>
module attributes {stable_mosaic.version = 14 : i64} {
  func.func @gk(%arg0: i32, %arg1: i32, %arg2: memref<8192x384xf32, #tpu.memory_space<hbm>>, %arg3: memref<131072xi32, #tpu.memory_space<hbm>>, %arg4: memref<131072x384xf32, #tpu.memory_space<hbm>>, %arg5: memref<4096xi32, #tpu.memory_space<vmem>>, %arg6: memref<128x384xf32, #tpu.memory_space<vmem>>, %arg7: memref<128x384xf32, #tpu.memory_space<vmem>>, %arg8: memref<!tpu.dma_semaphore, #tpu.memory_space<semaphore_mem>>, %arg9: memref<!tpu.dma_semaphore, #tpu.memory_space<semaphore_mem>>, %arg10: memref<!tpu.dma_semaphore, #tpu.memory_space<semaphore_mem>>, %arg11: memref<!tpu.dma_semaphore, #tpu.memory_space<semaphore_mem>>) attributes {dimension_semantics = [#tpu.dimension_semantics<core_parallel>, #tpu.dimension_semantics<subcore_parallel>], iteration_bounds = array<i64: 2, 16>, scalar_prefetch = 0 : i64, scratch_operands = 7 : i64, tpu.core_type = #tpu.core_type<sc_vector_subcore>, window_params = [{transform_indices = #map}, {transform_indices = #map1}, {transform_indices = #map}]} {
    %mul3A = arith.constant 2 : i32
    %mul3A_0 = arith.muli %arg1, %mul3A : i32
    %add3A = arith.addi %mul3A_0, %arg0 : i32
    %mul3A_1 = arith.constant 4096 : i32
    %mul3A_2 = arith.muli %add3A, %mul3A_1 : i32
    "tpu.region"() ({
      %run_scoped3A = tpu.sem_alloc : memref<!tpu.dma_semaphore, #tpu.memory_space<semaphore_mem>>
      %dma_start3A = tpu.memref_slice %arg3[%mul3A_2] : memref<131072xi32, #tpu.memory_space<hbm>> -> memref<4096xi32, #tpu.memory_space<hbm>>
      %dma_start3A_19 = tpu.memref_slice %arg3[%mul3A_2] : memref<131072xi32, #tpu.memory_space<hbm>> -> memref<4096xi32, #tpu.memory_space<hbm>>
      tpu.enqueue_dma source(%dma_start3A_19 : memref<4096xi32, #tpu.memory_space<hbm>>) target(%arg5 : memref<4096xi32, #tpu.memory_space<vmem>>) target_semaphore(%run_scoped3A : memref<!tpu.dma_semaphore, #tpu.memory_space<semaphore_mem>>)
      %dma_wait3A_20 = tpu.memref_slice %arg3[%mul3A_2] : memref<131072xi32, #tpu.memory_space<hbm>> -> memref<4096xi32, #tpu.memory_space<hbm>>
      %dma_wait3A_21 = tpu.memref_slice %arg3[%mul3A_2] : memref<131072xi32, #tpu.memory_space<hbm>> -> memref<4096xi32, #tpu.memory_space<hbm>>
      tpu.wait_dma2 semaphore(%run_scoped3A : memref<!tpu.dma_semaphore, #tpu.memory_space<semaphore_mem>>) src(%dma_wait3A_21 : memref<4096xi32, #tpu.memory_space<hbm>>) dst(%arg5 : memref<4096xi32, #tpu.memory_space<vmem>>)
      tpu.yield
    }) : () -> ()
    %scan3A = arith.constant 0 : i32
    %scan3A_3 = arith.constant 0 : i32
    %scan3A_4 = arith.constant 16 : i32
    %scan3A_5 = arith.addi %scan3A_3, %scan3A_4 : i32
    %scan3A_6 = arith.constant 1 : i32
    scf.for %scan3A_19 = %scan3A_3 to %scan3A_5 step %scan3A_6  : i32 {
      %mul3A_20 = arith.constant 2 : i32
      %mul3A_21 = arith.muli %scan3A_19, %mul3A_20 : i32
      %gt3A = arith.constant 0 : i32
      %gt3A_22 = arith.cmpi sgt, %scan3A_19, %gt3A : i32
      %convert_element_type3A = arith.extui %gt3A_22 : i1 to i32
      %cond3A = arith.constant 0 : i32
      %cond3A_23 = arith.cmpi ne, %convert_element_type3A, %cond3A : i32
      scf.if %cond3A_23 {
        %dma_wait3A_72 = arith.constant 0 : i32
        %dma_wait3A_73 = arith.constant 0 : i32
        %dma_wait3A_74 = tpu.memref_slice %arg4[%dma_wait3A_72, %dma_wait3A_73] : memref<131072x384xf32, #tpu.memory_space<hbm>> -> memref<128x384xf32, #tpu.memory_space<hbm>>
        %dma_wait3A_75 = arith.constant 0 : i32
        %dma_wait3A_76 = arith.constant 0 : i32
        %dma_wait3A_77 = tpu.memref_slice %arg4[%dma_wait3A_75, %dma_wait3A_76] : memref<131072x384xf32, #tpu.memory_space<hbm>> -> memref<128x384xf32, #tpu.memory_space<hbm>>
        tpu.wait_dma2 semaphore(%arg10 : memref<!tpu.dma_semaphore, #tpu.memory_space<semaphore_mem>>) src(%arg6 : memref<128x384xf32, #tpu.memory_space<vmem>>) dst(%dma_wait3A_77 : memref<128x384xf32, #tpu.memory_space<hbm>>)
      } else {
      }
      %add3A_24 = arith.constant 0 : i32
      %add3A_25 = arith.addi %mul3A_21, %add3A_24 : i32
      %mul3A_26 = arith.constant 128 : i32
      %mul3A_27 = arith.muli %add3A_25, %mul3A_26 : i32
      %dma_start3A = tpu.memref_slice %arg5[%mul3A_27] : memref<4096xi32, #tpu.memory_space<vmem>> -> memref<128xi32, #tpu.memory_space<vmem>>
      %dma_start3A_28 = arith.constant 0 : i32
      %dma_start3A_29 = arith.constant 0 : i32
      %dma_start3A_30 = tpu.memref_slice %arg2[%dma_start3A_28, %dma_start3A_29] : memref<8192x384xf32, #tpu.memory_space<hbm>> -> memref<8192x384xf32, #tpu.memory_space<hbm>>
      tpu.enqueue_indirect_dma source(%dma_start3A_30 : memref<8192x384xf32, #tpu.memory_space<hbm>>) target(%arg6 : memref<128x384xf32, #tpu.memory_space<vmem>>) offsets(%dma_start3A : memref<128xi32, #tpu.memory_space<vmem>>) semaphore(%arg8 : memref<!tpu.dma_semaphore, #tpu.memory_space<semaphore_mem>>)
      %gt3A_31 = arith.constant 0 : i32
      %gt3A_32 = arith.cmpi sgt, %scan3A_19, %gt3A_31 : i32
      %convert_element_type3A_33 = arith.extui %gt3A_32 : i1 to i32
      %cond3A_34 = arith.constant 0 : i32
      %cond3A_35 = arith.cmpi ne, %convert_element_type3A_33, %cond3A_34 : i32
      scf.if %cond3A_35 {
        %dma_wait3A_72 = arith.constant 0 : i32
        %dma_wait3A_73 = arith.constant 0 : i32
        %dma_wait3A_74 = tpu.memref_slice %arg4[%dma_wait3A_72, %dma_wait3A_73] : memref<131072x384xf32, #tpu.memory_space<hbm>> -> memref<128x384xf32, #tpu.memory_space<hbm>>
        %dma_wait3A_75 = arith.constant 0 : i32
        %dma_wait3A_76 = arith.constant 0 : i32
        %dma_wait3A_77 = tpu.memref_slice %arg4[%dma_wait3A_75, %dma_wait3A_76] : memref<131072x384xf32, #tpu.memory_space<hbm>> -> memref<128x384xf32, #tpu.memory_space<hbm>>
        tpu.wait_dma2 semaphore(%arg11 : memref<!tpu.dma_semaphore, #tpu.memory_space<semaphore_mem>>) src(%arg7 : memref<128x384xf32, #tpu.memory_space<vmem>>) dst(%dma_wait3A_77 : memref<128x384xf32, #tpu.memory_space<hbm>>)
      } else {
      }
      %add3A_36 = arith.constant 1 : i32
      %add3A_37 = arith.addi %mul3A_21, %add3A_36 : i32
      %mul3A_38 = arith.constant 128 : i32
      %mul3A_39 = arith.muli %add3A_37, %mul3A_38 : i32
      %dma_start3A_40 = tpu.memref_slice %arg5[%mul3A_39] : memref<4096xi32, #tpu.memory_space<vmem>> -> memref<128xi32, #tpu.memory_space<vmem>>
      %dma_start3A_41 = arith.constant 0 : i32
      %dma_start3A_42 = arith.constant 0 : i32
      %dma_start3A_43 = tpu.memref_slice %arg2[%dma_start3A_41, %dma_start3A_42] : memref<8192x384xf32, #tpu.memory_space<hbm>> -> memref<8192x384xf32, #tpu.memory_space<hbm>>
      tpu.enqueue_indirect_dma source(%dma_start3A_43 : memref<8192x384xf32, #tpu.memory_space<hbm>>) target(%arg7 : memref<128x384xf32, #tpu.memory_space<vmem>>) offsets(%dma_start3A_40 : memref<128xi32, #tpu.memory_space<vmem>>) semaphore(%arg9 : memref<!tpu.dma_semaphore, #tpu.memory_space<semaphore_mem>>)
      %dma_wait3A_44 = arith.constant 0 : i32
      %dma_wait3A_45 = tpu.memref_slice %arg5[%dma_wait3A_44] : memref<4096xi32, #tpu.memory_space<vmem>> -> memref<128xi32, #tpu.memory_space<vmem>>
      %dma_wait3A_46 = arith.constant 0 : i32
      %dma_wait3A_47 = arith.constant 0 : i32
      %dma_wait3A_48 = tpu.memref_slice %arg2[%dma_wait3A_46, %dma_wait3A_47] : memref<8192x384xf32, #tpu.memory_space<hbm>> -> memref<8192x384xf32, #tpu.memory_space<hbm>>
      tpu.wait_indirect_dma semaphore(%arg8 : memref<!tpu.dma_semaphore, #tpu.memory_space<semaphore_mem>>) src(%dma_wait3A_48 : memref<8192x384xf32, #tpu.memory_space<hbm>>) dst(%arg6 : memref<128x384xf32, #tpu.memory_space<vmem>>)
      %add3A_49 = arith.constant 0 : i32
      %add3A_50 = arith.addi %mul3A_21, %add3A_49 : i32
      %mul3A_51 = arith.constant 128 : i32
      %mul3A_52 = arith.muli %add3A_50, %mul3A_51 : i32
      %add3A_53 = arith.addi %mul3A_2, %mul3A_52 : i32
      %dma_start3A_54 = arith.constant 0 : i32
      %dma_start3A_55 = tpu.memref_slice %arg4[%add3A_53, %dma_start3A_54] : memref<131072x384xf32, #tpu.memory_space<hbm>> -> memref<128x384xf32, #tpu.memory_space<hbm>>
      %dma_start3A_56 = arith.constant 0 : i32
      %dma_start3A_57 = tpu.memref_slice %arg4[%add3A_53, %dma_start3A_56] : memref<131072x384xf32, #tpu.memory_space<hbm>> -> memref<128x384xf32, #tpu.memory_space<hbm>>
      tpu.enqueue_dma source(%arg6 : memref<128x384xf32, #tpu.memory_space<vmem>>) target(%dma_start3A_57 : memref<128x384xf32, #tpu.memory_space<hbm>>) target_semaphore(%arg10 : memref<!tpu.dma_semaphore, #tpu.memory_space<semaphore_mem>>)
      %dma_wait3A_58 = arith.constant 0 : i32
      %dma_wait3A_59 = tpu.memref_slice %arg5[%dma_wait3A_58] : memref<4096xi32, #tpu.memory_space<vmem>> -> memref<128xi32, #tpu.memory_space<vmem>>
      %dma_wait3A_60 = arith.constant 0 : i32
      %dma_wait3A_61 = arith.constant 0 : i32
      %dma_wait3A_62 = tpu.memref_slice %arg2[%dma_wait3A_60, %dma_wait3A_61] : memref<8192x384xf32, #tpu.memory_space<hbm>> -> memref<8192x384xf32, #tpu.memory_space<hbm>>
      tpu.wait_indirect_dma semaphore(%arg9 : memref<!tpu.dma_semaphore, #tpu.memory_space<semaphore_mem>>) src(%dma_wait3A_62 : memref<8192x384xf32, #tpu.memory_space<hbm>>) dst(%arg7 : memref<128x384xf32, #tpu.memory_space<vmem>>)
      %add3A_63 = arith.constant 1 : i32
      %add3A_64 = arith.addi %mul3A_21, %add3A_63 : i32
      %mul3A_65 = arith.constant 128 : i32
      %mul3A_66 = arith.muli %add3A_64, %mul3A_65 : i32
      %add3A_67 = arith.addi %mul3A_2, %mul3A_66 : i32
      %dma_start3A_68 = arith.constant 0 : i32
      %dma_start3A_69 = tpu.memref_slice %arg4[%add3A_67, %dma_start3A_68] : memref<131072x384xf32, #tpu.memory_space<hbm>> -> memref<128x384xf32, #tpu.memory_space<hbm>>
      %dma_start3A_70 = arith.constant 0 : i32
      %dma_start3A_71 = tpu.memref_slice %arg4[%add3A_67, %dma_start3A_70] : memref<131072x384xf32, #tpu.memory_space<hbm>> -> memref<128x384xf32, #tpu.memory_space<hbm>>
      tpu.enqueue_dma source(%arg7 : memref<128x384xf32, #tpu.memory_space<vmem>>) target(%dma_start3A_71 : memref<128x384xf32, #tpu.memory_space<hbm>>) target_semaphore(%arg11 : memref<!tpu.dma_semaphore, #tpu.memory_space<semaphore_mem>>)
    }
    %scan3A_7 = arith.constant 16 : i32
    %dma_wait3A = arith.constant 0 : i32
    %dma_wait3A_8 = arith.constant 0 : i32
    %dma_wait3A_9 = tpu.memref_slice %arg4[%dma_wait3A, %dma_wait3A_8] : memref<131072x384xf32, #tpu.memory_space<hbm>> -> memref<128x384xf32, #tpu.memory_space<hbm>>
    %dma_wait3A_10 = arith.constant 0 : i32
    %dma_wait3A_11 = arith.constant 0 : i32
    %dma_wait3A_12 = tpu.memref_slice %arg4[%dma_wait3A_10, %dma_wait3A_11] : memref<131072x384xf32, #tpu.memory_space<hbm>> -> memref<128x384xf32, #tpu.memory_space<hbm>>
    tpu.wait_dma2 semaphore(%arg10 : memref<!tpu.dma_semaphore, #tpu.memory_space<semaphore_mem>>) src(%arg6 : memref<128x384xf32, #tpu.memory_space<vmem>>) dst(%dma_wait3A_12 : memref<128x384xf32, #tpu.memory_space<hbm>>)
    %dma_wait3A_13 = arith.constant 0 : i32
    %dma_wait3A_14 = arith.constant 0 : i32
    %dma_wait3A_15 = tpu.memref_slice %arg4[%dma_wait3A_13, %dma_wait3A_14] : memref<131072x384xf32, #tpu.memory_space<hbm>> -> memref<128x384xf32, #tpu.memory_space<hbm>>
    %dma_wait3A_16 = arith.constant 0 : i32
    %dma_wait3A_17 = arith.constant 0 : i32
    %dma_wait3A_18 = tpu.memref_slice %arg4[%dma_wait3A_16, %dma_wait3A_17] : memref<131072x384xf32, #tpu.memory_space<hbm>> -> memref<128x384xf32, #tpu.memory_space<hbm>>
    tpu.wait_dma2 semaphore(%arg11 : memref<!tpu.dma_semaphore, #tpu.memory_space<semaphore_mem>>) src(%arg7 : memref<128x384xf32, #tpu.memory_space<vmem>>) dst(%dma_wait3A_18 : memref<128x384xf32, #tpu.memory_space<hbm>>)
    return
  }
}

#map = affine_map<(d0, d1) -> (0, 0)>
module attributes {stable_mosaic.version = 14 : i64} {
  func.func @knn(%arg0: i32, %arg1: i32, %arg2: memref<8192x4096xf32, #tpu.memory_space<hbm>>, %arg3: memref<8192x16xf32, #tpu.memory_space<hbm>>, %arg4: memref<8192x16xi32, #tpu.memory_space<hbm>>, %arg5: memref<2x4096xf32, #tpu.memory_space<vmem>>, %arg6: memref<256x16xf32, #tpu.memory_space<vmem>>, %arg7: memref<4112xf32, #tpu.memory_space<vmem>>, %arg8: memref<4112xi32, #tpu.memory_space<vmem>>, %arg9: memref<16xi32, #tpu.memory_space<vmem>>, %arg10: memref<!tpu.dma_semaphore, #tpu.memory_space<semaphore_mem>>, %arg11: memref<!tpu.dma_semaphore, #tpu.memory_space<semaphore_mem>>, %arg12: memref<!tpu.dma_semaphore, #tpu.memory_space<semaphore_mem>>) attributes {dimension_semantics = [#tpu.dimension_semantics<core_parallel>, #tpu.dimension_semantics<subcore_parallel>], iteration_bounds = array<i64: 2, 16>, scalar_prefetch = 0 : i64, scratch_operands = 8 : i64, tpu.core_type = #tpu.core_type<sc_vector_subcore>, window_params = [{transform_indices = #map}, {transform_indices = #map}, {transform_indices = #map}]} {
    %mul3A = arith.constant 2 : i32
    %mul3A_0 = arith.muli %arg1, %mul3A : i32
    %add3A = arith.addi %mul3A_0, %arg0 : i32
    %mul3A_1 = arith.constant 256 : i32
    %mul3A_2 = arith.muli %add3A, %mul3A_1 : i32
    %jit3A = arith.constant 16 : i32
    %div3A = arith.divsi %add3A, %jit3A : i32
    %sign3A = arith.constant 0 : i32
    %sign3A_3 = arith.cmpi sgt, %add3A, %sign3A : i32
    %sign3A_4 = arith.extui %sign3A_3 : i1 to i32
    %sign3A_5 = arith.constant 0 : i32
    %sign3A_6 = arith.cmpi slt, %add3A, %sign3A_5 : i32
    %sign3A_7 = arith.extui %sign3A_6 : i1 to i32
    %sign3A_8 = arith.subi %sign3A_4, %sign3A_7 : i32
    %sign3A_9 = arith.constant 0 : i32
    %sign3A_10 = arith.cmpi sgt, %jit3A, %sign3A_9 : i32
    %sign3A_11 = arith.extui %sign3A_10 : i1 to i32
    %sign3A_12 = arith.constant 0 : i32
    %sign3A_13 = arith.cmpi slt, %jit3A, %sign3A_12 : i32
    %sign3A_14 = arith.extui %sign3A_13 : i1 to i32
    %sign3A_15 = arith.subi %sign3A_11, %sign3A_14 : i32
    %ne3A = arith.cmpi ne, %sign3A_8, %sign3A_15 : i32
    %rem3A = arith.remsi %add3A, %jit3A : i32
    %ne3A_16 = arith.constant 0 : i32
    %ne3A_17 = arith.cmpi ne, %rem3A, %ne3A_16 : i32
    %and3A = arith.andi %ne3A, %ne3A_17 : i1
    %sub3A = arith.constant 1 : i32
    %sub3A_18 = arith.subi %div3A, %sub3A : i32
    %select_n3A = arith.select %and3A, %sub3A_18, %div3A : i32
    %mul3A_19 = arith.constant 4096 : i32
    %mul3A_20 = arith.muli %select_n3A, %mul3A_19 : i32
    "tpu.region"() ({
      %run_scoped3A = tpu.sem_alloc : memref<!tpu.dma_semaphore, #tpu.memory_space<semaphore_mem>>
      %dma_start3A_38 = arith.constant 0 : i32
      %dma_start3A_39 = tpu.memref_slice %arg3[%mul3A_2, %dma_start3A_38] : memref<8192x16xf32, #tpu.memory_space<hbm>> -> memref<256x16xf32, #tpu.memory_space<hbm>>
      %dma_start3A_40 = arith.constant 0 : i32
      %dma_start3A_41 = tpu.memref_slice %arg3[%mul3A_2, %dma_start3A_40] : memref<8192x16xf32, #tpu.memory_space<hbm>> -> memref<256x16xf32, #tpu.memory_space<hbm>>
      tpu.enqueue_dma source(%dma_start3A_41 : memref<256x16xf32, #tpu.memory_space<hbm>>) target(%arg6 : memref<256x16xf32, #tpu.memory_space<vmem>>) target_semaphore(%run_scoped3A : memref<!tpu.dma_semaphore, #tpu.memory_space<semaphore_mem>>)
      %dma_wait3A = arith.constant 0 : i32
      %dma_wait3A_42 = tpu.memref_slice %arg3[%mul3A_2, %dma_wait3A] : memref<8192x16xf32, #tpu.memory_space<hbm>> -> memref<256x16xf32, #tpu.memory_space<hbm>>
      %dma_wait3A_43 = arith.constant 0 : i32
      %dma_wait3A_44 = tpu.memref_slice %arg3[%mul3A_2, %dma_wait3A_43] : memref<8192x16xf32, #tpu.memory_space<hbm>> -> memref<256x16xf32, #tpu.memory_space<hbm>>
      tpu.wait_dma2 semaphore(%run_scoped3A : memref<!tpu.dma_semaphore, #tpu.memory_space<semaphore_mem>>) src(%dma_wait3A_44 : memref<256x16xf32, #tpu.memory_space<hbm>>) dst(%arg6 : memref<256x16xf32, #tpu.memory_space<vmem>>)
      tpu.yield
    }) : () -> ()
    %dma_start3A = arith.constant 0 : i32
    %dma_start3A_21 = arith.constant 0 : i32
    %dma_start3A_22 = tpu.memref_slice %arg5[%dma_start3A, %dma_start3A_21] : memref<2x4096xf32, #tpu.memory_space<vmem>> -> memref<1x4096xf32, #tpu.memory_space<vmem>>
    %dma_start3A_23 = tpu.memref_squeeze %dma_start3A_22 : memref<1x4096xf32, #tpu.memory_space<vmem>> -> memref<4096xf32, #tpu.memory_space<vmem>>
    %dma_start3A_24 = arith.constant 0 : i32
    %dma_start3A_25 = tpu.memref_slice %arg2[%mul3A_2, %dma_start3A_24] : memref<8192x4096xf32, #tpu.memory_space<hbm>> -> memref<1x4096xf32, #tpu.memory_space<hbm>>
    %dma_start3A_26 = tpu.memref_squeeze %dma_start3A_25 : memref<1x4096xf32, #tpu.memory_space<hbm>> -> memref<4096xf32, #tpu.memory_space<hbm>>
    %dma_start3A_27 = arith.constant 0 : i32
    %dma_start3A_28 = tpu.memref_slice %arg5[%dma_start3A, %dma_start3A_27] : memref<2x4096xf32, #tpu.memory_space<vmem>> -> memref<1x4096xf32, #tpu.memory_space<vmem>>
    %dma_start3A_29 = tpu.memref_squeeze %dma_start3A_28 : memref<1x4096xf32, #tpu.memory_space<vmem>> -> memref<4096xf32, #tpu.memory_space<vmem>>
    %dma_start3A_30 = arith.constant 0 : i32
    %dma_start3A_31 = tpu.memref_slice %arg2[%mul3A_2, %dma_start3A_30] : memref<8192x4096xf32, #tpu.memory_space<hbm>> -> memref<1x4096xf32, #tpu.memory_space<hbm>>
    %dma_start3A_32 = tpu.memref_squeeze %dma_start3A_31 : memref<1x4096xf32, #tpu.memory_space<hbm>> -> memref<4096xf32, #tpu.memory_space<hbm>>
    tpu.enqueue_dma source(%dma_start3A_32 : memref<4096xf32, #tpu.memory_space<hbm>>) target(%dma_start3A_29 : memref<4096xf32, #tpu.memory_space<vmem>>) target_semaphore(%arg10 : memref<!tpu.dma_semaphore, #tpu.memory_space<semaphore_mem>>)
    %scan3A = arith.constant 0 : i32
    %scan3A_33 = arith.constant 0 : i32
    %scan3A_34 = arith.constant 128 : i32
    %scan3A_35 = arith.addi %scan3A_33, %scan3A_34 : i32
    %scan3A_36 = arith.constant 1 : i32
    scf.for %scan3A_38 = %scan3A_33 to %scan3A_35 step %scan3A_36  : i32 {
      %mul3A_39 = arith.constant 2 : i32
      %mul3A_40 = arith.muli %mul3A_39, %scan3A_38 : i32
      %add3A_41 = arith.addi %mul3A_2, %mul3A_40 : i32
      %add3A_42 = arith.constant 1 : i32
      %add3A_43 = arith.addi %add3A_41, %add3A_42 : i32
      %dma_start3A_44 = arith.constant 1 : i32
      %dma_start3A_45 = arith.constant 0 : i32
      %dma_start3A_46 = tpu.memref_slice %arg5[%dma_start3A_44, %dma_start3A_45] : memref<2x4096xf32, #tpu.memory_space<vmem>> -> memref<1x4096xf32, #tpu.memory_space<vmem>>
      %dma_start3A_47 = tpu.memref_squeeze %dma_start3A_46 : memref<1x4096xf32, #tpu.memory_space<vmem>> -> memref<4096xf32, #tpu.memory_space<vmem>>
      %dma_start3A_48 = arith.constant 0 : i32
      %dma_start3A_49 = tpu.memref_slice %arg2[%add3A_43, %dma_start3A_48] : memref<8192x4096xf32, #tpu.memory_space<hbm>> -> memref<1x4096xf32, #tpu.memory_space<hbm>>
      %dma_start3A_50 = tpu.memref_squeeze %dma_start3A_49 : memref<1x4096xf32, #tpu.memory_space<hbm>> -> memref<4096xf32, #tpu.memory_space<hbm>>
      %dma_start3A_51 = arith.constant 0 : i32
      %dma_start3A_52 = tpu.memref_slice %arg5[%dma_start3A_44, %dma_start3A_51] : memref<2x4096xf32, #tpu.memory_space<vmem>> -> memref<1x4096xf32, #tpu.memory_space<vmem>>
      %dma_start3A_53 = tpu.memref_squeeze %dma_start3A_52 : memref<1x4096xf32, #tpu.memory_space<vmem>> -> memref<4096xf32, #tpu.memory_space<vmem>>
      %dma_start3A_54 = arith.constant 0 : i32
      %dma_start3A_55 = tpu.memref_slice %arg2[%add3A_43, %dma_start3A_54] : memref<8192x4096xf32, #tpu.memory_space<hbm>> -> memref<1x4096xf32, #tpu.memory_space<hbm>>
      %dma_start3A_56 = tpu.memref_squeeze %dma_start3A_55 : memref<1x4096xf32, #tpu.memory_space<hbm>> -> memref<4096xf32, #tpu.memory_space<hbm>>
      tpu.enqueue_dma source(%dma_start3A_56 : memref<4096xf32, #tpu.memory_space<hbm>>) target(%dma_start3A_53 : memref<4096xf32, #tpu.memory_space<vmem>>) target_semaphore(%arg11 : memref<!tpu.dma_semaphore, #tpu.memory_space<semaphore_mem>>)
      %dma_wait3A = arith.constant 0 : i32
      %dma_wait3A_57 = arith.constant 0 : i32
      %dma_wait3A_58 = arith.constant 0 : i32
      %dma_wait3A_59 = tpu.memref_slice %arg5[%dma_wait3A_57, %dma_wait3A_58] : memref<2x4096xf32, #tpu.memory_space<vmem>> -> memref<1x4096xf32, #tpu.memory_space<vmem>>
      %dma_wait3A_60 = tpu.memref_squeeze %dma_wait3A_59 : memref<1x4096xf32, #tpu.memory_space<vmem>> -> memref<4096xf32, #tpu.memory_space<vmem>>
      %dma_wait3A_61 = arith.constant 0 : i32
      %dma_wait3A_62 = tpu.memref_slice %arg2[%dma_wait3A, %dma_wait3A_61] : memref<8192x4096xf32, #tpu.memory_space<hbm>> -> memref<1x4096xf32, #tpu.memory_space<hbm>>
      %dma_wait3A_63 = tpu.memref_squeeze %dma_wait3A_62 : memref<1x4096xf32, #tpu.memory_space<hbm>> -> memref<4096xf32, #tpu.memory_space<hbm>>
      %dma_wait3A_64 = arith.constant 0 : i32
      %dma_wait3A_65 = tpu.memref_slice %arg5[%dma_wait3A_57, %dma_wait3A_64] : memref<2x4096xf32, #tpu.memory_space<vmem>> -> memref<1x4096xf32, #tpu.memory_space<vmem>>
      %dma_wait3A_66 = tpu.memref_squeeze %dma_wait3A_65 : memref<1x4096xf32, #tpu.memory_space<vmem>> -> memref<4096xf32, #tpu.memory_space<vmem>>
      %dma_wait3A_67 = arith.constant 0 : i32
      %dma_wait3A_68 = tpu.memref_slice %arg2[%dma_wait3A, %dma_wait3A_67] : memref<8192x4096xf32, #tpu.memory_space<hbm>> -> memref<1x4096xf32, #tpu.memory_space<hbm>>
      %dma_wait3A_69 = tpu.memref_squeeze %dma_wait3A_68 : memref<1x4096xf32, #tpu.memory_space<hbm>> -> memref<4096xf32, #tpu.memory_space<hbm>>
      tpu.wait_dma2 semaphore(%arg10 : memref<!tpu.dma_semaphore, #tpu.memory_space<semaphore_mem>>) src(%dma_wait3A_69 : memref<4096xf32, #tpu.memory_space<hbm>>) dst(%dma_wait3A_66 : memref<4096xf32, #tpu.memory_space<vmem>>)
      %get3A = arith.index_cast %mul3A_40 : i32 to index
      %get3A_70 = arith.constant 0 : index
      %get3A_71 = tpu.vector_load %arg6[%get3A, %get3A_70] {strides = array<i32>} : memref<256x16xf32, #tpu.memory_space<vmem>>, vector<16xf32>,
      %iota3A = tpu.iota {dimensions = array<i32: 0>} : vector<16xi32>
      %scan3A_72 = arith.constant 0 : i32
      %scan3A_73 = arith.constant 0 : i32
      %scan3A_74 = arith.constant 32 : i32
      %scan3A_75 = arith.addi %scan3A_73, %scan3A_74 : i32
      %scan3A_76 = arith.constant 1 : i32
      %scan3A_77 = scf.for %scan3A_231 = %scan3A_73 to %scan3A_75 step %scan3A_76 iter_args(%scan3A_232 = %scan3A_72) -> (i32)  : i32 {
        %mul3A_233 = arith.constant 8 : i32
        %mul3A_234 = arith.muli %scan3A_231, %mul3A_233 : i32
        %add3A_235 = arith.constant 0 : i32
        %add3A_236 = arith.addi %mul3A_234, %add3A_235 : i32
        %mul3A_237 = arith.constant 16 : i32
        %mul3A_238 = arith.muli %add3A_236, %mul3A_237 : i32
        %get3A_239 = arith.constant 0 : i32
        %get3A_240 = arith.index_cast %get3A_239 : i32 to index
        %get3A_241 = arith.index_cast %mul3A_238 : i32 to index
        %get3A_242 = tpu.vector_load %arg5[%get3A_240, %get3A_241] {strides = array<i32>} : memref<2x4096xf32, #tpu.memory_space<vmem>>, vector<16xf32>,
        %le3A = arith.cmpf ole, %get3A_242, %get3A_71 : vector<16xf32>
        %add3A_243 = arith.constant 1 : i32
        %add3A_244 = arith.addi %mul3A_234, %add3A_243 : i32
        %mul3A_245 = arith.constant 16 : i32
        %mul3A_246 = arith.muli %add3A_244, %mul3A_245 : i32
        %get3A_247 = arith.constant 0 : i32
        %get3A_248 = arith.index_cast %get3A_247 : i32 to index
        %get3A_249 = arith.index_cast %mul3A_246 : i32 to index
        %get3A_250 = tpu.vector_load %arg5[%get3A_248, %get3A_249] {strides = array<i32>} : memref<2x4096xf32, #tpu.memory_space<vmem>>, vector<16xf32>,
        %le3A_251 = arith.cmpf ole, %get3A_250, %get3A_71 : vector<16xf32>
        %add3A_252 = arith.constant 2 : i32
        %add3A_253 = arith.addi %mul3A_234, %add3A_252 : i32
        %mul3A_254 = arith.constant 16 : i32
        %mul3A_255 = arith.muli %add3A_253, %mul3A_254 : i32
        %get3A_256 = arith.constant 0 : i32
        %get3A_257 = arith.index_cast %get3A_256 : i32 to index
        %get3A_258 = arith.index_cast %mul3A_255 : i32 to index
        %get3A_259 = tpu.vector_load %arg5[%get3A_257, %get3A_258] {strides = array<i32>} : memref<2x4096xf32, #tpu.memory_space<vmem>>, vector<16xf32>,
        %le3A_260 = arith.cmpf ole, %get3A_259, %get3A_71 : vector<16xf32>
        %add3A_261 = arith.constant 3 : i32
        %add3A_262 = arith.addi %mul3A_234, %add3A_261 : i32
        %mul3A_263 = arith.constant 16 : i32
        %mul3A_264 = arith.muli %add3A_262, %mul3A_263 : i32
        %get3A_265 = arith.constant 0 : i32
        %get3A_266 = arith.index_cast %get3A_265 : i32 to index
        %get3A_267 = arith.index_cast %mul3A_264 : i32 to index
        %get3A_268 = tpu.vector_load %arg5[%get3A_266, %get3A_267] {strides = array<i32>} : memref<2x4096xf32, #tpu.memory_space<vmem>>, vector<16xf32>,
        %le3A_269 = arith.cmpf ole, %get3A_268, %get3A_71 : vector<16xf32>
        %add3A_270 = arith.constant 4 : i32
        %add3A_271 = arith.addi %mul3A_234, %add3A_270 : i32
        %mul3A_272 = arith.constant 16 : i32
        %mul3A_273 = arith.muli %add3A_271, %mul3A_272 : i32
        %get3A_274 = arith.constant 0 : i32
        %get3A_275 = arith.index_cast %get3A_274 : i32 to index
        %get3A_276 = arith.index_cast %mul3A_273 : i32 to index
        %get3A_277 = tpu.vector_load %arg5[%get3A_275, %get3A_276] {strides = array<i32>} : memref<2x4096xf32, #tpu.memory_space<vmem>>, vector<16xf32>,
        %le3A_278 = arith.cmpf ole, %get3A_277, %get3A_71 : vector<16xf32>
        %add3A_279 = arith.constant 5 : i32
        %add3A_280 = arith.addi %mul3A_234, %add3A_279 : i32
        %mul3A_281 = arith.constant 16 : i32
        %mul3A_282 = arith.muli %add3A_280, %mul3A_281 : i32
        %get3A_283 = arith.constant 0 : i32
        %get3A_284 = arith.index_cast %get3A_283 : i32 to index
        %get3A_285 = arith.index_cast %mul3A_282 : i32 to index
        %get3A_286 = tpu.vector_load %arg5[%get3A_284, %get3A_285] {strides = array<i32>} : memref<2x4096xf32, #tpu.memory_space<vmem>>, vector<16xf32>,
        %le3A_287 = arith.cmpf ole, %get3A_286, %get3A_71 : vector<16xf32>
        %add3A_288 = arith.constant 6 : i32
        %add3A_289 = arith.addi %mul3A_234, %add3A_288 : i32
        %mul3A_290 = arith.constant 16 : i32
        %mul3A_291 = arith.muli %add3A_289, %mul3A_290 : i32
        %get3A_292 = arith.constant 0 : i32
        %get3A_293 = arith.index_cast %get3A_292 : i32 to index
        %get3A_294 = arith.index_cast %mul3A_291 : i32 to index
        %get3A_295 = tpu.vector_load %arg5[%get3A_293, %get3A_294] {strides = array<i32>} : memref<2x4096xf32, #tpu.memory_space<vmem>>, vector<16xf32>,
        %le3A_296 = arith.cmpf ole, %get3A_295, %get3A_71 : vector<16xf32>
        %add3A_297 = arith.constant 7 : i32
        %add3A_298 = arith.addi %mul3A_234, %add3A_297 : i32
        %mul3A_299 = arith.constant 16 : i32
        %mul3A_300 = arith.muli %add3A_298, %mul3A_299 : i32
        %get3A_301 = arith.constant 0 : i32
        %get3A_302 = arith.index_cast %get3A_301 : i32 to index
        %get3A_303 = arith.index_cast %mul3A_300 : i32 to index
        %get3A_304 = tpu.vector_load %arg5[%get3A_302, %get3A_303] {strides = array<i32>} : memref<2x4096xf32, #tpu.memory_space<vmem>>, vector<16xf32>,
        %le3A_305 = arith.cmpf ole, %get3A_304, %get3A_71 : vector<16xf32>
        %or3A = arith.ori %le3A, %le3A_251 : vector<16xi1>
        %or3A_306 = arith.ori %or3A, %le3A_260 : vector<16xi1>
        %or3A_307 = arith.ori %or3A_306, %le3A_269 : vector<16xi1>
        %or3A_308 = arith.ori %or3A_307, %le3A_278 : vector<16xi1>
        %or3A_309 = arith.ori %or3A_308, %le3A_287 : vector<16xi1>
        %or3A_310 = arith.ori %or3A_309, %le3A_296 : vector<16xi1>
        %or3A_311 = arith.ori %or3A_310, %le3A_305 : vector<16xi1>
        %all_reduce_population_count3A = tpu.all_reduce %or3A_311 {dim = 0 : i64, kind = #tpu.reduction_kind<sum>} : vector<16xi1> -> vector<16xi32>
        %slice3A = vector.extract_strided_slice %all_reduce_population_count3A {offsets = [0], sizes = [1], strides = [1]} : vector<16xi32> to vector<1xi32>
        %squeeze3A = vector.extract %slice3A[0] : i32 from vector<1xi32>
        %gt3A = arith.constant 0 : i32
        %gt3A_312 = arith.cmpi sgt, %squeeze3A, %gt3A : i32
        %convert_element_type3A_313 = arith.extui %gt3A_312 : i1 to i32
        %cond3A_314 = arith.constant 0 : i32
        %cond3A_315 = arith.cmpi ne, %convert_element_type3A_313, %cond3A_314 : i32
        %cond3A_316 = scf.if %cond3A_315 -> (i32) {
          %all_reduce_population_count3A_317 = tpu.all_reduce %le3A {dim = 0 : i64, kind = #tpu.reduction_kind<sum>} : vector<16xi1> -> vector<16xi32>
          %slice3A_318 = vector.extract_strided_slice %all_reduce_population_count3A_317 {offsets = [0], sizes = [1], strides = [1]} : vector<16xi32> to vector<1xi32>
          %squeeze3A_319 = vector.extract %slice3A_318[0] : i32 from vector<1xi32>
          %all_reduce_population_count3A_320 = tpu.all_reduce %le3A_251 {dim = 0 : i64, kind = #tpu.reduction_kind<sum>} : vector<16xi1> -> vector<16xi32>
          %slice3A_321 = vector.extract_strided_slice %all_reduce_population_count3A_320 {offsets = [0], sizes = [1], strides = [1]} : vector<16xi32> to vector<1xi32>
          %squeeze3A_322 = vector.extract %slice3A_321[0] : i32 from vector<1xi32>
          %all_reduce_population_count3A_323 = tpu.all_reduce %le3A_260 {dim = 0 : i64, kind = #tpu.reduction_kind<sum>} : vector<16xi1> -> vector<16xi32>
          %slice3A_324 = vector.extract_strided_slice %all_reduce_population_count3A_323 {offsets = [0], sizes = [1], strides = [1]} : vector<16xi32> to vector<1xi32>
          %squeeze3A_325 = vector.extract %slice3A_324[0] : i32 from vector<1xi32>
          %all_reduce_population_count3A_326 = tpu.all_reduce %le3A_269 {dim = 0 : i64, kind = #tpu.reduction_kind<sum>} : vector<16xi1> -> vector<16xi32>
          %slice3A_327 = vector.extract_strided_slice %all_reduce_population_count3A_326 {offsets = [0], sizes = [1], strides = [1]} : vector<16xi32> to vector<1xi32>
          %squeeze3A_328 = vector.extract %slice3A_327[0] : i32 from vector<1xi32>
          %all_reduce_population_count3A_329 = tpu.all_reduce %le3A_278 {dim = 0 : i64, kind = #tpu.reduction_kind<sum>} : vector<16xi1> -> vector<16xi32>
          %slice3A_330 = vector.extract_strided_slice %all_reduce_population_count3A_329 {offsets = [0], sizes = [1], strides = [1]} : vector<16xi32> to vector<1xi32>
          %squeeze3A_331 = vector.extract %slice3A_330[0] : i32 from vector<1xi32>
          %all_reduce_population_count3A_332 = tpu.all_reduce %le3A_287 {dim = 0 : i64, kind = #tpu.reduction_kind<sum>} : vector<16xi1> -> vector<16xi32>
          %slice3A_333 = vector.extract_strided_slice %all_reduce_population_count3A_332 {offsets = [0], sizes = [1], strides = [1]} : vector<16xi32> to vector<1xi32>
          %squeeze3A_334 = vector.extract %slice3A_333[0] : i32 from vector<1xi32>
          %all_reduce_population_count3A_335 = tpu.all_reduce %le3A_296 {dim = 0 : i64, kind = #tpu.reduction_kind<sum>} : vector<16xi1> -> vector<16xi32>
          %slice3A_336 = vector.extract_strided_slice %all_reduce_population_count3A_335 {offsets = [0], sizes = [1], strides = [1]} : vector<16xi32> to vector<1xi32>
          %squeeze3A_337 = vector.extract %slice3A_336[0] : i32 from vector<1xi32>
          %all_reduce_population_count3A_338 = tpu.all_reduce %le3A_305 {dim = 0 : i64, kind = #tpu.reduction_kind<sum>} : vector<16xi1> -> vector<16xi32>
          %slice3A_339 = vector.extract_strided_slice %all_reduce_population_count3A_338 {offsets = [0], sizes = [1], strides = [1]} : vector<16xi32> to vector<1xi32>
          %squeeze3A_340 = vector.extract %slice3A_339[0] : i32 from vector<1xi32>
          %add3A_341 = arith.constant 0 : i32
          %add3A_342 = arith.addi %mul3A_234, %add3A_341 : i32
          %mul3A_343 = arith.constant 16 : i32
          %mul3A_344 = arith.muli %add3A_342, %mul3A_343 : i32
          %add3A_345 = vector.broadcast %mul3A_344 : i32 to vector<16xi32>
          %add3A_346 = arith.addi %iota3A, %add3A_345 : vector<16xi32>
          %swap3A_347 = arith.index_cast %scan3A_232 : i32 to index
          %swap3A_348 = tpu.vector_load %arg7[%swap3A_347] masked %le3A {strides = array<i32>} : memref<4112xf32, #tpu.memory_space<vmem>>, vector<16xf32>, vector<16xi1>
          tpu.vector_store %arg7[%swap3A_347], %get3A_242 masked %le3A {strides = array<i32>} : memref<4112xf32, #tpu.memory_space<vmem>>, vector<16xf32>, vector<16xi1>
          %swap3A_349 = arith.index_cast %scan3A_232 : i32 to index
          %swap3A_350 = tpu.vector_load %arg8[%swap3A_349] masked %le3A {strides = array<i32>} : memref<4112xi32, #tpu.memory_space<vmem>>, vector<16xi32>, vector<16xi1>
          tpu.vector_store %arg8[%swap3A_349], %add3A_346 masked %le3A {strides = array<i32>} : memref<4112xi32, #tpu.memory_space<vmem>>, vector<16xi32>, vector<16xi1>
          %add3A_351 = arith.addi %scan3A_232, %squeeze3A_319 : i32
          %add3A_352 = arith.constant 1 : i32
          %add3A_353 = arith.addi %mul3A_234, %add3A_352 : i32
          %mul3A_354 = arith.constant 16 : i32
          %mul3A_355 = arith.muli %add3A_353, %mul3A_354 : i32
          %add3A_356 = vector.broadcast %mul3A_355 : i32 to vector<16xi32>
          %add3A_357 = arith.addi %iota3A, %add3A_356 : vector<16xi32>
          %swap3A_358 = arith.index_cast %add3A_351 : i32 to index
          %swap3A_359 = tpu.vector_load %arg7[%swap3A_358] masked %le3A_251 {strides = array<i32>} : memref<4112xf32, #tpu.memory_space<vmem>>, vector<16xf32>, vector<16xi1>
          tpu.vector_store %arg7[%swap3A_358], %get3A_250 masked %le3A_251 {strides = array<i32>} : memref<4112xf32, #tpu.memory_space<vmem>>, vector<16xf32>, vector<16xi1>
          %swap3A_360 = arith.index_cast %add3A_351 : i32 to index
          %swap3A_361 = tpu.vector_load %arg8[%swap3A_360] masked %le3A_251 {strides = array<i32>} : memref<4112xi32, #tpu.memory_space<vmem>>, vector<16xi32>, vector<16xi1>
          tpu.vector_store %arg8[%swap3A_360], %add3A_357 masked %le3A_251 {strides = array<i32>} : memref<4112xi32, #tpu.memory_space<vmem>>, vector<16xi32>, vector<16xi1>
          %add3A_362 = arith.addi %add3A_351, %squeeze3A_322 : i32
          %add3A_363 = arith.constant 2 : i32
          %add3A_364 = arith.addi %mul3A_234, %add3A_363 : i32
          %mul3A_365 = arith.constant 16 : i32
          %mul3A_366 = arith.muli %add3A_364, %mul3A_365 : i32
          %add3A_367 = vector.broadcast %mul3A_366 : i32 to vector<16xi32>
          %add3A_368 = arith.addi %iota3A, %add3A_367 : vector<16xi32>
          %swap3A_369 = arith.index_cast %add3A_362 : i32 to index
          %swap3A_370 = tpu.vector_load %arg7[%swap3A_369] masked %le3A_260 {strides = array<i32>} : memref<4112xf32, #tpu.memory_space<vmem>>, vector<16xf32>, vector<16xi1>
          tpu.vector_store %arg7[%swap3A_369], %get3A_259 masked %le3A_260 {strides = array<i32>} : memref<4112xf32, #tpu.memory_space<vmem>>, vector<16xf32>, vector<16xi1>
          %swap3A_371 = arith.index_cast %add3A_362 : i32 to index
          %swap3A_372 = tpu.vector_load %arg8[%swap3A_371] masked %le3A_260 {strides = array<i32>} : memref<4112xi32, #tpu.memory_space<vmem>>, vector<16xi32>, vector<16xi1>
          tpu.vector_store %arg8[%swap3A_371], %add3A_368 masked %le3A_260 {strides = array<i32>} : memref<4112xi32, #tpu.memory_space<vmem>>, vector<16xi32>, vector<16xi1>
          %add3A_373 = arith.addi %add3A_362, %squeeze3A_325 : i32
          %add3A_374 = arith.constant 3 : i32
          %add3A_375 = arith.addi %mul3A_234, %add3A_374 : i32
          %mul3A_376 = arith.constant 16 : i32
          %mul3A_377 = arith.muli %add3A_375, %mul3A_376 : i32
          %add3A_378 = vector.broadcast %mul3A_377 : i32 to vector<16xi32>
          %add3A_379 = arith.addi %iota3A, %add3A_378 : vector<16xi32>
          %swap3A_380 = arith.index_cast %add3A_373 : i32 to index
          %swap3A_381 = tpu.vector_load %arg7[%swap3A_380] masked %le3A_269 {strides = array<i32>} : memref<4112xf32, #tpu.memory_space<vmem>>, vector<16xf32>, vector<16xi1>
          tpu.vector_store %arg7[%swap3A_380], %get3A_268 masked %le3A_269 {strides = array<i32>} : memref<4112xf32, #tpu.memory_space<vmem>>, vector<16xf32>, vector<16xi1>
          %swap3A_382 = arith.index_cast %add3A_373 : i32 to index
          %swap3A_383 = tpu.vector_load %arg8[%swap3A_382] masked %le3A_269 {strides = array<i32>} : memref<4112xi32, #tpu.memory_space<vmem>>, vector<16xi32>, vector<16xi1>
          tpu.vector_store %arg8[%swap3A_382], %add3A_379 masked %le3A_269 {strides = array<i32>} : memref<4112xi32, #tpu.memory_space<vmem>>, vector<16xi32>, vector<16xi1>
          %add3A_384 = arith.addi %add3A_373, %squeeze3A_328 : i32
          %add3A_385 = arith.constant 4 : i32
          %add3A_386 = arith.addi %mul3A_234, %add3A_385 : i32
          %mul3A_387 = arith.constant 16 : i32
          %mul3A_388 = arith.muli %add3A_386, %mul3A_387 : i32
          %add3A_389 = vector.broadcast %mul3A_388 : i32 to vector<16xi32>
          %add3A_390 = arith.addi %iota3A, %add3A_389 : vector<16xi32>
          %swap3A_391 = arith.index_cast %add3A_384 : i32 to index
          %swap3A_392 = tpu.vector_load %arg7[%swap3A_391] masked %le3A_278 {strides = array<i32>} : memref<4112xf32, #tpu.memory_space<vmem>>, vector<16xf32>, vector<16xi1>
          tpu.vector_store %arg7[%swap3A_391], %get3A_277 masked %le3A_278 {strides = array<i32>} : memref<4112xf32, #tpu.memory_space<vmem>>, vector<16xf32>, vector<16xi1>
          %swap3A_393 = arith.index_cast %add3A_384 : i32 to index
          %swap3A_394 = tpu.vector_load %arg8[%swap3A_393] masked %le3A_278 {strides = array<i32>} : memref<4112xi32, #tpu.memory_space<vmem>>, vector<16xi32>, vector<16xi1>
          tpu.vector_store %arg8[%swap3A_393], %add3A_390 masked %le3A_278 {strides = array<i32>} : memref<4112xi32, #tpu.memory_space<vmem>>, vector<16xi32>, vector<16xi1>
          %add3A_395 = arith.addi %add3A_384, %squeeze3A_331 : i32
          %add3A_396 = arith.constant 5 : i32
          %add3A_397 = arith.addi %mul3A_234, %add3A_396 : i32
          %mul3A_398 = arith.constant 16 : i32
          %mul3A_399 = arith.muli %add3A_397, %mul3A_398 : i32
          %add3A_400 = vector.broadcast %mul3A_399 : i32 to vector<16xi32>
          %add3A_401 = arith.addi %iota3A, %add3A_400 : vector<16xi32>
          %swap3A_402 = arith.index_cast %add3A_395 : i32 to index
          %swap3A_403 = tpu.vector_load %arg7[%swap3A_402] masked %le3A_287 {strides = array<i32>} : memref<4112xf32, #tpu.memory_space<vmem>>, vector<16xf32>, vector<16xi1>
          tpu.vector_store %arg7[%swap3A_402], %get3A_286 masked %le3A_287 {strides = array<i32>} : memref<4112xf32, #tpu.memory_space<vmem>>, vector<16xf32>, vector<16xi1>
          %swap3A_404 = arith.index_cast %add3A_395 : i32 to index
          %swap3A_405 = tpu.vector_load %arg8[%swap3A_404] masked %le3A_287 {strides = array<i32>} : memref<4112xi32, #tpu.memory_space<vmem>>, vector<16xi32>, vector<16xi1>
          tpu.vector_store %arg8[%swap3A_404], %add3A_401 masked %le3A_287 {strides = array<i32>} : memref<4112xi32, #tpu.memory_space<vmem>>, vector<16xi32>, vector<16xi1>
          %add3A_406 = arith.addi %add3A_395, %squeeze3A_334 : i32
          %add3A_407 = arith.constant 6 : i32
          %add3A_408 = arith.addi %mul3A_234, %add3A_407 : i32
          %mul3A_409 = arith.constant 16 : i32
          %mul3A_410 = arith.muli %add3A_408, %mul3A_409 : i32
          %add3A_411 = vector.broadcast %mul3A_410 : i32 to vector<16xi32>
          %add3A_412 = arith.addi %iota3A, %add3A_411 : vector<16xi32>
          %swap3A_413 = arith.index_cast %add3A_406 : i32 to index
          %swap3A_414 = tpu.vector_load %arg7[%swap3A_413] masked %le3A_296 {strides = array<i32>} : memref<4112xf32, #tpu.memory_space<vmem>>, vector<16xf32>, vector<16xi1>
          tpu.vector_store %arg7[%swap3A_413], %get3A_295 masked %le3A_296 {strides = array<i32>} : memref<4112xf32, #tpu.memory_space<vmem>>, vector<16xf32>, vector<16xi1>
          %swap3A_415 = arith.index_cast %add3A_406 : i32 to index
          %swap3A_416 = tpu.vector_load %arg8[%swap3A_415] masked %le3A_296 {strides = array<i32>} : memref<4112xi32, #tpu.memory_space<vmem>>, vector<16xi32>, vector<16xi1>
          tpu.vector_store %arg8[%swap3A_415], %add3A_412 masked %le3A_296 {strides = array<i32>} : memref<4112xi32, #tpu.memory_space<vmem>>, vector<16xi32>, vector<16xi1>
          %add3A_417 = arith.addi %add3A_406, %squeeze3A_337 : i32
          %add3A_418 = arith.constant 7 : i32
          %add3A_419 = arith.addi %mul3A_234, %add3A_418 : i32
          %mul3A_420 = arith.constant 16 : i32
          %mul3A_421 = arith.muli %add3A_419, %mul3A_420 : i32
          %add3A_422 = vector.broadcast %mul3A_421 : i32 to vector<16xi32>
          %add3A_423 = arith.addi %iota3A, %add3A_422 : vector<16xi32>
          %swap3A_424 = arith.index_cast %add3A_417 : i32 to index
          %swap3A_425 = tpu.vector_load %arg7[%swap3A_424] masked %le3A_305 {strides = array<i32>} : memref<4112xf32, #tpu.memory_space<vmem>>, vector<16xf32>, vector<16xi1>
          tpu.vector_store %arg7[%swap3A_424], %get3A_304 masked %le3A_305 {strides = array<i32>} : memref<4112xf32, #tpu.memory_space<vmem>>, vector<16xf32>, vector<16xi1>
          %swap3A_426 = arith.index_cast %add3A_417 : i32 to index
          %swap3A_427 = tpu.vector_load %arg8[%swap3A_426] masked %le3A_305 {strides = array<i32>} : memref<4112xi32, #tpu.memory_space<vmem>>, vector<16xi32>, vector<16xi1>
          tpu.vector_store %arg8[%swap3A_426], %add3A_423 masked %le3A_305 {strides = array<i32>} : memref<4112xi32, #tpu.memory_space<vmem>>, vector<16xi32>, vector<16xi1>
          %add3A_428 = arith.addi %add3A_417, %squeeze3A_340 : i32
          scf.yield %add3A_428 : i32
        } else {
          scf.yield %scan3A_232 : i32
        }
        scf.yield %cond3A_316 : i32
      }
      %scan3A_78 = arith.constant 32 : i32
      %broadcast_in_dim3A = arith.constant 0x7F800000 : f32
      %broadcast_in_dim3A_79 = vector.broadcast %broadcast_in_dim3A : f32 to vector<16xf32>
      %swap3A = arith.index_cast %scan3A_77 : i32 to index
      %swap3A_80 = tpu.vector_load %arg7[%swap3A] {strides = array<i32>} : memref<4112xf32, #tpu.memory_space<vmem>>, vector<16xf32>,
      tpu.vector_store %arg7[%swap3A], %broadcast_in_dim3A_79 {strides = array<i32>} : memref<4112xf32, #tpu.memory_space<vmem>>, vector<16xf32>,
      %add3A_81 = arith.constant 15 : i32
      %add3A_82 = arith.addi %scan3A_77, %add3A_81 : i32
      %jit3A_83 = arith.constant 16 : i32
      %div3A_84 = arith.divsi %add3A_82, %jit3A_83 : i32
      %sign3A_85 = arith.constant 0 : i32
      %sign3A_86 = arith.cmpi sgt, %add3A_82, %sign3A_85 : i32
      %sign3A_87 = arith.extui %sign3A_86 : i1 to i32
      %sign3A_88 = arith.constant 0 : i32
      %sign3A_89 = arith.cmpi slt, %add3A_82, %sign3A_88 : i32
      %sign3A_90 = arith.extui %sign3A_89 : i1 to i32
      %sign3A_91 = arith.subi %sign3A_87, %sign3A_90 : i32
      %sign3A_92 = arith.constant 0 : i32
      %sign3A_93 = arith.cmpi sgt, %jit3A_83, %sign3A_92 : i32
      %sign3A_94 = arith.extui %sign3A_93 : i1 to i32
      %sign3A_95 = arith.constant 0 : i32
      %sign3A_96 = arith.cmpi slt, %jit3A_83, %sign3A_95 : i32
      %sign3A_97 = arith.extui %sign3A_96 : i1 to i32
      %sign3A_98 = arith.subi %sign3A_94, %sign3A_97 : i32
      %ne3A_99 = arith.cmpi ne, %sign3A_91, %sign3A_98 : i32
      %rem3A_100 = arith.remsi %add3A_82, %jit3A_83 : i32
      %ne3A_101 = arith.constant 0 : i32
      %ne3A_102 = arith.cmpi ne, %rem3A_100, %ne3A_101 : i32
      %and3A_103 = arith.andi %ne3A_99, %ne3A_102 : i1
      %sub3A_104 = arith.constant 1 : i32
      %sub3A_105 = arith.subi %div3A_84, %sub3A_104 : i32
      %select_n3A_106 = arith.select %and3A_103, %sub3A_105, %div3A_84 : i32
      %broadcast_in_dim3A_107 = arith.constant 0x7F800000 : f32
      %broadcast_in_dim3A_108 = vector.broadcast %broadcast_in_dim3A_107 : f32 to vector<16xf32>
      %broadcast_in_dim3A_109 = arith.constant 0 : i32
      %broadcast_in_dim3A_110 = vector.broadcast %broadcast_in_dim3A_109 : i32 to vector<16xi32>
      %while3A = arith.constant 0 : i32
      %while3A_111 = arith.subi %select_n3A_106, %while3A : i32
      %while3A_112 = arith.addi %while3A, %while3A_111 : i32
      %while3A_113 = arith.constant 1 : i32
      %while3A_114 = arith.divsi %while3A_111, %while3A_113 : i32
      %while3A_115 = arith.muli %while3A_114, %while3A_113 : i32
      %while3A_116 = arith.addi %while3A, %while3A_115 : i32
      %while3A_117 = arith.constant 1 : i32
      %while3A_118:2 = scf.for %while3A_231 = %while3A to %while3A_116 step %while3A_117 iter_args(%while3A_232 = %broadcast_in_dim3A_108, %while3A_233 = %broadcast_in_dim3A_110) -> (vector<16xf32>, vector<16xi32>)  : i32 {
        %mul3A_234 = arith.constant 16 : i32
        %mul3A_235 = arith.muli %while3A_231, %mul3A_234 : i32
        %get3A_236 = arith.index_cast %mul3A_235 : i32 to index
        %get3A_237 = tpu.vector_load %arg7[%get3A_236] {strides = array<i32>} : memref<4112xf32, #tpu.memory_space<vmem>>, vector<16xf32>,
        %mul3A_238 = arith.constant 16 : i32
        %mul3A_239 = arith.muli %while3A_231, %mul3A_238 : i32
        %get3A_240 = arith.index_cast %mul3A_239 : i32 to index
        %get3A_241 = tpu.vector_load %arg8[%get3A_240] {strides = array<i32>} : memref<4112xi32, #tpu.memory_space<vmem>>, vector<16xi32>,
        %masked_sort3A = arith.constant dense<true> : vector<16xi1>
        %masked_sort3A_242, %masked_sort3A_243, %masked_sort3A_244 = tpu.sort %get3A_237, %get3A_241 masked %masked_sort3A : (vector<16xf32>, vector<16xi32>, vector<16xi1>) -> (vector<16xi1>, vector<16xf32>, vector<16xi32>)
        %rev3A = arith.constant 15 : i32
        %rev3A_245 = vector.broadcast %rev3A : i32 to vector<16xi32>
        %rev3A_246 = tpu.iota {dimensions = array<i32: 0>} : vector<16xi32>
        %rev3A_247 = arith.subi %rev3A_245, %rev3A_246 : vector<16xi32>
        %rev3A_248 = tpu.dynamic_gather %masked_sort3A_243[%rev3A_247] in [0] : vector<16xf32>, vector<16xi32> -> vector<16xf32>
        %rev3A_249 = arith.constant 15 : i32
        %rev3A_250 = vector.broadcast %rev3A_249 : i32 to vector<16xi32>
        %rev3A_251 = tpu.iota {dimensions = array<i32: 0>} : vector<16xi32>
        %rev3A_252 = arith.subi %rev3A_250, %rev3A_251 : vector<16xi32>
        %rev3A_253 = tpu.dynamic_gather %masked_sort3A_244[%rev3A_252] in [0] : vector<16xi32>, vector<16xi32> -> vector<16xi32>
        %le3A = arith.cmpf ole, %while3A_232, %rev3A_248 : vector<16xf32>
        %select_n3A_254 = arith.select %le3A, %while3A_232, %rev3A_248 : vector<16xi1>, vector<16xf32>
        %select_n3A_255 = arith.select %le3A, %while3A_233, %rev3A_253 : vector<16xi1>, vector<16xi32>
        %masked_sort3A_256 = arith.constant dense<true> : vector<16xi1>
        %masked_sort3A_257, %masked_sort3A_258, %masked_sort3A_259 = tpu.sort %select_n3A_254, %select_n3A_255 masked %masked_sort3A_256 : (vector<16xf32>, vector<16xi32>, vector<16xi1>) -> (vector<16xi1>, vector<16xf32>, vector<16xi32>)
        scf.yield %masked_sort3A_258, %masked_sort3A_259 : vector<16xf32>, vector<16xi32>
      }
      %while3A_119 = arith.constant 1 : i32
      %while3A_120:2 = scf.for %while3A_231 = %while3A_116 to %while3A_112 step %while3A_119 iter_args(%while3A_232 = %while3A_118#0, %while3A_233 = %while3A_118#1) -> (vector<16xf32>, vector<16xi32>)  : i32 {
        %mul3A_234 = arith.constant 16 : i32
        %mul3A_235 = arith.muli %while3A_231, %mul3A_234 : i32
        %get3A_236 = arith.index_cast %mul3A_235 : i32 to index
        %get3A_237 = tpu.vector_load %arg7[%get3A_236] {strides = array<i32>} : memref<4112xf32, #tpu.memory_space<vmem>>, vector<16xf32>,
        %mul3A_238 = arith.constant 16 : i32
        %mul3A_239 = arith.muli %while3A_231, %mul3A_238 : i32
        %get3A_240 = arith.index_cast %mul3A_239 : i32 to index
        %get3A_241 = tpu.vector_load %arg8[%get3A_240] {strides = array<i32>} : memref<4112xi32, #tpu.memory_space<vmem>>, vector<16xi32>,
        %masked_sort3A = arith.constant dense<true> : vector<16xi1>
        %masked_sort3A_242, %masked_sort3A_243, %masked_sort3A_244 = tpu.sort %get3A_237, %get3A_241 masked %masked_sort3A : (vector<16xf32>, vector<16xi32>, vector<16xi1>) -> (vector<16xi1>, vector<16xf32>, vector<16xi32>)
        %rev3A = arith.constant 15 : i32
        %rev3A_245 = vector.broadcast %rev3A : i32 to vector<16xi32>
        %rev3A_246 = tpu.iota {dimensions = array<i32: 0>} : vector<16xi32>
        %rev3A_247 = arith.subi %rev3A_245, %rev3A_246 : vector<16xi32>
        %rev3A_248 = tpu.dynamic_gather %masked_sort3A_243[%rev3A_247] in [0] : vector<16xf32>, vector<16xi32> -> vector<16xf32>
        %rev3A_249 = arith.constant 15 : i32
        %rev3A_250 = vector.broadcast %rev3A_249 : i32 to vector<16xi32>
        %rev3A_251 = tpu.iota {dimensions = array<i32: 0>} : vector<16xi32>
        %rev3A_252 = arith.subi %rev3A_250, %rev3A_251 : vector<16xi32>
        %rev3A_253 = tpu.dynamic_gather %masked_sort3A_244[%rev3A_252] in [0] : vector<16xi32>, vector<16xi32> -> vector<16xi32>
        %le3A = arith.cmpf ole, %while3A_232, %rev3A_248 : vector<16xf32>
        %select_n3A_254 = arith.select %le3A, %while3A_232, %rev3A_248 : vector<16xi1>, vector<16xf32>
        %select_n3A_255 = arith.select %le3A, %while3A_233, %rev3A_253 : vector<16xi1>, vector<16xi32>
        %masked_sort3A_256 = arith.constant dense<true> : vector<16xi1>
        %masked_sort3A_257, %masked_sort3A_258, %masked_sort3A_259 = tpu.sort %select_n3A_254, %select_n3A_255 masked %masked_sort3A_256 : (vector<16xf32>, vector<16xi32>, vector<16xi1>) -> (vector<16xi1>, vector<16xf32>, vector<16xi32>)
        scf.yield %masked_sort3A_258, %masked_sort3A_259 : vector<16xf32>, vector<16xi32>
      }
      %add3A_121 = vector.broadcast %mul3A_20 : i32 to vector<16xi32>
      %add3A_122 = arith.addi %while3A_120#1, %add3A_121 : vector<16xi32>
      %swap3A_123 = arith.constant 0 : index
      %swap3A_124 = tpu.vector_load %arg9[%swap3A_123] {strides = array<i32>} : memref<16xi32, #tpu.memory_space<vmem>>, vector<16xi32>,
      tpu.vector_store %arg9[%swap3A_123], %add3A_122 {strides = array<i32>} : memref<16xi32, #tpu.memory_space<vmem>>, vector<16xi32>,
      %add3A_125 = arith.addi %mul3A_2, %mul3A_40 : i32
      %dma_start3A_126 = arith.constant 0 : i32
      %dma_start3A_127 = tpu.memref_slice %arg4[%add3A_125, %dma_start3A_126] : memref<8192x16xi32, #tpu.memory_space<hbm>> -> memref<1x16xi32, #tpu.memory_space<hbm>>
      %dma_start3A_128 = tpu.memref_squeeze %dma_start3A_127 : memref<1x16xi32, #tpu.memory_space<hbm>> -> memref<16xi32, #tpu.memory_space<hbm>>
      %dma_start3A_129 = arith.constant 0 : i32
      %dma_start3A_130 = tpu.memref_slice %arg4[%add3A_125, %dma_start3A_129] : memref<8192x16xi32, #tpu.memory_space<hbm>> -> memref<1x16xi32, #tpu.memory_space<hbm>>
      %dma_start3A_131 = tpu.memref_squeeze %dma_start3A_130 : memref<1x16xi32, #tpu.memory_space<hbm>> -> memref<16xi32, #tpu.memory_space<hbm>>
      tpu.enqueue_dma source(%arg9 : memref<16xi32, #tpu.memory_space<vmem>>) target(%dma_start3A_131 : memref<16xi32, #tpu.memory_space<hbm>>) target_semaphore(%arg12 : memref<!tpu.dma_semaphore, #tpu.memory_space<semaphore_mem>>)
      %dma_wait3A_132 = arith.constant 0 : i32
      %dma_wait3A_133 = arith.constant 0 : i32
      %dma_wait3A_134 = tpu.memref_slice %arg4[%dma_wait3A_132, %dma_wait3A_133] : memref<8192x16xi32, #tpu.memory_space<hbm>> -> memref<1x16xi32, #tpu.memory_space<hbm>>
      %dma_wait3A_135 = tpu.memref_squeeze %dma_wait3A_134 : memref<1x16xi32, #tpu.memory_space<hbm>> -> memref<16xi32, #tpu.memory_space<hbm>>
      %dma_wait3A_136 = arith.constant 0 : i32
      %dma_wait3A_137 = tpu.memref_slice %arg4[%dma_wait3A_132, %dma_wait3A_136] : memref<8192x16xi32, #tpu.memory_space<hbm>> -> memref<1x16xi32, #tpu.memory_space<hbm>>
      %dma_wait3A_138 = tpu.memref_squeeze %dma_wait3A_137 : memref<1x16xi32, #tpu.memory_space<hbm>> -> memref<16xi32, #tpu.memory_space<hbm>>
      tpu.wait_dma2 semaphore(%arg12 : memref<!tpu.dma_semaphore, #tpu.memory_space<semaphore_mem>>) src(%arg9 : memref<16xi32, #tpu.memory_space<vmem>>) dst(%dma_wait3A_138 : memref<16xi32, #tpu.memory_space<hbm>>)
      %lt3A = arith.constant 127 : i32
      %lt3A_139 = arith.cmpi slt, %scan3A_38, %lt3A : i32
      %convert_element_type3A = arith.extui %lt3A_139 : i1 to i32
      %cond3A = arith.constant 0 : i32
      %cond3A_140 = arith.cmpi ne, %convert_element_type3A, %cond3A : i32
      scf.if %cond3A_140 {
        %add3A_231 = arith.addi %mul3A_2, %mul3A_40 : i32
        %add3A_232 = arith.constant 2 : i32
        %add3A_233 = arith.addi %add3A_231, %add3A_232 : i32
        %dma_start3A_234 = arith.constant 0 : i32
        %dma_start3A_235 = arith.constant 0 : i32
        %dma_start3A_236 = tpu.memref_slice %arg5[%dma_start3A_234, %dma_start3A_235] : memref<2x4096xf32, #tpu.memory_space<vmem>> -> memref<1x4096xf32, #tpu.memory_space<vmem>>
        %dma_start3A_237 = tpu.memref_squeeze %dma_start3A_236 : memref<1x4096xf32, #tpu.memory_space<vmem>> -> memref<4096xf32, #tpu.memory_space<vmem>>
        %dma_start3A_238 = arith.constant 0 : i32
        %dma_start3A_239 = tpu.memref_slice %arg2[%add3A_233, %dma_start3A_238] : memref<8192x4096xf32, #tpu.memory_space<hbm>> -> memref<1x4096xf32, #tpu.memory_space<hbm>>
        %dma_start3A_240 = tpu.memref_squeeze %dma_start3A_239 : memref<1x4096xf32, #tpu.memory_space<hbm>> -> memref<4096xf32, #tpu.memory_space<hbm>>
        %dma_start3A_241 = arith.constant 0 : i32
        %dma_start3A_242 = tpu.memref_slice %arg5[%dma_start3A_234, %dma_start3A_241] : memref<2x4096xf32, #tpu.memory_space<vmem>> -> memref<1x4096xf32, #tpu.memory_space<vmem>>
        %dma_start3A_243 = tpu.memref_squeeze %dma_start3A_242 : memref<1x4096xf32, #tpu.memory_space<vmem>> -> memref<4096xf32, #tpu.memory_space<vmem>>
        %dma_start3A_244 = arith.constant 0 : i32
        %dma_start3A_245 = tpu.memref_slice %arg2[%add3A_233, %dma_start3A_244] : memref<8192x4096xf32, #tpu.memory_space<hbm>> -> memref<1x4096xf32, #tpu.memory_space<hbm>>
        %dma_start3A_246 = tpu.memref_squeeze %dma_start3A_245 : memref<1x4096xf32, #tpu.memory_space<hbm>> -> memref<4096xf32, #tpu.memory_space<hbm>>
        tpu.enqueue_dma source(%dma_start3A_246 : memref<4096xf32, #tpu.memory_space<hbm>>) target(%dma_start3A_243 : memref<4096xf32, #tpu.memory_space<vmem>>) target_semaphore(%arg10 : memref<!tpu.dma_semaphore, #tpu.memory_space<semaphore_mem>>)
      } else {
      }
      %dma_wait3A_141 = arith.constant 0 : i32
      %dma_wait3A_142 = arith.constant 1 : i32
      %dma_wait3A_143 = arith.constant 0 : i32
      %dma_wait3A_144 = tpu.memref_slice %arg5[%dma_wait3A_142, %dma_wait3A_143] : memref<2x4096xf32, #tpu.memory_space<vmem>> -> memref<1x4096xf32, #tpu.memory_space<vmem>>
      %dma_wait3A_145 = tpu.memref_squeeze %dma_wait3A_144 : memref<1x4096xf32, #tpu.memory_space<vmem>> -> memref<4096xf32, #tpu.memory_space<vmem>>
      %dma_wait3A_146 = arith.constant 0 : i32
      %dma_wait3A_147 = tpu.memref_slice %arg2[%dma_wait3A_141, %dma_wait3A_146] : memref<8192x4096xf32, #tpu.memory_space<hbm>> -> memref<1x4096xf32, #tpu.memory_space<hbm>>
      %dma_wait3A_148 = tpu.memref_squeeze %dma_wait3A_147 : memref<1x4096xf32, #tpu.memory_space<hbm>> -> memref<4096xf32, #tpu.memory_space<hbm>>
      %dma_wait3A_149 = arith.constant 0 : i32
      %dma_wait3A_150 = tpu.memref_slice %arg5[%dma_wait3A_142, %dma_wait3A_149] : memref<2x4096xf32, #tpu.memory_space<vmem>> -> memref<1x4096xf32, #tpu.memory_space<vmem>>
      %dma_wait3A_151 = tpu.memref_squeeze %dma_wait3A_150 : memref<1x4096xf32, #tpu.memory_space<vmem>> -> memref<4096xf32, #tpu.memory_space<vmem>>
      %dma_wait3A_152 = arith.constant 0 : i32
      %dma_wait3A_153 = tpu.memref_slice %arg2[%dma_wait3A_141, %dma_wait3A_152] : memref<8192x4096xf32, #tpu.memory_space<hbm>> -> memref<1x4096xf32, #tpu.memory_space<hbm>>
      %dma_wait3A_154 = tpu.memref_squeeze %dma_wait3A_153 : memref<1x4096xf32, #tpu.memory_space<hbm>> -> memref<4096xf32, #tpu.memory_space<hbm>>
      tpu.wait_dma2 semaphore(%arg11 : memref<!tpu.dma_semaphore, #tpu.memory_space<semaphore_mem>>) src(%dma_wait3A_154 : memref<4096xf32, #tpu.memory_space<hbm>>) dst(%dma_wait3A_151 : memref<4096xf32, #tpu.memory_space<vmem>>)
      %add3A_155 = arith.constant 1 : i32
      %add3A_156 = arith.addi %mul3A_40, %add3A_155 : i32
      %get3A_157 = arith.index_cast %add3A_156 : i32 to index
      %get3A_158 = arith.constant 0 : index
      %get3A_159 = tpu.vector_load %arg6[%get3A_157, %get3A_158] {strides = array<i32>} : memref<256x16xf32, #tpu.memory_space<vmem>>, vector<16xf32>,
      %iota3A_160 = tpu.iota {dimensions = array<i32: 0>} : vector<16xi32>
      %scan3A_161 = arith.constant 0 : i32
      %scan3A_162 = arith.constant 0 : i32
      %scan3A_163 = arith.constant 32 : i32
      %scan3A_164 = arith.addi %scan3A_162, %scan3A_163 : i32
      %scan3A_165 = arith.constant 1 : i32
      %scan3A_166 = scf.for %scan3A_231 = %scan3A_162 to %scan3A_164 step %scan3A_165 iter_args(%scan3A_232 = %scan3A_161) -> (i32)  : i32 {
        %mul3A_233 = arith.constant 8 : i32
        %mul3A_234 = arith.muli %scan3A_231, %mul3A_233 : i32
        %add3A_235 = arith.constant 0 : i32
        %add3A_236 = arith.addi %mul3A_234, %add3A_235 : i32
        %mul3A_237 = arith.constant 16 : i32
        %mul3A_238 = arith.muli %add3A_236, %mul3A_237 : i32
        %get3A_239 = arith.constant 1 : i32
        %get3A_240 = arith.index_cast %get3A_239 : i32 to index
        %get3A_241 = arith.index_cast %mul3A_238 : i32 to index
        %get3A_242 = tpu.vector_load %arg5[%get3A_240, %get3A_241] {strides = array<i32>} : memref<2x4096xf32, #tpu.memory_space<vmem>>, vector<16xf32>,
        %le3A = arith.cmpf ole, %get3A_242, %get3A_159 : vector<16xf32>
        %add3A_243 = arith.constant 1 : i32
        %add3A_244 = arith.addi %mul3A_234, %add3A_243 : i32
        %mul3A_245 = arith.constant 16 : i32
        %mul3A_246 = arith.muli %add3A_244, %mul3A_245 : i32
        %get3A_247 = arith.constant 1 : i32
        %get3A_248 = arith.index_cast %get3A_247 : i32 to index
        %get3A_249 = arith.index_cast %mul3A_246 : i32 to index
        %get3A_250 = tpu.vector_load %arg5[%get3A_248, %get3A_249] {strides = array<i32>} : memref<2x4096xf32, #tpu.memory_space<vmem>>, vector<16xf32>,
        %le3A_251 = arith.cmpf ole, %get3A_250, %get3A_159 : vector<16xf32>
        %add3A_252 = arith.constant 2 : i32
        %add3A_253 = arith.addi %mul3A_234, %add3A_252 : i32
        %mul3A_254 = arith.constant 16 : i32
        %mul3A_255 = arith.muli %add3A_253, %mul3A_254 : i32
        %get3A_256 = arith.constant 1 : i32
        %get3A_257 = arith.index_cast %get3A_256 : i32 to index
        %get3A_258 = arith.index_cast %mul3A_255 : i32 to index
        %get3A_259 = tpu.vector_load %arg5[%get3A_257, %get3A_258] {strides = array<i32>} : memref<2x4096xf32, #tpu.memory_space<vmem>>, vector<16xf32>,
        %le3A_260 = arith.cmpf ole, %get3A_259, %get3A_159 : vector<16xf32>
        %add3A_261 = arith.constant 3 : i32
        %add3A_262 = arith.addi %mul3A_234, %add3A_261 : i32
        %mul3A_263 = arith.constant 16 : i32
        %mul3A_264 = arith.muli %add3A_262, %mul3A_263 : i32
        %get3A_265 = arith.constant 1 : i32
        %get3A_266 = arith.index_cast %get3A_265 : i32 to index
        %get3A_267 = arith.index_cast %mul3A_264 : i32 to index
        %get3A_268 = tpu.vector_load %arg5[%get3A_266, %get3A_267] {strides = array<i32>} : memref<2x4096xf32, #tpu.memory_space<vmem>>, vector<16xf32>,
        %le3A_269 = arith.cmpf ole, %get3A_268, %get3A_159 : vector<16xf32>
        %add3A_270 = arith.constant 4 : i32
        %add3A_271 = arith.addi %mul3A_234, %add3A_270 : i32
        %mul3A_272 = arith.constant 16 : i32
        %mul3A_273 = arith.muli %add3A_271, %mul3A_272 : i32
        %get3A_274 = arith.constant 1 : i32
        %get3A_275 = arith.index_cast %get3A_274 : i32 to index
        %get3A_276 = arith.index_cast %mul3A_273 : i32 to index
        %get3A_277 = tpu.vector_load %arg5[%get3A_275, %get3A_276] {strides = array<i32>} : memref<2x4096xf32, #tpu.memory_space<vmem>>, vector<16xf32>,
        %le3A_278 = arith.cmpf ole, %get3A_277, %get3A_159 : vector<16xf32>
        %add3A_279 = arith.constant 5 : i32
        %add3A_280 = arith.addi %mul3A_234, %add3A_279 : i32
        %mul3A_281 = arith.constant 16 : i32
        %mul3A_282 = arith.muli %add3A_280, %mul3A_281 : i32
        %get3A_283 = arith.constant 1 : i32
        %get3A_284 = arith.index_cast %get3A_283 : i32 to index
        %get3A_285 = arith.index_cast %mul3A_282 : i32 to index
        %get3A_286 = tpu.vector_load %arg5[%get3A_284, %get3A_285] {strides = array<i32>} : memref<2x4096xf32, #tpu.memory_space<vmem>>, vector<16xf32>,
        %le3A_287 = arith.cmpf ole, %get3A_286, %get3A_159 : vector<16xf32>
        %add3A_288 = arith.constant 6 : i32
        %add3A_289 = arith.addi %mul3A_234, %add3A_288 : i32
        %mul3A_290 = arith.constant 16 : i32
        %mul3A_291 = arith.muli %add3A_289, %mul3A_290 : i32
        %get3A_292 = arith.constant 1 : i32
        %get3A_293 = arith.index_cast %get3A_292 : i32 to index
        %get3A_294 = arith.index_cast %mul3A_291 : i32 to index
        %get3A_295 = tpu.vector_load %arg5[%get3A_293, %get3A_294] {strides = array<i32>} : memref<2x4096xf32, #tpu.memory_space<vmem>>, vector<16xf32>,
        %le3A_296 = arith.cmpf ole, %get3A_295, %get3A_159 : vector<16xf32>
        %add3A_297 = arith.constant 7 : i32
        %add3A_298 = arith.addi %mul3A_234, %add3A_297 : i32
        %mul3A_299 = arith.constant 16 : i32
        %mul3A_300 = arith.muli %add3A_298, %mul3A_299 : i32
        %get3A_301 = arith.constant 1 : i32
        %get3A_302 = arith.index_cast %get3A_301 : i32 to index
        %get3A_303 = arith.index_cast %mul3A_300 : i32 to index
        %get3A_304 = tpu.vector_load %arg5[%get3A_302, %get3A_303] {strides = array<i32>} : memref<2x4096xf32, #tpu.memory_space<vmem>>, vector<16xf32>,
        %le3A_305 = arith.cmpf ole, %get3A_304, %get3A_159 : vector<16xf32>
        %or3A = arith.ori %le3A, %le3A_251 : vector<16xi1>
        %or3A_306 = arith.ori %or3A, %le3A_260 : vector<16xi1>
        %or3A_307 = arith.ori %or3A_306, %le3A_269 : vector<16xi1>
        %or3A_308 = arith.ori %or3A_307, %le3A_278 : vector<16xi1>
        %or3A_309 = arith.ori %or3A_308, %le3A_287 : vector<16xi1>
        %or3A_310 = arith.ori %or3A_309, %le3A_296 : vector<16xi1>
        %or3A_311 = arith.ori %or3A_310, %le3A_305 : vector<16xi1>
        %all_reduce_population_count3A = tpu.all_reduce %or3A_311 {dim = 0 : i64, kind = #tpu.reduction_kind<sum>} : vector<16xi1> -> vector<16xi32>
        %slice3A = vector.extract_strided_slice %all_reduce_population_count3A {offsets = [0], sizes = [1], strides = [1]} : vector<16xi32> to vector<1xi32>
        %squeeze3A = vector.extract %slice3A[0] : i32 from vector<1xi32>
        %gt3A = arith.constant 0 : i32
        %gt3A_312 = arith.cmpi sgt, %squeeze3A, %gt3A : i32
        %convert_element_type3A_313 = arith.extui %gt3A_312 : i1 to i32
        %cond3A_314 = arith.constant 0 : i32
        %cond3A_315 = arith.cmpi ne, %convert_element_type3A_313, %cond3A_314 : i32
        %cond3A_316 = scf.if %cond3A_315 -> (i32) {
          %all_reduce_population_count3A_317 = tpu.all_reduce %le3A {dim = 0 : i64, kind = #tpu.reduction_kind<sum>} : vector<16xi1> -> vector<16xi32>
          %slice3A_318 = vector.extract_strided_slice %all_reduce_population_count3A_317 {offsets = [0], sizes = [1], strides = [1]} : vector<16xi32> to vector<1xi32>
          %squeeze3A_319 = vector.extract %slice3A_318[0] : i32 from vector<1xi32>
          %all_reduce_population_count3A_320 = tpu.all_reduce %le3A_251 {dim = 0 : i64, kind = #tpu.reduction_kind<sum>} : vector<16xi1> -> vector<16xi32>
          %slice3A_321 = vector.extract_strided_slice %all_reduce_population_count3A_320 {offsets = [0], sizes = [1], strides = [1]} : vector<16xi32> to vector<1xi32>
          %squeeze3A_322 = vector.extract %slice3A_321[0] : i32 from vector<1xi32>
          %all_reduce_population_count3A_323 = tpu.all_reduce %le3A_260 {dim = 0 : i64, kind = #tpu.reduction_kind<sum>} : vector<16xi1> -> vector<16xi32>
          %slice3A_324 = vector.extract_strided_slice %all_reduce_population_count3A_323 {offsets = [0], sizes = [1], strides = [1]} : vector<16xi32> to vector<1xi32>
          %squeeze3A_325 = vector.extract %slice3A_324[0] : i32 from vector<1xi32>
          %all_reduce_population_count3A_326 = tpu.all_reduce %le3A_269 {dim = 0 : i64, kind = #tpu.reduction_kind<sum>} : vector<16xi1> -> vector<16xi32>
          %slice3A_327 = vector.extract_strided_slice %all_reduce_population_count3A_326 {offsets = [0], sizes = [1], strides = [1]} : vector<16xi32> to vector<1xi32>
          %squeeze3A_328 = vector.extract %slice3A_327[0] : i32 from vector<1xi32>
          %all_reduce_population_count3A_329 = tpu.all_reduce %le3A_278 {dim = 0 : i64, kind = #tpu.reduction_kind<sum>} : vector<16xi1> -> vector<16xi32>
          %slice3A_330 = vector.extract_strided_slice %all_reduce_population_count3A_329 {offsets = [0], sizes = [1], strides = [1]} : vector<16xi32> to vector<1xi32>
          %squeeze3A_331 = vector.extract %slice3A_330[0] : i32 from vector<1xi32>
          %all_reduce_population_count3A_332 = tpu.all_reduce %le3A_287 {dim = 0 : i64, kind = #tpu.reduction_kind<sum>} : vector<16xi1> -> vector<16xi32>
          %slice3A_333 = vector.extract_strided_slice %all_reduce_population_count3A_332 {offsets = [0], sizes = [1], strides = [1]} : vector<16xi32> to vector<1xi32>
          %squeeze3A_334 = vector.extract %slice3A_333[0] : i32 from vector<1xi32>
          %all_reduce_population_count3A_335 = tpu.all_reduce %le3A_296 {dim = 0 : i64, kind = #tpu.reduction_kind<sum>} : vector<16xi1> -> vector<16xi32>
          %slice3A_336 = vector.extract_strided_slice %all_reduce_population_count3A_335 {offsets = [0], sizes = [1], strides = [1]} : vector<16xi32> to vector<1xi32>
          %squeeze3A_337 = vector.extract %slice3A_336[0] : i32 from vector<1xi32>
          %all_reduce_population_count3A_338 = tpu.all_reduce %le3A_305 {dim = 0 : i64, kind = #tpu.reduction_kind<sum>} : vector<16xi1> -> vector<16xi32>
          %slice3A_339 = vector.extract_strided_slice %all_reduce_population_count3A_338 {offsets = [0], sizes = [1], strides = [1]} : vector<16xi32> to vector<1xi32>
          %squeeze3A_340 = vector.extract %slice3A_339[0] : i32 from vector<1xi32>
          %add3A_341 = arith.constant 0 : i32
          %add3A_342 = arith.addi %mul3A_234, %add3A_341 : i32
          %mul3A_343 = arith.constant 16 : i32
          %mul3A_344 = arith.muli %add3A_342, %mul3A_343 : i32
          %add3A_345 = vector.broadcast %mul3A_344 : i32 to vector<16xi32>
          %add3A_346 = arith.addi %iota3A_160, %add3A_345 : vector<16xi32>
          %swap3A_347 = arith.index_cast %scan3A_232 : i32 to index
          %swap3A_348 = tpu.vector_load %arg7[%swap3A_347] masked %le3A {strides = array<i32>} : memref<4112xf32, #tpu.memory_space<vmem>>, vector<16xf32>, vector<16xi1>
          tpu.vector_store %arg7[%swap3A_347], %get3A_242 masked %le3A {strides = array<i32>} : memref<4112xf32, #tpu.memory_space<vmem>>, vector<16xf32>, vector<16xi1>
          %swap3A_349 = arith.index_cast %scan3A_232 : i32 to index
          %swap3A_350 = tpu.vector_load %arg8[%swap3A_349] masked %le3A {strides = array<i32>} : memref<4112xi32, #tpu.memory_space<vmem>>, vector<16xi32>, vector<16xi1>
          tpu.vector_store %arg8[%swap3A_349], %add3A_346 masked %le3A {strides = array<i32>} : memref<4112xi32, #tpu.memory_space<vmem>>, vector<16xi32>, vector<16xi1>
          %add3A_351 = arith.addi %scan3A_232, %squeeze3A_319 : i32
          %add3A_352 = arith.constant 1 : i32
          %add3A_353 = arith.addi %mul3A_234, %add3A_352 : i32
          %mul3A_354 = arith.constant 16 : i32
          %mul3A_355 = arith.muli %add3A_353, %mul3A_354 : i32
          %add3A_356 = vector.broadcast %mul3A_355 : i32 to vector<16xi32>
          %add3A_357 = arith.addi %iota3A_160, %add3A_356 : vector<16xi32>
          %swap3A_358 = arith.index_cast %add3A_351 : i32 to index
          %swap3A_359 = tpu.vector_load %arg7[%swap3A_358] masked %le3A_251 {strides = array<i32>} : memref<4112xf32, #tpu.memory_space<vmem>>, vector<16xf32>, vector<16xi1>
          tpu.vector_store %arg7[%swap3A_358], %get3A_250 masked %le3A_251 {strides = array<i32>} : memref<4112xf32, #tpu.memory_space<vmem>>, vector<16xf32>, vector<16xi1>
          %swap3A_360 = arith.index_cast %add3A_351 : i32 to index
          %swap3A_361 = tpu.vector_load %arg8[%swap3A_360] masked %le3A_251 {strides = array<i32>} : memref<4112xi32, #tpu.memory_space<vmem>>, vector<16xi32>, vector<16xi1>
          tpu.vector_store %arg8[%swap3A_360], %add3A_357 masked %le3A_251 {strides = array<i32>} : memref<4112xi32, #tpu.memory_space<vmem>>, vector<16xi32>, vector<16xi1>
          %add3A_362 = arith.addi %add3A_351, %squeeze3A_322 : i32
          %add3A_363 = arith.constant 2 : i32
          %add3A_364 = arith.addi %mul3A_234, %add3A_363 : i32
          %mul3A_365 = arith.constant 16 : i32
          %mul3A_366 = arith.muli %add3A_364, %mul3A_365 : i32
          %add3A_367 = vector.broadcast %mul3A_366 : i32 to vector<16xi32>
          %add3A_368 = arith.addi %iota3A_160, %add3A_367 : vector<16xi32>
          %swap3A_369 = arith.index_cast %add3A_362 : i32 to index
          %swap3A_370 = tpu.vector_load %arg7[%swap3A_369] masked %le3A_260 {strides = array<i32>} : memref<4112xf32, #tpu.memory_space<vmem>>, vector<16xf32>, vector<16xi1>
          tpu.vector_store %arg7[%swap3A_369], %get3A_259 masked %le3A_260 {strides = array<i32>} : memref<4112xf32, #tpu.memory_space<vmem>>, vector<16xf32>, vector<16xi1>
          %swap3A_371 = arith.index_cast %add3A_362 : i32 to index
          %swap3A_372 = tpu.vector_load %arg8[%swap3A_371] masked %le3A_260 {strides = array<i32>} : memref<4112xi32, #tpu.memory_space<vmem>>, vector<16xi32>, vector<16xi1>
          tpu.vector_store %arg8[%swap3A_371], %add3A_368 masked %le3A_260 {strides = array<i32>} : memref<4112xi32, #tpu.memory_space<vmem>>, vector<16xi32>, vector<16xi1>
          %add3A_373 = arith.addi %add3A_362, %squeeze3A_325 : i32
          %add3A_374 = arith.constant 3 : i32
          %add3A_375 = arith.addi %mul3A_234, %add3A_374 : i32
          %mul3A_376 = arith.constant 16 : i32
          %mul3A_377 = arith.muli %add3A_375, %mul3A_376 : i32
          %add3A_378 = vector.broadcast %mul3A_377 : i32 to vector<16xi32>
          %add3A_379 = arith.addi %iota3A_160, %add3A_378 : vector<16xi32>
          %swap3A_380 = arith.index_cast %add3A_373 : i32 to index
          %swap3A_381 = tpu.vector_load %arg7[%swap3A_380] masked %le3A_269 {strides = array<i32>} : memref<4112xf32, #tpu.memory_space<vmem>>, vector<16xf32>, vector<16xi1>
          tpu.vector_store %arg7[%swap3A_380], %get3A_268 masked %le3A_269 {strides = array<i32>} : memref<4112xf32, #tpu.memory_space<vmem>>, vector<16xf32>, vector<16xi1>
          %swap3A_382 = arith.index_cast %add3A_373 : i32 to index
          %swap3A_383 = tpu.vector_load %arg8[%swap3A_382] masked %le3A_269 {strides = array<i32>} : memref<4112xi32, #tpu.memory_space<vmem>>, vector<16xi32>, vector<16xi1>
          tpu.vector_store %arg8[%swap3A_382], %add3A_379 masked %le3A_269 {strides = array<i32>} : memref<4112xi32, #tpu.memory_space<vmem>>, vector<16xi32>, vector<16xi1>
          %add3A_384 = arith.addi %add3A_373, %squeeze3A_328 : i32
          %add3A_385 = arith.constant 4 : i32
          %add3A_386 = arith.addi %mul3A_234, %add3A_385 : i32
          %mul3A_387 = arith.constant 16 : i32
          %mul3A_388 = arith.muli %add3A_386, %mul3A_387 : i32
          %add3A_389 = vector.broadcast %mul3A_388 : i32 to vector<16xi32>
          %add3A_390 = arith.addi %iota3A_160, %add3A_389 : vector<16xi32>
          %swap3A_391 = arith.index_cast %add3A_384 : i32 to index
          %swap3A_392 = tpu.vector_load %arg7[%swap3A_391] masked %le3A_278 {strides = array<i32>} : memref<4112xf32, #tpu.memory_space<vmem>>, vector<16xf32>, vector<16xi1>
          tpu.vector_store %arg7[%swap3A_391], %get3A_277 masked %le3A_278 {strides = array<i32>} : memref<4112xf32, #tpu.memory_space<vmem>>, vector<16xf32>, vector<16xi1>
          %swap3A_393 = arith.index_cast %add3A_384 : i32 to index
          %swap3A_394 = tpu.vector_load %arg8[%swap3A_393] masked %le3A_278 {strides = array<i32>} : memref<4112xi32, #tpu.memory_space<vmem>>, vector<16xi32>, vector<16xi1>
          tpu.vector_store %arg8[%swap3A_393], %add3A_390 masked %le3A_278 {strides = array<i32>} : memref<4112xi32, #tpu.memory_space<vmem>>, vector<16xi32>, vector<16xi1>
          %add3A_395 = arith.addi %add3A_384, %squeeze3A_331 : i32
          %add3A_396 = arith.constant 5 : i32
          %add3A_397 = arith.addi %mul3A_234, %add3A_396 : i32
          %mul3A_398 = arith.constant 16 : i32
          %mul3A_399 = arith.muli %add3A_397, %mul3A_398 : i32
          %add3A_400 = vector.broadcast %mul3A_399 : i32 to vector<16xi32>
          %add3A_401 = arith.addi %iota3A_160, %add3A_400 : vector<16xi32>
          %swap3A_402 = arith.index_cast %add3A_395 : i32 to index
          %swap3A_403 = tpu.vector_load %arg7[%swap3A_402] masked %le3A_287 {strides = array<i32>} : memref<4112xf32, #tpu.memory_space<vmem>>, vector<16xf32>, vector<16xi1>
          tpu.vector_store %arg7[%swap3A_402], %get3A_286 masked %le3A_287 {strides = array<i32>} : memref<4112xf32, #tpu.memory_space<vmem>>, vector<16xf32>, vector<16xi1>
          %swap3A_404 = arith.index_cast %add3A_395 : i32 to index
          %swap3A_405 = tpu.vector_load %arg8[%swap3A_404] masked %le3A_287 {strides = array<i32>} : memref<4112xi32, #tpu.memory_space<vmem>>, vector<16xi32>, vector<16xi1>
          tpu.vector_store %arg8[%swap3A_404], %add3A_401 masked %le3A_287 {strides = array<i32>} : memref<4112xi32, #tpu.memory_space<vmem>>, vector<16xi32>, vector<16xi1>
          %add3A_406 = arith.addi %add3A_395, %squeeze3A_334 : i32
          %add3A_407 = arith.constant 6 : i32
          %add3A_408 = arith.addi %mul3A_234, %add3A_407 : i32
          %mul3A_409 = arith.constant 16 : i32
          %mul3A_410 = arith.muli %add3A_408, %mul3A_409 : i32
          %add3A_411 = vector.broadcast %mul3A_410 : i32 to vector<16xi32>
          %add3A_412 = arith.addi %iota3A_160, %add3A_411 : vector<16xi32>
          %swap3A_413 = arith.index_cast %add3A_406 : i32 to index
          %swap3A_414 = tpu.vector_load %arg7[%swap3A_413] masked %le3A_296 {strides = array<i32>} : memref<4112xf32, #tpu.memory_space<vmem>>, vector<16xf32>, vector<16xi1>
          tpu.vector_store %arg7[%swap3A_413], %get3A_295 masked %le3A_296 {strides = array<i32>} : memref<4112xf32, #tpu.memory_space<vmem>>, vector<16xf32>, vector<16xi1>
          %swap3A_415 = arith.index_cast %add3A_406 : i32 to index
          %swap3A_416 = tpu.vector_load %arg8[%swap3A_415] masked %le3A_296 {strides = array<i32>} : memref<4112xi32, #tpu.memory_space<vmem>>, vector<16xi32>, vector<16xi1>
          tpu.vector_store %arg8[%swap3A_415], %add3A_412 masked %le3A_296 {strides = array<i32>} : memref<4112xi32, #tpu.memory_space<vmem>>, vector<16xi32>, vector<16xi1>
          %add3A_417 = arith.addi %add3A_406, %squeeze3A_337 : i32
          %add3A_418 = arith.constant 7 : i32
          %add3A_419 = arith.addi %mul3A_234, %add3A_418 : i32
          %mul3A_420 = arith.constant 16 : i32
          %mul3A_421 = arith.muli %add3A_419, %mul3A_420 : i32
          %add3A_422 = vector.broadcast %mul3A_421 : i32 to vector<16xi32>
          %add3A_423 = arith.addi %iota3A_160, %add3A_422 : vector<16xi32>
          %swap3A_424 = arith.index_cast %add3A_417 : i32 to index
          %swap3A_425 = tpu.vector_load %arg7[%swap3A_424] masked %le3A_305 {strides = array<i32>} : memref<4112xf32, #tpu.memory_space<vmem>>, vector<16xf32>, vector<16xi1>
          tpu.vector_store %arg7[%swap3A_424], %get3A_304 masked %le3A_305 {strides = array<i32>} : memref<4112xf32, #tpu.memory_space<vmem>>, vector<16xf32>, vector<16xi1>
          %swap3A_426 = arith.index_cast %add3A_417 : i32 to index
          %swap3A_427 = tpu.vector_load %arg8[%swap3A_426] masked %le3A_305 {strides = array<i32>} : memref<4112xi32, #tpu.memory_space<vmem>>, vector<16xi32>, vector<16xi1>
          tpu.vector_store %arg8[%swap3A_426], %add3A_423 masked %le3A_305 {strides = array<i32>} : memref<4112xi32, #tpu.memory_space<vmem>>, vector<16xi32>, vector<16xi1>
          %add3A_428 = arith.addi %add3A_417, %squeeze3A_340 : i32
          scf.yield %add3A_428 : i32
        } else {
          scf.yield %scan3A_232 : i32
        }
        scf.yield %cond3A_316 : i32
      }
      %scan3A_167 = arith.constant 32 : i32
      %broadcast_in_dim3A_168 = arith.constant 0x7F800000 : f32
      %broadcast_in_dim3A_169 = vector.broadcast %broadcast_in_dim3A_168 : f32 to vector<16xf32>
      %swap3A_170 = arith.index_cast %scan3A_166 : i32 to index
      %swap3A_171 = tpu.vector_load %arg7[%swap3A_170] {strides = array<i32>} : memref<4112xf32, #tpu.memory_space<vmem>>, vector<16xf32>,
      tpu.vector_store %arg7[%swap3A_170], %broadcast_in_dim3A_169 {strides = array<i32>} : memref<4112xf32, #tpu.memory_space<vmem>>, vector<16xf32>,
      %add3A_172 = arith.constant 15 : i32
      %add3A_173 = arith.addi %scan3A_166, %add3A_172 : i32
      %jit3A_174 = arith.constant 16 : i32
      %div3A_175 = arith.divsi %add3A_173, %jit3A_174 : i32
      %sign3A_176 = arith.constant 0 : i32
      %sign3A_177 = arith.cmpi sgt, %add3A_173, %sign3A_176 : i32
      %sign3A_178 = arith.extui %sign3A_177 : i1 to i32
      %sign3A_179 = arith.constant 0 : i32
      %sign3A_180 = arith.cmpi slt, %add3A_173, %sign3A_179 : i32
      %sign3A_181 = arith.extui %sign3A_180 : i1 to i32
      %sign3A_182 = arith.subi %sign3A_178, %sign3A_181 : i32
      %sign3A_183 = arith.constant 0 : i32
      %sign3A_184 = arith.cmpi sgt, %jit3A_174, %sign3A_183 : i32
      %sign3A_185 = arith.extui %sign3A_184 : i1 to i32
      %sign3A_186 = arith.constant 0 : i32
      %sign3A_187 = arith.cmpi slt, %jit3A_174, %sign3A_186 : i32
      %sign3A_188 = arith.extui %sign3A_187 : i1 to i32
      %sign3A_189 = arith.subi %sign3A_185, %sign3A_188 : i32
      %ne3A_190 = arith.cmpi ne, %sign3A_182, %sign3A_189 : i32
      %rem3A_191 = arith.remsi %add3A_173, %jit3A_174 : i32
      %ne3A_192 = arith.constant 0 : i32
      %ne3A_193 = arith.cmpi ne, %rem3A_191, %ne3A_192 : i32
      %and3A_194 = arith.andi %ne3A_190, %ne3A_193 : i1
      %sub3A_195 = arith.constant 1 : i32
      %sub3A_196 = arith.subi %div3A_175, %sub3A_195 : i32
      %select_n3A_197 = arith.select %and3A_194, %sub3A_196, %div3A_175 : i32
      %broadcast_in_dim3A_198 = arith.constant 0x7F800000 : f32
      %broadcast_in_dim3A_199 = vector.broadcast %broadcast_in_dim3A_198 : f32 to vector<16xf32>
      %broadcast_in_dim3A_200 = arith.constant 0 : i32
      %broadcast_in_dim3A_201 = vector.broadcast %broadcast_in_dim3A_200 : i32 to vector<16xi32>
      %while3A_202 = arith.constant 0 : i32
      %while3A_203 = arith.subi %select_n3A_197, %while3A_202 : i32
      %while3A_204 = arith.addi %while3A_202, %while3A_203 : i32
      %while3A_205 = arith.constant 1 : i32
      %while3A_206 = arith.divsi %while3A_203, %while3A_205 : i32
      %while3A_207 = arith.muli %while3A_206, %while3A_205 : i32
      %while3A_208 = arith.addi %while3A_202, %while3A_207 : i32
      %while3A_209 = arith.constant 1 : i32
      %while3A_210:2 = scf.for %while3A_231 = %while3A_202 to %while3A_208 step %while3A_209 iter_args(%while3A_232 = %broadcast_in_dim3A_199, %while3A_233 = %broadcast_in_dim3A_201) -> (vector<16xf32>, vector<16xi32>)  : i32 {
        %mul3A_234 = arith.constant 16 : i32
        %mul3A_235 = arith.muli %while3A_231, %mul3A_234 : i32
        %get3A_236 = arith.index_cast %mul3A_235 : i32 to index
        %get3A_237 = tpu.vector_load %arg7[%get3A_236] {strides = array<i32>} : memref<4112xf32, #tpu.memory_space<vmem>>, vector<16xf32>,
        %mul3A_238 = arith.constant 16 : i32
        %mul3A_239 = arith.muli %while3A_231, %mul3A_238 : i32
        %get3A_240 = arith.index_cast %mul3A_239 : i32 to index
        %get3A_241 = tpu.vector_load %arg8[%get3A_240] {strides = array<i32>} : memref<4112xi32, #tpu.memory_space<vmem>>, vector<16xi32>,
        %masked_sort3A = arith.constant dense<true> : vector<16xi1>
        %masked_sort3A_242, %masked_sort3A_243, %masked_sort3A_244 = tpu.sort %get3A_237, %get3A_241 masked %masked_sort3A : (vector<16xf32>, vector<16xi32>, vector<16xi1>) -> (vector<16xi1>, vector<16xf32>, vector<16xi32>)
        %rev3A = arith.constant 15 : i32
        %rev3A_245 = vector.broadcast %rev3A : i32 to vector<16xi32>
        %rev3A_246 = tpu.iota {dimensions = array<i32: 0>} : vector<16xi32>
        %rev3A_247 = arith.subi %rev3A_245, %rev3A_246 : vector<16xi32>
        %rev3A_248 = tpu.dynamic_gather %masked_sort3A_243[%rev3A_247] in [0] : vector<16xf32>, vector<16xi32> -> vector<16xf32>
        %rev3A_249 = arith.constant 15 : i32
        %rev3A_250 = vector.broadcast %rev3A_249 : i32 to vector<16xi32>
        %rev3A_251 = tpu.iota {dimensions = array<i32: 0>} : vector<16xi32>
        %rev3A_252 = arith.subi %rev3A_250, %rev3A_251 : vector<16xi32>
        %rev3A_253 = tpu.dynamic_gather %masked_sort3A_244[%rev3A_252] in [0] : vector<16xi32>, vector<16xi32> -> vector<16xi32>
        %le3A = arith.cmpf ole, %while3A_232, %rev3A_248 : vector<16xf32>
        %select_n3A_254 = arith.select %le3A, %while3A_232, %rev3A_248 : vector<16xi1>, vector<16xf32>
        %select_n3A_255 = arith.select %le3A, %while3A_233, %rev3A_253 : vector<16xi1>, vector<16xi32>
        %masked_sort3A_256 = arith.constant dense<true> : vector<16xi1>
        %masked_sort3A_257, %masked_sort3A_258, %masked_sort3A_259 = tpu.sort %select_n3A_254, %select_n3A_255 masked %masked_sort3A_256 : (vector<16xf32>, vector<16xi32>, vector<16xi1>) -> (vector<16xi1>, vector<16xf32>, vector<16xi32>)
        scf.yield %masked_sort3A_258, %masked_sort3A_259 : vector<16xf32>, vector<16xi32>
      }
      %while3A_211 = arith.constant 1 : i32
      %while3A_212:2 = scf.for %while3A_231 = %while3A_208 to %while3A_204 step %while3A_211 iter_args(%while3A_232 = %while3A_210#0, %while3A_233 = %while3A_210#1) -> (vector<16xf32>, vector<16xi32>)  : i32 {
        %mul3A_234 = arith.constant 16 : i32
        %mul3A_235 = arith.muli %while3A_231, %mul3A_234 : i32
        %get3A_236 = arith.index_cast %mul3A_235 : i32 to index
        %get3A_237 = tpu.vector_load %arg7[%get3A_236] {strides = array<i32>} : memref<4112xf32, #tpu.memory_space<vmem>>, vector<16xf32>,
        %mul3A_238 = arith.constant 16 : i32
        %mul3A_239 = arith.muli %while3A_231, %mul3A_238 : i32
        %get3A_240 = arith.index_cast %mul3A_239 : i32 to index
        %get3A_241 = tpu.vector_load %arg8[%get3A_240] {strides = array<i32>} : memref<4112xi32, #tpu.memory_space<vmem>>, vector<16xi32>,
        %masked_sort3A = arith.constant dense<true> : vector<16xi1>
        %masked_sort3A_242, %masked_sort3A_243, %masked_sort3A_244 = tpu.sort %get3A_237, %get3A_241 masked %masked_sort3A : (vector<16xf32>, vector<16xi32>, vector<16xi1>) -> (vector<16xi1>, vector<16xf32>, vector<16xi32>)
        %rev3A = arith.constant 15 : i32
        %rev3A_245 = vector.broadcast %rev3A : i32 to vector<16xi32>
        %rev3A_246 = tpu.iota {dimensions = array<i32: 0>} : vector<16xi32>
        %rev3A_247 = arith.subi %rev3A_245, %rev3A_246 : vector<16xi32>
        %rev3A_248 = tpu.dynamic_gather %masked_sort3A_243[%rev3A_247] in [0] : vector<16xf32>, vector<16xi32> -> vector<16xf32>
        %rev3A_249 = arith.constant 15 : i32
        %rev3A_250 = vector.broadcast %rev3A_249 : i32 to vector<16xi32>
        %rev3A_251 = tpu.iota {dimensions = array<i32: 0>} : vector<16xi32>
        %rev3A_252 = arith.subi %rev3A_250, %rev3A_251 : vector<16xi32>
        %rev3A_253 = tpu.dynamic_gather %masked_sort3A_244[%rev3A_252] in [0] : vector<16xi32>, vector<16xi32> -> vector<16xi32>
        %le3A = arith.cmpf ole, %while3A_232, %rev3A_248 : vector<16xf32>
        %select_n3A_254 = arith.select %le3A, %while3A_232, %rev3A_248 : vector<16xi1>, vector<16xf32>
        %select_n3A_255 = arith.select %le3A, %while3A_233, %rev3A_253 : vector<16xi1>, vector<16xi32>
        %masked_sort3A_256 = arith.constant dense<true> : vector<16xi1>
        %masked_sort3A_257, %masked_sort3A_258, %masked_sort3A_259 = tpu.sort %select_n3A_254, %select_n3A_255 masked %masked_sort3A_256 : (vector<16xf32>, vector<16xi32>, vector<16xi1>) -> (vector<16xi1>, vector<16xf32>, vector<16xi32>)
        scf.yield %masked_sort3A_258, %masked_sort3A_259 : vector<16xf32>, vector<16xi32>
      }
      %add3A_213 = vector.broadcast %mul3A_20 : i32 to vector<16xi32>
      %add3A_214 = arith.addi %while3A_212#1, %add3A_213 : vector<16xi32>
      %swap3A_215 = arith.constant 0 : index
      %swap3A_216 = tpu.vector_load %arg9[%swap3A_215] {strides = array<i32>} : memref<16xi32, #tpu.memory_space<vmem>>, vector<16xi32>,
      tpu.vector_store %arg9[%swap3A_215], %add3A_214 {strides = array<i32>} : memref<16xi32, #tpu.memory_space<vmem>>, vector<16xi32>,
      %add3A_217 = arith.addi %mul3A_2, %add3A_156 : i32
      %dma_start3A_218 = arith.constant 0 : i32
      %dma_start3A_219 = tpu.memref_slice %arg4[%add3A_217, %dma_start3A_218] : memref<8192x16xi32, #tpu.memory_space<hbm>> -> memref<1x16xi32, #tpu.memory_space<hbm>>
      %dma_start3A_220 = tpu.memref_squeeze %dma_start3A_219 : memref<1x16xi32, #tpu.memory_space<hbm>> -> memref<16xi32, #tpu.memory_space<hbm>>
      %dma_start3A_221 = arith.constant 0 : i32
      %dma_start3A_222 = tpu.memref_slice %arg4[%add3A_217, %dma_start3A_221] : memref<8192x16xi32, #tpu.memory_space<hbm>> -> memref<1x16xi32, #tpu.memory_space<hbm>>
      %dma_start3A_223 = tpu.memref_squeeze %dma_start3A_222 : memref<1x16xi32, #tpu.memory_space<hbm>> -> memref<16xi32, #tpu.memory_space<hbm>>
      tpu.enqueue_dma source(%arg9 : memref<16xi32, #tpu.memory_space<vmem>>) target(%dma_start3A_223 : memref<16xi32, #tpu.memory_space<hbm>>) target_semaphore(%arg12 : memref<!tpu.dma_semaphore, #tpu.memory_space<semaphore_mem>>)
      %dma_wait3A_224 = arith.constant 0 : i32
      %dma_wait3A_225 = arith.constant 0 : i32
      %dma_wait3A_226 = tpu.memref_slice %arg4[%dma_wait3A_224, %dma_wait3A_225] : memref<8192x16xi32, #tpu.memory_space<hbm>> -> memref<1x16xi32, #tpu.memory_space<hbm>>
      %dma_wait3A_227 = tpu.memref_squeeze %dma_wait3A_226 : memref<1x16xi32, #tpu.memory_space<hbm>> -> memref<16xi32, #tpu.memory_space<hbm>>
      %dma_wait3A_228 = arith.constant 0 : i32
      %dma_wait3A_229 = tpu.memref_slice %arg4[%dma_wait3A_224, %dma_wait3A_228] : memref<8192x16xi32, #tpu.memory_space<hbm>> -> memref<1x16xi32, #tpu.memory_space<hbm>>
      %dma_wait3A_230 = tpu.memref_squeeze %dma_wait3A_229 : memref<1x16xi32, #tpu.memory_space<hbm>> -> memref<16xi32, #tpu.memory_space<hbm>>
      tpu.wait_dma2 semaphore(%arg12 : memref<!tpu.dma_semaphore, #tpu.memory_space<semaphore_mem>>) src(%arg9 : memref<16xi32, #tpu.memory_space<vmem>>) dst(%dma_wait3A_230 : memref<16xi32, #tpu.memory_space<hbm>>)
    }
    %scan3A_37 = arith.constant 128 : i32
    return
  }
}

#map = affine_map<(d0, d1) -> (0, 0)>
#map1 = affine_map<(d0, d1) -> (0)>
module attributes {stable_mosaic.version = 14 : i64} {
  func.func @gk(%arg0: i32, %arg1: i32, %arg2: memref<8192x128xf32, #tpu.memory_space<hbm>>, %arg3: memref<131072xi32, #tpu.memory_space<hbm>>, %arg4: memref<131072x128xf32, #tpu.memory_space<hbm>>, %arg5: memref<4096xi32, #tpu.memory_space<vmem>>, %arg6: memref<256x128xf32, #tpu.memory_space<vmem>>, %arg7: memref<256x128xf32, #tpu.memory_space<vmem>>, %arg8: memref<!tpu.dma_semaphore, #tpu.memory_space<semaphore_mem>>, %arg9: memref<!tpu.dma_semaphore, #tpu.memory_space<semaphore_mem>>, %arg10: memref<!tpu.dma_semaphore, #tpu.memory_space<semaphore_mem>>, %arg11: memref<!tpu.dma_semaphore, #tpu.memory_space<semaphore_mem>>) attributes {dimension_semantics = [#tpu.dimension_semantics<core_parallel>, #tpu.dimension_semantics<subcore_parallel>], iteration_bounds = array<i64: 2, 16>, scalar_prefetch = 0 : i64, scratch_operands = 7 : i64, tpu.core_type = #tpu.core_type<sc_vector_subcore>, window_params = [{transform_indices = #map}, {transform_indices = #map1}, {transform_indices = #map}]} {
    %mul3A = arith.constant 2 : i32
    %mul3A_0 = arith.muli %arg1, %mul3A : i32
    %add3A = arith.addi %mul3A_0, %arg0 : i32
    %mul3A_1 = arith.constant 4096 : i32
    %mul3A_2 = arith.muli %add3A, %mul3A_1 : i32
    "tpu.region"() ({
      %run_scoped3A = tpu.sem_alloc : memref<!tpu.dma_semaphore, #tpu.memory_space<semaphore_mem>>
      %dma_start3A = tpu.memref_slice %arg3[%mul3A_2] : memref<131072xi32, #tpu.memory_space<hbm>> -> memref<4096xi32, #tpu.memory_space<hbm>>
      %dma_start3A_19 = tpu.memref_slice %arg3[%mul3A_2] : memref<131072xi32, #tpu.memory_space<hbm>> -> memref<4096xi32, #tpu.memory_space<hbm>>
      tpu.enqueue_dma source(%dma_start3A_19 : memref<4096xi32, #tpu.memory_space<hbm>>) target(%arg5 : memref<4096xi32, #tpu.memory_space<vmem>>) target_semaphore(%run_scoped3A : memref<!tpu.dma_semaphore, #tpu.memory_space<semaphore_mem>>)
      %dma_wait3A_20 = tpu.memref_slice %arg3[%mul3A_2] : memref<131072xi32, #tpu.memory_space<hbm>> -> memref<4096xi32, #tpu.memory_space<hbm>>
      %dma_wait3A_21 = tpu.memref_slice %arg3[%mul3A_2] : memref<131072xi32, #tpu.memory_space<hbm>> -> memref<4096xi32, #tpu.memory_space<hbm>>
      tpu.wait_dma2 semaphore(%run_scoped3A : memref<!tpu.dma_semaphore, #tpu.memory_space<semaphore_mem>>) src(%dma_wait3A_21 : memref<4096xi32, #tpu.memory_space<hbm>>) dst(%arg5 : memref<4096xi32, #tpu.memory_space<vmem>>)
      tpu.yield
    }) : () -> ()
    %scan3A = arith.constant 0 : i32
    %scan3A_3 = arith.constant 0 : i32
    %scan3A_4 = arith.constant 8 : i32
    %scan3A_5 = arith.addi %scan3A_3, %scan3A_4 : i32
    %scan3A_6 = arith.constant 1 : i32
    scf.for %scan3A_19 = %scan3A_3 to %scan3A_5 step %scan3A_6  : i32 {
      %mul3A_20 = arith.constant 2 : i32
      %mul3A_21 = arith.muli %scan3A_19, %mul3A_20 : i32
      %gt3A = arith.constant 0 : i32
      %gt3A_22 = arith.cmpi sgt, %scan3A_19, %gt3A : i32
      %convert_element_type3A = arith.extui %gt3A_22 : i1 to i32
      %cond3A = arith.constant 0 : i32
      %cond3A_23 = arith.cmpi ne, %convert_element_type3A, %cond3A : i32
      scf.if %cond3A_23 {
        %dma_wait3A_72 = arith.constant 0 : i32
        %dma_wait3A_73 = arith.constant 0 : i32
        %dma_wait3A_74 = tpu.memref_slice %arg4[%dma_wait3A_72, %dma_wait3A_73] : memref<131072x128xf32, #tpu.memory_space<hbm>> -> memref<256x128xf32, #tpu.memory_space<hbm>>
        %dma_wait3A_75 = arith.constant 0 : i32
        %dma_wait3A_76 = arith.constant 0 : i32
        %dma_wait3A_77 = tpu.memref_slice %arg4[%dma_wait3A_75, %dma_wait3A_76] : memref<131072x128xf32, #tpu.memory_space<hbm>> -> memref<256x128xf32, #tpu.memory_space<hbm>>
        tpu.wait_dma2 semaphore(%arg10 : memref<!tpu.dma_semaphore, #tpu.memory_space<semaphore_mem>>) src(%arg6 : memref<256x128xf32, #tpu.memory_space<vmem>>) dst(%dma_wait3A_77 : memref<256x128xf32, #tpu.memory_space<hbm>>)
      } else {
      }
      %add3A_24 = arith.constant 0 : i32
      %add3A_25 = arith.addi %mul3A_21, %add3A_24 : i32
      %mul3A_26 = arith.constant 256 : i32
      %mul3A_27 = arith.muli %add3A_25, %mul3A_26 : i32
      %dma_start3A = tpu.memref_slice %arg5[%mul3A_27] : memref<4096xi32, #tpu.memory_space<vmem>> -> memref<256xi32, #tpu.memory_space<vmem>>
      %dma_start3A_28 = arith.constant 0 : i32
      %dma_start3A_29 = arith.constant 0 : i32
      %dma_start3A_30 = tpu.memref_slice %arg2[%dma_start3A_28, %dma_start3A_29] : memref<8192x128xf32, #tpu.memory_space<hbm>> -> memref<8192x128xf32, #tpu.memory_space<hbm>>
      tpu.enqueue_indirect_dma source(%dma_start3A_30 : memref<8192x128xf32, #tpu.memory_space<hbm>>) target(%arg6 : memref<256x128xf32, #tpu.memory_space<vmem>>) offsets(%dma_start3A : memref<256xi32, #tpu.memory_space<vmem>>) semaphore(%arg8 : memref<!tpu.dma_semaphore, #tpu.memory_space<semaphore_mem>>)
      %gt3A_31 = arith.constant 0 : i32
      %gt3A_32 = arith.cmpi sgt, %scan3A_19, %gt3A_31 : i32
      %convert_element_type3A_33 = arith.extui %gt3A_32 : i1 to i32
      %cond3A_34 = arith.constant 0 : i32
      %cond3A_35 = arith.cmpi ne, %convert_element_type3A_33, %cond3A_34 : i32
      scf.if %cond3A_35 {
        %dma_wait3A_72 = arith.constant 0 : i32
        %dma_wait3A_73 = arith.constant 0 : i32
        %dma_wait3A_74 = tpu.memref_slice %arg4[%dma_wait3A_72, %dma_wait3A_73] : memref<131072x128xf32, #tpu.memory_space<hbm>> -> memref<256x128xf32, #tpu.memory_space<hbm>>
        %dma_wait3A_75 = arith.constant 0 : i32
        %dma_wait3A_76 = arith.constant 0 : i32
        %dma_wait3A_77 = tpu.memref_slice %arg4[%dma_wait3A_75, %dma_wait3A_76] : memref<131072x128xf32, #tpu.memory_space<hbm>> -> memref<256x128xf32, #tpu.memory_space<hbm>>
        tpu.wait_dma2 semaphore(%arg11 : memref<!tpu.dma_semaphore, #tpu.memory_space<semaphore_mem>>) src(%arg7 : memref<256x128xf32, #tpu.memory_space<vmem>>) dst(%dma_wait3A_77 : memref<256x128xf32, #tpu.memory_space<hbm>>)
      } else {
      }
      %add3A_36 = arith.constant 1 : i32
      %add3A_37 = arith.addi %mul3A_21, %add3A_36 : i32
      %mul3A_38 = arith.constant 256 : i32
      %mul3A_39 = arith.muli %add3A_37, %mul3A_38 : i32
      %dma_start3A_40 = tpu.memref_slice %arg5[%mul3A_39] : memref<4096xi32, #tpu.memory_space<vmem>> -> memref<256xi32, #tpu.memory_space<vmem>>
      %dma_start3A_41 = arith.constant 0 : i32
      %dma_start3A_42 = arith.constant 0 : i32
      %dma_start3A_43 = tpu.memref_slice %arg2[%dma_start3A_41, %dma_start3A_42] : memref<8192x128xf32, #tpu.memory_space<hbm>> -> memref<8192x128xf32, #tpu.memory_space<hbm>>
      tpu.enqueue_indirect_dma source(%dma_start3A_43 : memref<8192x128xf32, #tpu.memory_space<hbm>>) target(%arg7 : memref<256x128xf32, #tpu.memory_space<vmem>>) offsets(%dma_start3A_40 : memref<256xi32, #tpu.memory_space<vmem>>) semaphore(%arg9 : memref<!tpu.dma_semaphore, #tpu.memory_space<semaphore_mem>>)
      %dma_wait3A_44 = arith.constant 0 : i32
      %dma_wait3A_45 = tpu.memref_slice %arg5[%dma_wait3A_44] : memref<4096xi32, #tpu.memory_space<vmem>> -> memref<256xi32, #tpu.memory_space<vmem>>
      %dma_wait3A_46 = arith.constant 0 : i32
      %dma_wait3A_47 = arith.constant 0 : i32
      %dma_wait3A_48 = tpu.memref_slice %arg2[%dma_wait3A_46, %dma_wait3A_47] : memref<8192x128xf32, #tpu.memory_space<hbm>> -> memref<8192x128xf32, #tpu.memory_space<hbm>>
      tpu.wait_indirect_dma semaphore(%arg8 : memref<!tpu.dma_semaphore, #tpu.memory_space<semaphore_mem>>) src(%dma_wait3A_48 : memref<8192x128xf32, #tpu.memory_space<hbm>>) dst(%arg6 : memref<256x128xf32, #tpu.memory_space<vmem>>)
      %add3A_49 = arith.constant 0 : i32
      %add3A_50 = arith.addi %mul3A_21, %add3A_49 : i32
      %mul3A_51 = arith.constant 256 : i32
      %mul3A_52 = arith.muli %add3A_50, %mul3A_51 : i32
      %add3A_53 = arith.addi %mul3A_2, %mul3A_52 : i32
      %dma_start3A_54 = arith.constant 0 : i32
      %dma_start3A_55 = tpu.memref_slice %arg4[%add3A_53, %dma_start3A_54] : memref<131072x128xf32, #tpu.memory_space<hbm>> -> memref<256x128xf32, #tpu.memory_space<hbm>>
      %dma_start3A_56 = arith.constant 0 : i32
      %dma_start3A_57 = tpu.memref_slice %arg4[%add3A_53, %dma_start3A_56] : memref<131072x128xf32, #tpu.memory_space<hbm>> -> memref<256x128xf32, #tpu.memory_space<hbm>>
      tpu.enqueue_dma source(%arg6 : memref<256x128xf32, #tpu.memory_space<vmem>>) target(%dma_start3A_57 : memref<256x128xf32, #tpu.memory_space<hbm>>) target_semaphore(%arg10 : memref<!tpu.dma_semaphore, #tpu.memory_space<semaphore_mem>>)
      %dma_wait3A_58 = arith.constant 0 : i32
      %dma_wait3A_59 = tpu.memref_slice %arg5[%dma_wait3A_58] : memref<4096xi32, #tpu.memory_space<vmem>> -> memref<256xi32, #tpu.memory_space<vmem>>
      %dma_wait3A_60 = arith.constant 0 : i32
      %dma_wait3A_61 = arith.constant 0 : i32
      %dma_wait3A_62 = tpu.memref_slice %arg2[%dma_wait3A_60, %dma_wait3A_61] : memref<8192x128xf32, #tpu.memory_space<hbm>> -> memref<8192x128xf32, #tpu.memory_space<hbm>>
      tpu.wait_indirect_dma semaphore(%arg9 : memref<!tpu.dma_semaphore, #tpu.memory_space<semaphore_mem>>) src(%dma_wait3A_62 : memref<8192x128xf32, #tpu.memory_space<hbm>>) dst(%arg7 : memref<256x128xf32, #tpu.memory_space<vmem>>)
      %add3A_63 = arith.constant 1 : i32
      %add3A_64 = arith.addi %mul3A_21, %add3A_63 : i32
      %mul3A_65 = arith.constant 256 : i32
      %mul3A_66 = arith.muli %add3A_64, %mul3A_65 : i32
      %add3A_67 = arith.addi %mul3A_2, %mul3A_66 : i32
      %dma_start3A_68 = arith.constant 0 : i32
      %dma_start3A_69 = tpu.memref_slice %arg4[%add3A_67, %dma_start3A_68] : memref<131072x128xf32, #tpu.memory_space<hbm>> -> memref<256x128xf32, #tpu.memory_space<hbm>>
      %dma_start3A_70 = arith.constant 0 : i32
      %dma_start3A_71 = tpu.memref_slice %arg4[%add3A_67, %dma_start3A_70] : memref<131072x128xf32, #tpu.memory_space<hbm>> -> memref<256x128xf32, #tpu.memory_space<hbm>>
      tpu.enqueue_dma source(%arg7 : memref<256x128xf32, #tpu.memory_space<vmem>>) target(%dma_start3A_71 : memref<256x128xf32, #tpu.memory_space<hbm>>) target_semaphore(%arg11 : memref<!tpu.dma_semaphore, #tpu.memory_space<semaphore_mem>>)
    }
    %scan3A_7 = arith.constant 8 : i32
    %dma_wait3A = arith.constant 0 : i32
    %dma_wait3A_8 = arith.constant 0 : i32
    %dma_wait3A_9 = tpu.memref_slice %arg4[%dma_wait3A, %dma_wait3A_8] : memref<131072x128xf32, #tpu.memory_space<hbm>> -> memref<256x128xf32, #tpu.memory_space<hbm>>
    %dma_wait3A_10 = arith.constant 0 : i32
    %dma_wait3A_11 = arith.constant 0 : i32
    %dma_wait3A_12 = tpu.memref_slice %arg4[%dma_wait3A_10, %dma_wait3A_11] : memref<131072x128xf32, #tpu.memory_space<hbm>> -> memref<256x128xf32, #tpu.memory_space<hbm>>
    tpu.wait_dma2 semaphore(%arg10 : memref<!tpu.dma_semaphore, #tpu.memory_space<semaphore_mem>>) src(%arg6 : memref<256x128xf32, #tpu.memory_space<vmem>>) dst(%dma_wait3A_12 : memref<256x128xf32, #tpu.memory_space<hbm>>)
    %dma_wait3A_13 = arith.constant 0 : i32
    %dma_wait3A_14 = arith.constant 0 : i32
    %dma_wait3A_15 = tpu.memref_slice %arg4[%dma_wait3A_13, %dma_wait3A_14] : memref<131072x128xf32, #tpu.memory_space<hbm>> -> memref<256x128xf32, #tpu.memory_space<hbm>>
    %dma_wait3A_16 = arith.constant 0 : i32
    %dma_wait3A_17 = arith.constant 0 : i32
    %dma_wait3A_18 = tpu.memref_slice %arg4[%dma_wait3A_16, %dma_wait3A_17] : memref<131072x128xf32, #tpu.memory_space<hbm>> -> memref<256x128xf32, #tpu.memory_space<hbm>>
    tpu.wait_dma2 semaphore(%arg11 : memref<!tpu.dma_semaphore, #tpu.memory_space<semaphore_mem>>) src(%arg7 : memref<256x128xf32, #tpu.memory_space<vmem>>) dst(%dma_wait3A_18 : memref<256x128xf32, #tpu.memory_space<hbm>>)
    return
  }
}

module attributes {stable_mosaic.version = 14 : i64} {
  func.func @_d2_body(%arg0: i32, %arg1: i32, %arg2: memref<1x512x128xf32, #tpu.memory_space<vmem>>, %arg3: memref<1x128x4096xf32, #tpu.memory_space<vmem>>, %arg4: memref<1x512x4096xf32, #tpu.memory_space<vmem>>, %arg5: memref<512x16xf32, #tpu.memory_space<vmem>>) attributes {dimension_semantics = [#tpu.dimension_semantics<parallel>, #tpu.dimension_semantics<parallel>], iteration_bounds = array<i64: 2, 8>, scalar_prefetch = 0 : i64, scratch_operands = 0 : i64, tpu.core_type = #tpu.core_type<tc>, window_params = [{transform_indices = @transform_0, window_bounds = array<i64: 1, 512, 128>}, {transform_indices = @transform_1, window_bounds = array<i64: 1, 128, 4096>}, {transform_indices = @transform_2, window_bounds = array<i64: 1, 512, 4096>}, {transform_indices = @transform_3, window_bounds = array<i64: 512, 16>}]} {
    %get3A = arith.constant 0 : index
    %get3A_0 = arith.constant 0 : index
    %get3A_1 = arith.constant 0 : index
    %get3A_2 = vector.load %arg2[%get3A, %get3A_0, %get3A_1] : memref<1x512x128xf32, #tpu.memory_space<vmem>>, vector<1x512x128xf32>
    %get3A_3 = vector.shape_cast %get3A_2 : vector<1x512x128xf32> to vector<512x128xf32>
    %get3A_4 = arith.constant 0 : index
    %get3A_5 = arith.constant 0 : index
    %get3A_6 = arith.constant 0 : index
    %get3A_7 = vector.load %arg3[%get3A_4, %get3A_5, %get3A_6] : memref<1x128x4096xf32, #tpu.memory_space<vmem>>, vector<1x128x4096xf32>
    %get3A_8 = vector.shape_cast %get3A_7 : vector<1x128x4096xf32> to vector<128x4096xf32>
    %slice3A = vector.extract_strided_slice %get3A_3 {offsets = [0, 0], sizes = [512, 1], strides = [1, 1]} : vector<512x128xf32> to vector<512x1xf32>
    %slice3A_9 = vector.extract_strided_slice %get3A_3 {offsets = [0, 1], sizes = [512, 1], strides = [1, 1]} : vector<512x128xf32> to vector<512x1xf32>
    %slice3A_10 = vector.extract_strided_slice %get3A_3 {offsets = [0, 2], sizes = [512, 1], strides = [1, 1]} : vector<512x128xf32> to vector<512x1xf32>
    %slice3A_11 = vector.extract_strided_slice %get3A_8 {offsets = [0, 0], sizes = [1, 4096], strides = [1, 1]} : vector<128x4096xf32> to vector<1x4096xf32>
    %slice3A_12 = vector.extract_strided_slice %get3A_8 {offsets = [1, 0], sizes = [1, 4096], strides = [1, 1]} : vector<128x4096xf32> to vector<1x4096xf32>
    %slice3A_13 = vector.extract_strided_slice %get3A_8 {offsets = [2, 0], sizes = [1, 4096], strides = [1, 1]} : vector<128x4096xf32> to vector<1x4096xf32>
    %mul3A = arith.mulf %slice3A, %slice3A : vector<512x1xf32>
    %mul3A_14 = arith.mulf %slice3A_9, %slice3A_9 : vector<512x1xf32>
    %add3A = arith.addf %mul3A, %mul3A_14 : vector<512x1xf32>
    %mul3A_15 = arith.mulf %slice3A_10, %slice3A_10 : vector<512x1xf32>
    %add3A_16 = arith.addf %add3A, %mul3A_15 : vector<512x1xf32>
    %mul3A_17 = arith.mulf %slice3A_11, %slice3A_11 : vector<1x4096xf32>
    %mul3A_18 = arith.mulf %slice3A_12, %slice3A_12 : vector<1x4096xf32>
    %add3A_19 = arith.addf %mul3A_17, %mul3A_18 : vector<1x4096xf32>
    %mul3A_20 = arith.mulf %slice3A_13, %slice3A_13 : vector<1x4096xf32>
    %add3A_21 = arith.addf %add3A_19, %mul3A_20 : vector<1x4096xf32>
    %add3A_22 = vector.broadcast %add3A_16 : vector<512x1xf32> to vector<512x4096xf32>
    %add3A_23 = vector.broadcast %add3A_21 : vector<1x4096xf32> to vector<512x4096xf32>
    %add3A_24 = arith.addf %add3A_22, %add3A_23 : vector<512x4096xf32>
    %dot_general3A = arith.constant dense<0.000000e+00> : vector<512x4096xf32>
    %dot_general3A_25 = tpu.matmul %get3A_3, %get3A_8, %dot_general3A {dimension_numbers = #tpu.dot_dimension_numbers<[1], [0], [0], [1], [0, 0, 1, 1], [], []>, transpose_lhs_hint = false} : vector<512x128xf32>, vector<128x4096xf32>, vector<512x4096xf32> -> vector<512x4096xf32>
    %mul3A_26 = arith.constant 2.000000e+00 : f32
    %mul3A_27 = vector.broadcast %mul3A_26 : f32 to vector<512x4096xf32>
    %mul3A_28 = arith.mulf %mul3A_27, %dot_general3A_25 : vector<512x4096xf32>
    %sub3A = arith.subf %add3A_24, %mul3A_28 : vector<512x4096xf32>
    %swap3A = arith.constant 0 : index
    %swap3A_29 = arith.constant 0 : index
    %swap3A_30 = arith.constant 0 : index
    %swap3A_31 = vector.load %arg4[%swap3A, %swap3A_29, %swap3A_30] : memref<1x512x4096xf32, #tpu.memory_space<vmem>>, vector<1x512x4096xf32>
    %swap3A_32 = vector.shape_cast %swap3A_31 : vector<1x512x4096xf32> to vector<512x4096xf32>
    %swap3A_33 = vector.shape_cast %sub3A : vector<512x4096xf32> to vector<1x512x4096xf32>
    tpu.vector_store %arg4[%swap3A, %swap3A_29, %swap3A_30], %swap3A_33 {strides = array<i32>} : memref<1x512x4096xf32, #tpu.memory_space<vmem>>, vector<1x512x4096xf32>,
    %reshape3A = vector.shape_cast %sub3A : vector<512x4096xf32> to vector<512x16x256xf32>
    %reduce_min3A = arith.constant dense<0x7F800000> : vector<512x16xf32>
    %reduce_min3A_34 = vector.multi_reduction <minimumf>, %reshape3A, %reduce_min3A [2] : vector<512x16x256xf32> to vector<512x16xf32>
    %reduce_max3A = arith.constant dense<0xFF800000> : vector<512xf32>
    %reduce_max3A_35 = vector.multi_reduction <maximumf>, %reduce_min3A_34, %reduce_max3A [1] : vector<512x16xf32> to vector<512xf32>
    %broadcast_in_dim3A = vector.shape_cast %reduce_max3A_35 : vector<512xf32> to vector<512x1xf32>
    %mul3A_36 = arith.constant 5.000000e-01 : f32
    %mul3A_37 = vector.broadcast %mul3A_36 : f32 to vector<512x1xf32>
    %mul3A_38 = arith.mulf %broadcast_in_dim3A, %mul3A_37 : vector<512x1xf32>
    %le3A = vector.broadcast %mul3A_38 : vector<512x1xf32> to vector<512x4096xf32>
    %le3A_39 = arith.cmpf ole, %sub3A, %le3A : vector<512x4096xf32>
    %convert_element_type3A = arith.extui %le3A_39 : vector<512x4096xi1> to vector<512x4096xi32>
    %reduce_sum3A = arith.constant dense<0> : vector<512xi32>
    %reduce_sum3A_40 = vector.multi_reduction <add>, %convert_element_type3A, %reduce_sum3A [1] : vector<512x4096xi32> to vector<512xi32>
    %broadcast_in_dim3A_41 = vector.shape_cast %reduce_sum3A_40 : vector<512xi32> to vector<512x1xi32>
    %ge3A = arith.constant 16 : i32
    %ge3A_42 = vector.broadcast %ge3A : i32 to vector<512x1xi32>
    %ge3A_43 = arith.cmpi sge, %broadcast_in_dim3A_41, %ge3A_42 : vector<512x1xi32>
    %select_n3A = arith.select %ge3A_43, %mul3A_38, %broadcast_in_dim3A : vector<512x1xi1>, vector<512x1xf32>
    %broadcast_in_dim3A_44 = vector.shape_cast %select_n3A : vector<512x1xf32> to vector<512x1xf32>
    %broadcast_in_dim3A_45 = vector.broadcast %broadcast_in_dim3A_44 : vector<512x1xf32> to vector<512x16xf32>
    %swap3A_46 = arith.constant 0 : index
    %swap3A_47 = arith.constant 0 : index
    %swap3A_48 = vector.load %arg5[%swap3A_46, %swap3A_47] : memref<512x16xf32, #tpu.memory_space<vmem>>, vector<512x16xf32>
    tpu.vector_store %arg5[%swap3A_46, %swap3A_47], %broadcast_in_dim3A_45 {strides = array<i32>} : memref<512x16xf32, #tpu.memory_space<vmem>>, vector<512x16xf32>,
    return
  }
  func.func @transform_0(%arg0: i32, %arg1: i32) -> (i32, i32, i32) {
    %c0_i32 = arith.constant 0 : i32
    %c0_i32_0 = arith.constant 0 : i32
    return %arg0, %arg1, %c0_i32 : i32, i32, i32
  }
  func.func @transform_1(%arg0: i32, %arg1: i32) -> (i32, i32, i32) {
    %c0_i32 = arith.constant 0 : i32
    %c0_i32_0 = arith.constant 0 : i32
    %c0_i32_1 = arith.constant 0 : i32
    return %arg0, %c0_i32, %c0_i32_0 : i32, i32, i32
  }
  func.func @transform_2(%arg0: i32, %arg1: i32) -> (i32, i32, i32) {
    %c0_i32 = arith.constant 0 : i32
    %c0_i32_0 = arith.constant 0 : i32
    return %arg0, %arg1, %c0_i32 : i32, i32, i32
  }
  func.func @transform_3(%arg0: i32, %arg1: i32) -> (i32, i32) {
    %mul3A = arith.constant 8 : i32
    %mul3A_0 = arith.muli %arg0, %mul3A : i32
    %add3A = arith.addi %mul3A_0, %arg1 : i32
    %c0_i32 = arith.constant 0 : i32
    %c0_i32_1 = arith.constant 0 : i32
    return %add3A, %c0_i32 : i32, i32
  }
}

module attributes {stable_mosaic.version = 14 : i64} {
  func.func @_p0_body(%arg0: i32, %arg1: memref<1024x256xf32, #tpu.memory_space<vmem>>, %arg2: memref<256x256xf32, #tpu.memory_space<vmem>>, %arg3: memref<256x256xf32, #tpu.memory_space<vmem>>, %arg4: memref<256x256xf32, #tpu.memory_space<vmem>>, %arg5: memref<1024x256xf32, #tpu.memory_space<vmem>>, %arg6: memref<1024x256xf32, #tpu.memory_space<vmem>>, %arg7: memref<1024x256xf32, #tpu.memory_space<vmem>>) attributes {dimension_semantics = [#tpu.dimension_semantics<parallel>], iteration_bounds = array<i64: 8>, scalar_prefetch = 0 : i64, scratch_operands = 0 : i64, tpu.core_type = #tpu.core_type<tc>, window_params = [{transform_indices = @transform_0, window_bounds = array<i64: 1024, 256>}, {pipeline_mode = #tpu.pipeline_mode<synchronous>, transform_indices = @transform_1, window_bounds = array<i64: 256, 256>}, {pipeline_mode = #tpu.pipeline_mode<synchronous>, transform_indices = @transform_2, window_bounds = array<i64: 256, 256>}, {pipeline_mode = #tpu.pipeline_mode<synchronous>, transform_indices = @transform_3, window_bounds = array<i64: 256, 256>}, {transform_indices = @transform_4, window_bounds = array<i64: 1024, 256>}, {transform_indices = @transform_5, window_bounds = array<i64: 1024, 256>}, {transform_indices = @transform_6, window_bounds = array<i64: 1024, 256>}]} {
    %get3A = arith.constant 0 : index
    %get3A_0 = arith.constant 0 : index
    %get3A_1 = vector.load %arg1[%get3A, %get3A_0] : memref<1024x256xf32, #tpu.memory_space<vmem>>, vector<1024x256xf32>
    %get3A_2 = arith.constant 0 : index
    %get3A_3 = arith.constant 0 : index
    %get3A_4 = vector.load %arg2[%get3A_2, %get3A_3] : memref<256x256xf32, #tpu.memory_space<vmem>>, vector<256x256xf32>
    %dot_general3A = arith.constant dense<0.000000e+00> : vector<1024x256xf32>
    %dot_general3A_5 = tpu.matmul %get3A_1, %get3A_4, %dot_general3A {dimension_numbers = #tpu.dot_dimension_numbers<[1], [0], [0], [1], [0, 0, 1, 1], [], []>, transpose_lhs_hint = false} : vector<1024x256xf32>, vector<256x256xf32>, vector<1024x256xf32> -> vector<1024x256xf32>
    %swap3A = arith.constant 0 : index
    %swap3A_6 = arith.constant 0 : index
    %swap3A_7 = vector.load %arg5[%swap3A, %swap3A_6] : memref<1024x256xf32, #tpu.memory_space<vmem>>, vector<1024x256xf32>
    tpu.vector_store %arg5[%swap3A, %swap3A_6], %dot_general3A_5 {strides = array<i32>} : memref<1024x256xf32, #tpu.memory_space<vmem>>, vector<1024x256xf32>,
    %get3A_8 = arith.constant 0 : index
    %get3A_9 = arith.constant 0 : index
    %get3A_10 = vector.load %arg3[%get3A_8, %get3A_9] : memref<256x256xf32, #tpu.memory_space<vmem>>, vector<256x256xf32>
    %dot_general3A_11 = arith.constant dense<0.000000e+00> : vector<1024x256xf32>
    %dot_general3A_12 = tpu.matmul %get3A_1, %get3A_10, %dot_general3A_11 {dimension_numbers = #tpu.dot_dimension_numbers<[1], [0], [0], [1], [0, 0, 1, 1], [], []>, transpose_lhs_hint = false} : vector<1024x256xf32>, vector<256x256xf32>, vector<1024x256xf32> -> vector<1024x256xf32>
    %swap3A_13 = arith.constant 0 : index
    %swap3A_14 = arith.constant 0 : index
    %swap3A_15 = vector.load %arg6[%swap3A_13, %swap3A_14] : memref<1024x256xf32, #tpu.memory_space<vmem>>, vector<1024x256xf32>
    tpu.vector_store %arg6[%swap3A_13, %swap3A_14], %dot_general3A_12 {strides = array<i32>} : memref<1024x256xf32, #tpu.memory_space<vmem>>, vector<1024x256xf32>,
    %get3A_16 = arith.constant 0 : index
    %get3A_17 = arith.constant 0 : index
    %get3A_18 = vector.load %arg4[%get3A_16, %get3A_17] : memref<256x256xf32, #tpu.memory_space<vmem>>, vector<256x256xf32>
    %dot_general3A_19 = arith.constant dense<0.000000e+00> : vector<1024x256xf32>
    %dot_general3A_20 = tpu.matmul %get3A_1, %get3A_18, %dot_general3A_19 {dimension_numbers = #tpu.dot_dimension_numbers<[1], [0], [0], [1], [0, 0, 1, 1], [], []>, transpose_lhs_hint = false} : vector<1024x256xf32>, vector<256x256xf32>, vector<1024x256xf32> -> vector<1024x256xf32>
    %swap3A_21 = arith.constant 0 : index
    %swap3A_22 = arith.constant 0 : index
    %swap3A_23 = vector.load %arg7[%swap3A_21, %swap3A_22] : memref<1024x256xf32, #tpu.memory_space<vmem>>, vector<1024x256xf32>
    tpu.vector_store %arg7[%swap3A_21, %swap3A_22], %dot_general3A_20 {strides = array<i32>} : memref<1024x256xf32, #tpu.memory_space<vmem>>, vector<1024x256xf32>,
    return
  }
  func.func @transform_0(%arg0: i32) -> (i32, i32) {
    %c0_i32 = arith.constant 0 : i32
    %c0_i32_0 = arith.constant 0 : i32
    return %arg0, %c0_i32 : i32, i32
  }
  func.func @transform_1(%arg0: i32) -> (i32, i32) {
    %c0_i32 = arith.constant 0 : i32
    %c0_i32_0 = arith.constant 0 : i32
    %c0_i32_1 = arith.constant 0 : i32
    return %c0_i32, %c0_i32_0 : i32, i32
  }
  func.func @transform_2(%arg0: i32) -> (i32, i32) {
    %c0_i32 = arith.constant 0 : i32
    %c0_i32_0 = arith.constant 0 : i32
    %c0_i32_1 = arith.constant 0 : i32
    return %c0_i32, %c0_i32_0 : i32, i32
  }
  func.func @transform_3(%arg0: i32) -> (i32, i32) {
    %c0_i32 = arith.constant 0 : i32
    %c0_i32_0 = arith.constant 0 : i32
    %c0_i32_1 = arith.constant 0 : i32
    return %c0_i32, %c0_i32_0 : i32, i32
  }
  func.func @transform_4(%arg0: i32) -> (i32, i32) {
    %c0_i32 = arith.constant 0 : i32
    %c0_i32_0 = arith.constant 0 : i32
    return %arg0, %c0_i32 : i32, i32
  }
  func.func @transform_5(%arg0: i32) -> (i32, i32) {
    %c0_i32 = arith.constant 0 : i32
    %c0_i32_0 = arith.constant 0 : i32
    return %arg0, %c0_i32 : i32, i32
  }
  func.func @transform_6(%arg0: i32) -> (i32, i32) {
    %c0_i32 = arith.constant 0 : i32
    %c0_i32_0 = arith.constant 0 : i32
    return %arg0, %c0_i32 : i32, i32
  }
}

module attributes {stable_mosaic.version = 14 : i64} {
  func.func @_p2_body(%arg0: i32, %arg1: memref<2048x384xf32, #tpu.memory_space<vmem>>, %arg2: memref<128x128xf32, #tpu.memory_space<vmem>>, %arg3: memref<128x256xf32, #tpu.memory_space<vmem>>, %arg4: memref<128x256xf32, #tpu.memory_space<vmem>>, %arg5: memref<256x256xf32, #tpu.memory_space<vmem>>, %arg6: memref<256x256xf32, #tpu.memory_space<vmem>>, %arg7: memref<1x256xf32, #tpu.memory_space<vmem>>, %arg8: memref<1x256xf32, #tpu.memory_space<vmem>>, %arg9: memref<2048x256xbf16, #tpu.memory_space<vmem>>, %arg10: memref<2048x256xbf16, #tpu.memory_space<vmem>>, %arg11: memref<8x256xf32, #tpu.memory_space<vmem>>) attributes {dimension_semantics = [#tpu.dimension_semantics<arbitrary>], iteration_bounds = array<i64: 64>, scalar_prefetch = 0 : i64, scratch_operands = 0 : i64, tpu.core_type = #tpu.core_type<tc>, window_params = [{transform_indices = @transform_0, window_bounds = array<i64: 2048, 384>}, {transform_indices = @transform_1, window_bounds = array<i64: 128, 128>}, {transform_indices = @transform_2, window_bounds = array<i64: 128, 256>}, {pipeline_mode = #tpu.pipeline_mode<synchronous>, transform_indices = @transform_3, window_bounds = array<i64: 128, 256>}, {pipeline_mode = #tpu.pipeline_mode<synchronous>, transform_indices = @transform_4, window_bounds = array<i64: 256, 256>}, {pipeline_mode = #tpu.pipeline_mode<synchronous>, transform_indices = @transform_5, window_bounds = array<i64: 256, 256>}, {pipeline_mode = #tpu.pipeline_mode<synchronous>, transform_indices = @transform_6, window_bounds = array<i64: 1, 256>}, {pipeline_mode = #tpu.pipeline_mode<synchronous>, transform_indices = @transform_7, window_bounds = array<i64: 1, 256>}, {transform_indices = @transform_8, window_bounds = array<i64: 2048, 256>}, {transform_indices = @transform_9, window_bounds = array<i64: 2048, 256>}, {pipeline_mode = #tpu.pipeline_mode<synchronous>, transform_indices = @transform_10, window_bounds = array<i64: 8, 256>}]} {
    %get3A = arith.constant 0 : index
    %get3A_0 = arith.constant 0 : index
    %get3A_1 = vector.load %arg2[%get3A, %get3A_0] : memref<128x128xf32, #tpu.memory_space<vmem>>, vector<128x128xf32>
    %broadcast_in_dim3A = vector.shape_cast %get3A_1 : vector<128x128xf32> to vector<128x1x128xf32>
    %broadcast_in_dim3A_2 = vector.shape_cast %broadcast_in_dim3A : vector<128x1x128xf32> to vector<128x1x128xf32>
    %broadcast_in_dim3A_3 = vector.broadcast %broadcast_in_dim3A_2 : vector<128x1x128xf32> to vector<128x16x128xf32>
    %reshape3A = vector.shape_cast %broadcast_in_dim3A_3 : vector<128x16x128xf32> to vector<2048x128xf32>
    %get3A_4 = arith.constant 0 : index
    %get3A_5 = arith.constant 0 : index
    %get3A_6 = vector.load %arg1[%get3A_4, %get3A_5] : memref<2048x384xf32, #tpu.memory_space<vmem>>, vector<2048x384xf32>
    %slice3A = vector.extract_strided_slice %get3A_6 {offsets = [0, 256], sizes = [2048, 128], strides = [1, 1]} : vector<2048x384xf32> to vector<2048x128xf32>
    %sub3A = arith.subf %reshape3A, %slice3A : vector<2048x128xf32>
    %get3A_7 = arith.constant 0 : index
    %get3A_8 = arith.constant 0 : index
    %get3A_9 = vector.load %arg4[%get3A_7, %get3A_8] : memref<128x256xf32, #tpu.memory_space<vmem>>, vector<128x256xf32>
    %dot_general3A = arith.constant dense<0.000000e+00> : vector<2048x256xf32>
    %dot_general3A_10 = tpu.matmul %sub3A, %get3A_9, %dot_general3A {dimension_numbers = #tpu.dot_dimension_numbers<[1], [0], [0], [1], [0, 0, 1, 1], [], []>, transpose_lhs_hint = false} : vector<2048x128xf32>, vector<128x256xf32>, vector<2048x256xf32> -> vector<2048x256xf32>
    %get3A_11 = arith.constant 0 : index
    %get3A_12 = arith.constant 0 : index
    %get3A_13 = vector.load %arg7[%get3A_11, %get3A_12] : memref<1x256xf32, #tpu.memory_space<vmem>>, vector<1x256xf32>
    %mul3A = vector.broadcast %get3A_13 : vector<1x256xf32> to vector<2048x256xf32>
    %mul3A_14 = arith.mulf %dot_general3A_10, %mul3A : vector<2048x256xf32>
    %get3A_15 = arith.constant 0 : index
    %get3A_16 = arith.constant 0 : index
    %get3A_17 = vector.load %arg8[%get3A_15, %get3A_16] : memref<1x256xf32, #tpu.memory_space<vmem>>, vector<1x256xf32>
    %add3A = vector.broadcast %get3A_17 : vector<1x256xf32> to vector<2048x256xf32>
    %add3A_18 = arith.addf %mul3A_14, %add3A : vector<2048x256xf32>
    %max3A = arith.constant 0.000000e+00 : f32
    %max3A_19 = vector.broadcast %max3A : f32 to vector<2048x256xf32>
    %max3A_20 = arith.maximumf %add3A_18, %max3A_19 : vector<2048x256xf32>
    %get3A_21 = arith.constant 0 : index
    %get3A_22 = arith.constant 0 : index
    %get3A_23 = vector.load %arg5[%get3A_21, %get3A_22] : memref<256x256xf32, #tpu.memory_space<vmem>>, vector<256x256xf32>
    %dot_general3A_24 = arith.constant dense<0.000000e+00> : vector<2048x256xf32>
    %dot_general3A_25 = tpu.matmul %max3A_20, %get3A_23, %dot_general3A_24 {dimension_numbers = #tpu.dot_dimension_numbers<[1], [0], [0], [1], [0, 0, 1, 1], [], []>, transpose_lhs_hint = false} : vector<2048x256xf32>, vector<256x256xf32>, vector<2048x256xf32> -> vector<2048x256xf32>
    %get3A_26 = arith.constant 0 : index
    %get3A_27 = arith.constant 0 : index
    %get3A_28 = vector.load %arg3[%get3A_26, %get3A_27] : memref<128x256xf32, #tpu.memory_space<vmem>>, vector<128x256xf32>
    %broadcast_in_dim3A_29 = vector.shape_cast %get3A_28 : vector<128x256xf32> to vector<128x1x256xf32>
    %broadcast_in_dim3A_30 = vector.shape_cast %broadcast_in_dim3A_29 : vector<128x1x256xf32> to vector<128x1x256xf32>
    %broadcast_in_dim3A_31 = vector.broadcast %broadcast_in_dim3A_30 : vector<128x1x256xf32> to vector<128x16x256xf32>
    %reshape3A_32 = vector.shape_cast %broadcast_in_dim3A_31 : vector<128x16x256xf32> to vector<2048x256xf32>
    %slice3A_33 = vector.extract_strided_slice %get3A_6 {offsets = [0, 0], sizes = [2048, 256], strides = [1, 1]} : vector<2048x384xf32> to vector<2048x256xf32>
    %sub3A_34 = arith.subf %reshape3A_32, %slice3A_33 : vector<2048x256xf32>
    %add3A_35 = arith.addf %sub3A_34, %dot_general3A_25 : vector<2048x256xf32>
    %get3A_36 = arith.constant 0 : index
    %get3A_37 = arith.constant 0 : index
    %get3A_38 = vector.load %arg6[%get3A_36, %get3A_37] : memref<256x256xf32, #tpu.memory_space<vmem>>, vector<256x256xf32>
    %dot_general3A_39 = arith.constant dense<0.000000e+00> : vector<2048x256xf32>
    %dot_general3A_40 = tpu.matmul %add3A_35, %get3A_38, %dot_general3A_39 {dimension_numbers = #tpu.dot_dimension_numbers<[1], [0], [0], [1], [0, 0, 1, 1], [], []>, transpose_lhs_hint = false} : vector<2048x256xf32>, vector<256x256xf32>, vector<2048x256xf32> -> vector<2048x256xf32>
    %convert_element_type3A = arith.truncf %dot_general3A_40 : vector<2048x256xf32> to vector<2048x256xbf16>
    %swap3A = arith.constant 0 : index
    %swap3A_41 = arith.constant 0 : index
    %swap3A_42 = vector.load %arg9[%swap3A, %swap3A_41] : memref<2048x256xbf16, #tpu.memory_space<vmem>>, vector<2048x256xbf16>
    tpu.vector_store %arg9[%swap3A, %swap3A_41], %convert_element_type3A {strides = array<i32>} : memref<2048x256xbf16, #tpu.memory_space<vmem>>, vector<2048x256xbf16>,
    %convert_element_type3A_43 = arith.truncf %dot_general3A_25 : vector<2048x256xf32> to vector<2048x256xbf16>
    %swap3A_44 = arith.constant 0 : index
    %swap3A_45 = arith.constant 0 : index
    %swap3A_46 = vector.load %arg10[%swap3A_44, %swap3A_45] : memref<2048x256xbf16, #tpu.memory_space<vmem>>, vector<2048x256xbf16>
    tpu.vector_store %arg10[%swap3A_44, %swap3A_45], %convert_element_type3A_43 {strides = array<i32>} : memref<2048x256xbf16, #tpu.memory_space<vmem>>, vector<2048x256xbf16>,
    %reduce_sum3A = arith.constant dense<0.000000e+00> : vector<256xf32>
    %reduce_sum3A_47 = vector.multi_reduction <add>, %dot_general3A_40, %reduce_sum3A [0] : vector<2048x256xf32> to vector<256xf32>
    %mul3A_48 = arith.mulf %dot_general3A_40, %dot_general3A_40 : vector<2048x256xf32>
    %reduce_sum3A_49 = arith.constant dense<0.000000e+00> : vector<256xf32>
    %reduce_sum3A_50 = vector.multi_reduction <add>, %mul3A_48, %reduce_sum3A_49 [0] : vector<2048x256xf32> to vector<256xf32>
    %broadcast_in_dim3A_51 = vector.shape_cast %reduce_sum3A_47 : vector<256xf32> to vector<1x256xf32>
    %broadcast_in_dim3A_52 = vector.shape_cast %reduce_sum3A_50 : vector<256xf32> to vector<1x256xf32>
    %concatenate3A = tpu.concatenate %broadcast_in_dim3A_51, %broadcast_in_dim3A_52 in 0 : vector<1x256xf32>, vector<1x256xf32> -> vector<2x256xf32>
    %eq3A = arith.constant 0 : i32
    %eq3A_53 = arith.cmpi eq, %arg0, %eq3A : i32
    %convert_element_type3A_54 = arith.extui %eq3A_53 : i1 to i32
    %cond3A = arith.constant 0 : i32
    %cond3A_55 = arith.cmpi ne, %convert_element_type3A_54, %cond3A : i32
    scf.if %cond3A_55 {
      %broadcast_in_dim3A_63 = arith.constant 0.000000e+00 : f32
      %broadcast_in_dim3A_64 = vector.broadcast %broadcast_in_dim3A_63 : f32 to vector<8x256xf32>
      %swap3A_65 = arith.constant 0 : index
      %swap3A_66 = arith.constant 0 : index
      %swap3A_67 = vector.load %arg11[%swap3A_65, %swap3A_66] : memref<8x256xf32, #tpu.memory_space<vmem>>, vector<8x256xf32>
      tpu.vector_store %arg11[%swap3A_65, %swap3A_66], %broadcast_in_dim3A_64 {strides = array<i32>} : memref<8x256xf32, #tpu.memory_space<vmem>>, vector<8x256xf32>,
    } else {
    }
    %get3A_56 = arith.constant 0 : index
    %get3A_57 = arith.constant 0 : index
    %get3A_58 = vector.load %arg11[%get3A_56, %get3A_57] : memref<8x256xf32, #tpu.memory_space<vmem>>, vector<2x256xf32>
    %add3A_59 = arith.addf %get3A_58, %concatenate3A : vector<2x256xf32>
    %swap3A_60 = arith.constant 0 : index
    %swap3A_61 = arith.constant 0 : index
    %swap3A_62 = vector.load %arg11[%swap3A_60, %swap3A_61] : memref<8x256xf32, #tpu.memory_space<vmem>>, vector<2x256xf32>
    tpu.vector_store %arg11[%swap3A_60, %swap3A_61], %add3A_59 {strides = array<i32>} : memref<8x256xf32, #tpu.memory_space<vmem>>, vector<2x256xf32>,
    return
  }
  func.func @transform_0(%arg0: i32) -> (i32, i32) {
    %c0_i32 = arith.constant 0 : i32
    %c0_i32_0 = arith.constant 0 : i32
    return %arg0, %c0_i32 : i32, i32
  }
  func.func @transform_1(%arg0: i32) -> (i32, i32) {
    %c0_i32 = arith.constant 0 : i32
    %c0_i32_0 = arith.constant 0 : i32
    return %arg0, %c0_i32 : i32, i32
  }
  func.func @transform_2(%arg0: i32) -> (i32, i32) {
    %c0_i32 = arith.constant 0 : i32
    %c0_i32_0 = arith.constant 0 : i32
    return %arg0, %c0_i32 : i32, i32
  }
  func.func @transform_3(%arg0: i32) -> (i32, i32) {
    %c0_i32 = arith.constant 0 : i32
    %c0_i32_0 = arith.constant 0 : i32
    %c0_i32_1 = arith.constant 0 : i32
    return %c0_i32, %c0_i32_0 : i32, i32
  }
  func.func @transform_4(%arg0: i32) -> (i32, i32) {
    %c0_i32 = arith.constant 0 : i32
    %c0_i32_0 = arith.constant 0 : i32
    %c0_i32_1 = arith.constant 0 : i32
    return %c0_i32, %c0_i32_0 : i32, i32
  }
  func.func @transform_5(%arg0: i32) -> (i32, i32) {
    %c0_i32 = arith.constant 0 : i32
    %c0_i32_0 = arith.constant 0 : i32
    %c0_i32_1 = arith.constant 0 : i32
    return %c0_i32, %c0_i32_0 : i32, i32
  }
  func.func @transform_6(%arg0: i32) -> (i32, i32) {
    %c0_i32 = arith.constant 0 : i32
    %c0_i32_0 = arith.constant 0 : i32
    %c0_i32_1 = arith.constant 0 : i32
    return %c0_i32, %c0_i32_0 : i32, i32
  }
  func.func @transform_7(%arg0: i32) -> (i32, i32) {
    %c0_i32 = arith.constant 0 : i32
    %c0_i32_0 = arith.constant 0 : i32
    %c0_i32_1 = arith.constant 0 : i32
    return %c0_i32, %c0_i32_0 : i32, i32
  }
  func.func @transform_8(%arg0: i32) -> (i32, i32) {
    %c0_i32 = arith.constant 0 : i32
    %c0_i32_0 = arith.constant 0 : i32
    return %arg0, %c0_i32 : i32, i32
  }
  func.func @transform_9(%arg0: i32) -> (i32, i32) {
    %c0_i32 = arith.constant 0 : i32
    %c0_i32_0 = arith.constant 0 : i32
    return %arg0, %c0_i32 : i32, i32
  }
  func.func @transform_10(%arg0: i32) -> (i32, i32) {
    %c0_i32 = arith.constant 0 : i32
    %c0_i32_0 = arith.constant 0 : i32
    %c0_i32_1 = arith.constant 0 : i32
    return %c0_i32, %c0_i32_0 : i32, i32
  }
}

module attributes {stable_mosaic.version = 14 : i64} {
  func.func @_p1_body(%arg0: i32, %arg1: memref<8192x128xf32, #tpu.memory_space<vmem>>, %arg2: memref<512x128xf32, #tpu.memory_space<vmem>>, %arg3: memref<128x256xf32, #tpu.memory_space<vmem>>, %arg4: memref<8x256xf32, #tpu.memory_space<vmem>>) attributes {dimension_semantics = [#tpu.dimension_semantics<arbitrary>], iteration_bounds = array<i64: 16>, scalar_prefetch = 0 : i64, scratch_operands = 0 : i64, tpu.core_type = #tpu.core_type<tc>, window_params = [{transform_indices = @transform_0, window_bounds = array<i64: 8192, 128>}, {transform_indices = @transform_1, window_bounds = array<i64: 512, 128>}, {pipeline_mode = #tpu.pipeline_mode<synchronous>, transform_indices = @transform_2, window_bounds = array<i64: 128, 256>}, {pipeline_mode = #tpu.pipeline_mode<synchronous>, transform_indices = @transform_3, window_bounds = array<i64: 8, 256>}]} {
    %get3A = arith.constant 0 : index
    %get3A_0 = arith.constant 0 : index
    %get3A_1 = vector.load %arg2[%get3A, %get3A_0] : memref<512x128xf32, #tpu.memory_space<vmem>>, vector<512x128xf32>
    %broadcast_in_dim3A = vector.shape_cast %get3A_1 : vector<512x128xf32> to vector<512x1x128xf32>
    %broadcast_in_dim3A_2 = vector.shape_cast %broadcast_in_dim3A : vector<512x1x128xf32> to vector<512x1x128xf32>
    %broadcast_in_dim3A_3 = vector.broadcast %broadcast_in_dim3A_2 : vector<512x1x128xf32> to vector<512x16x128xf32>
    %reshape3A = vector.shape_cast %broadcast_in_dim3A_3 : vector<512x16x128xf32> to vector<8192x128xf32>
    %get3A_4 = arith.constant 0 : index
    %get3A_5 = arith.constant 0 : index
    %get3A_6 = vector.load %arg1[%get3A_4, %get3A_5] : memref<8192x128xf32, #tpu.memory_space<vmem>>, vector<8192x128xf32>
    %sub3A = arith.subf %reshape3A, %get3A_6 : vector<8192x128xf32>
    %get3A_7 = arith.constant 0 : index
    %get3A_8 = arith.constant 0 : index
    %get3A_9 = vector.load %arg3[%get3A_7, %get3A_8] : memref<128x256xf32, #tpu.memory_space<vmem>>, vector<128x256xf32>
    %dot_general3A = arith.constant dense<0.000000e+00> : vector<8192x256xf32>
    %dot_general3A_10 = tpu.matmul %sub3A, %get3A_9, %dot_general3A {dimension_numbers = #tpu.dot_dimension_numbers<[1], [0], [0], [1], [0, 0, 1, 1], [], []>, transpose_lhs_hint = false} : vector<8192x128xf32>, vector<128x256xf32>, vector<8192x256xf32> -> vector<8192x256xf32>
    %reduce_sum3A = arith.constant dense<0.000000e+00> : vector<256xf32>
    %reduce_sum3A_11 = vector.multi_reduction <add>, %dot_general3A_10, %reduce_sum3A [0] : vector<8192x256xf32> to vector<256xf32>
    %mul3A = arith.mulf %dot_general3A_10, %dot_general3A_10 : vector<8192x256xf32>
    %reduce_sum3A_12 = arith.constant dense<0.000000e+00> : vector<256xf32>
    %reduce_sum3A_13 = vector.multi_reduction <add>, %mul3A, %reduce_sum3A_12 [0] : vector<8192x256xf32> to vector<256xf32>
    %broadcast_in_dim3A_14 = vector.shape_cast %reduce_sum3A_11 : vector<256xf32> to vector<1x256xf32>
    %broadcast_in_dim3A_15 = vector.shape_cast %reduce_sum3A_13 : vector<256xf32> to vector<1x256xf32>
    %concatenate3A = tpu.concatenate %broadcast_in_dim3A_14, %broadcast_in_dim3A_15 in 0 : vector<1x256xf32>, vector<1x256xf32> -> vector<2x256xf32>
    %eq3A = arith.constant 0 : i32
    %eq3A_16 = arith.cmpi eq, %arg0, %eq3A : i32
    %convert_element_type3A = arith.extui %eq3A_16 : i1 to i32
    %cond3A = arith.constant 0 : i32
    %cond3A_17 = arith.cmpi ne, %convert_element_type3A, %cond3A : i32
    scf.if %cond3A_17 {
      %broadcast_in_dim3A_23 = arith.constant 0.000000e+00 : f32
      %broadcast_in_dim3A_24 = vector.broadcast %broadcast_in_dim3A_23 : f32 to vector<8x256xf32>
      %swap3A_25 = arith.constant 0 : index
      %swap3A_26 = arith.constant 0 : index
      %swap3A_27 = vector.load %arg4[%swap3A_25, %swap3A_26] : memref<8x256xf32, #tpu.memory_space<vmem>>, vector<8x256xf32>
      tpu.vector_store %arg4[%swap3A_25, %swap3A_26], %broadcast_in_dim3A_24 {strides = array<i32>} : memref<8x256xf32, #tpu.memory_space<vmem>>, vector<8x256xf32>,
    } else {
    }
    %get3A_18 = arith.constant 0 : index
    %get3A_19 = arith.constant 0 : index
    %get3A_20 = vector.load %arg4[%get3A_18, %get3A_19] : memref<8x256xf32, #tpu.memory_space<vmem>>, vector<2x256xf32>
    %add3A = arith.addf %get3A_20, %concatenate3A : vector<2x256xf32>
    %swap3A = arith.constant 0 : index
    %swap3A_21 = arith.constant 0 : index
    %swap3A_22 = vector.load %arg4[%swap3A, %swap3A_21] : memref<8x256xf32, #tpu.memory_space<vmem>>, vector<2x256xf32>
    tpu.vector_store %arg4[%swap3A, %swap3A_21], %add3A {strides = array<i32>} : memref<8x256xf32, #tpu.memory_space<vmem>>, vector<2x256xf32>,
    return
  }
  func.func @transform_0(%arg0: i32) -> (i32, i32) {
    %c2_i32 = arith.constant 2 : i32
    %c0_i32 = arith.constant 0 : i32
    return %arg0, %c2_i32 : i32, i32
  }
  func.func @transform_1(%arg0: i32) -> (i32, i32) {
    %c0_i32 = arith.constant 0 : i32
    %c0_i32_0 = arith.constant 0 : i32
    return %arg0, %c0_i32 : i32, i32
  }
  func.func @transform_2(%arg0: i32) -> (i32, i32) {
    %c0_i32 = arith.constant 0 : i32
    %c0_i32_0 = arith.constant 0 : i32
    %c0_i32_1 = arith.constant 0 : i32
    return %c0_i32, %c0_i32_0 : i32, i32
  }
  func.func @transform_3(%arg0: i32) -> (i32, i32) {
    %c0_i32 = arith.constant 0 : i32
    %c0_i32_0 = arith.constant 0 : i32
    %c0_i32_1 = arith.constant 0 : i32
    return %c0_i32, %c0_i32_0 : i32, i32
  }
}

module attributes {stable_mosaic.version = 14 : i64} {
  func.func @_p3_body(%arg0: i32, %arg1: memref<2048x256xbf16, #tpu.memory_space<vmem>>, %arg2: memref<2048x256xbf16, #tpu.memory_space<vmem>>, %arg3: memref<2048x128xf32, #tpu.memory_space<vmem>>, %arg4: memref<128x256xf32, #tpu.memory_space<vmem>>, %arg5: memref<1x256xf32, #tpu.memory_space<vmem>>, %arg6: memref<1x256xf32, #tpu.memory_space<vmem>>, %arg7: memref<256x256xf32, #tpu.memory_space<vmem>>, %arg8: memref<256x256xf32, #tpu.memory_space<vmem>>, %arg9: memref<1x256xf32, #tpu.memory_space<vmem>>, %arg10: memref<128x256xf32, #tpu.memory_space<vmem>>) attributes {dimension_semantics = [#tpu.dimension_semantics<parallel>], iteration_bounds = array<i64: 64>, scalar_prefetch = 0 : i64, scratch_operands = 0 : i64, tpu.core_type = #tpu.core_type<tc>, window_params = [{transform_indices = @transform_0, window_bounds = array<i64: 2048, 256>}, {transform_indices = @transform_1, window_bounds = array<i64: 2048, 256>}, {transform_indices = @transform_2, window_bounds = array<i64: 2048, 128>}, {transform_indices = @transform_3, window_bounds = array<i64: 128, 256>}, {pipeline_mode = #tpu.pipeline_mode<synchronous>, transform_indices = @transform_4, window_bounds = array<i64: 1, 256>}, {pipeline_mode = #tpu.pipeline_mode<synchronous>, transform_indices = @transform_5, window_bounds = array<i64: 1, 256>}, {pipeline_mode = #tpu.pipeline_mode<synchronous>, transform_indices = @transform_6, window_bounds = array<i64: 256, 256>}, {pipeline_mode = #tpu.pipeline_mode<synchronous>, transform_indices = @transform_7, window_bounds = array<i64: 256, 256>}, {pipeline_mode = #tpu.pipeline_mode<synchronous>, transform_indices = @transform_8, window_bounds = array<i64: 1, 256>}, {transform_indices = @transform_9, window_bounds = array<i64: 128, 256>}]} {
    %get3A = arith.constant 0 : index
    %get3A_0 = arith.constant 0 : index
    %get3A_1 = vector.load %arg1[%get3A, %get3A_0] : memref<2048x256xbf16, #tpu.memory_space<vmem>>, vector<2048x256xbf16>
    %convert_element_type3A = arith.extf %get3A_1 : vector<2048x256xbf16> to vector<2048x256xf32>
    %get3A_2 = arith.constant 0 : index
    %get3A_3 = arith.constant 0 : index
    %get3A_4 = vector.load %arg5[%get3A_2, %get3A_3] : memref<1x256xf32, #tpu.memory_space<vmem>>, vector<1x256xf32>
    %mul3A = vector.broadcast %get3A_4 : vector<1x256xf32> to vector<2048x256xf32>
    %mul3A_5 = arith.mulf %convert_element_type3A, %mul3A : vector<2048x256xf32>
    %get3A_6 = arith.constant 0 : index
    %get3A_7 = arith.constant 0 : index
    %get3A_8 = vector.load %arg6[%get3A_6, %get3A_7] : memref<1x256xf32, #tpu.memory_space<vmem>>, vector<1x256xf32>
    %add3A = vector.broadcast %get3A_8 : vector<1x256xf32> to vector<2048x256xf32>
    %add3A_9 = arith.addf %mul3A_5, %add3A : vector<2048x256xf32>
    %max3A = arith.constant 0.000000e+00 : f32
    %max3A_10 = vector.broadcast %max3A : f32 to vector<2048x256xf32>
    %max3A_11 = arith.maximumf %add3A_9, %max3A_10 : vector<2048x256xf32>
    %get3A_12 = arith.constant 0 : index
    %get3A_13 = arith.constant 0 : index
    %get3A_14 = vector.load %arg7[%get3A_12, %get3A_13] : memref<256x256xf32, #tpu.memory_space<vmem>>, vector<256x256xf32>
    %dot_general3A = arith.constant dense<0.000000e+00> : vector<2048x256xf32>
    %dot_general3A_15 = tpu.matmul %max3A_11, %get3A_14, %dot_general3A {dimension_numbers = #tpu.dot_dimension_numbers<[1], [0], [0], [1], [0, 0, 1, 1], [], []>, transpose_lhs_hint = false} : vector<2048x256xf32>, vector<256x256xf32>, vector<2048x256xf32> -> vector<2048x256xf32>
    %mul3A_16 = arith.constant 6.250000e-02 : f32
    %mul3A_17 = vector.broadcast %mul3A_16 : f32 to vector<2048x256xf32>
    %mul3A_18 = arith.mulf %dot_general3A_15, %mul3A_17 : vector<2048x256xf32>
    %reshape3A = vector.shape_cast %mul3A_18 : vector<2048x256xf32> to vector<128x16x256xf32>
    %reduce_max3A = arith.constant dense<0xFF800000> : vector<128x256xf32>
    %reduce_max3A_19 = vector.multi_reduction <maximumf>, %reshape3A, %reduce_max3A [1] : vector<128x16x256xf32> to vector<128x256xf32>
    %broadcast_in_dim3A = vector.shape_cast %reduce_max3A_19 : vector<128x256xf32> to vector<128x1x256xf32>
    %sub3A = vector.broadcast %broadcast_in_dim3A : vector<128x1x256xf32> to vector<128x16x256xf32>
    %sub3A_20 = arith.subf %reshape3A, %sub3A : vector<128x16x256xf32>
    %exp3A = math.exp %sub3A_20 : vector<128x16x256xf32>
    %reduce_sum3A = arith.constant dense<0.000000e+00> : vector<128x256xf32>
    %reduce_sum3A_21 = vector.multi_reduction <add>, %exp3A, %reduce_sum3A [1] : vector<128x16x256xf32> to vector<128x256xf32>
    %broadcast_in_dim3A_22 = vector.shape_cast %reduce_sum3A_21 : vector<128x256xf32> to vector<128x1x256xf32>
    %div3A = vector.broadcast %broadcast_in_dim3A_22 : vector<128x1x256xf32> to vector<128x16x256xf32>
    %div3A_23 = arith.divf %exp3A, %div3A : vector<128x16x256xf32>
    %get3A_24 = arith.constant 0 : index
    %get3A_25 = arith.constant 0 : index
    %get3A_26 = vector.load %arg3[%get3A_24, %get3A_25] : memref<2048x128xf32, #tpu.memory_space<vmem>>, vector<2048x128xf32>
    %bitcast_convert_type3A = tpu.bitcast %get3A_26 : vector<2048x128xf32> -> vector<2048x128xi32>
    %shift_left3A = arith.constant 16 : i32
    %shift_left3A_27 = vector.broadcast %shift_left3A : i32 to vector<2048x128xi32>
    %shift_left3A_28 = arith.shli %bitcast_convert_type3A, %shift_left3A_27 : vector<2048x128xi32>
    %bitcast_convert_type3A_29 = tpu.bitcast %shift_left3A_28 : vector<2048x128xi32> -> vector<2048x128xf32>
    %and3A = arith.constant -65536 : i32
    %and3A_30 = vector.broadcast %and3A : i32 to vector<2048x128xi32>
    %and3A_31 = arith.andi %bitcast_convert_type3A, %and3A_30 : vector<2048x128xi32>
    %bitcast_convert_type3A_32 = tpu.bitcast %and3A_31 : vector<2048x128xi32> -> vector<2048x128xf32>
    %concatenate3A = tpu.concatenate %bitcast_convert_type3A_29, %bitcast_convert_type3A_32 in 1 : vector<2048x128xf32>, vector<2048x128xf32> -> vector<2048x256xf32>
    %get3A_33 = arith.constant 0 : index
    %get3A_34 = arith.constant 0 : index
    %get3A_35 = vector.load %arg2[%get3A_33, %get3A_34] : memref<2048x256xbf16, #tpu.memory_space<vmem>>, vector<2048x256xbf16>
    %convert_element_type3A_36 = arith.extf %get3A_35 : vector<2048x256xbf16> to vector<2048x256xf32>
    %add3A_37 = arith.addf %concatenate3A, %convert_element_type3A_36 : vector<2048x256xf32>
    %reshape3A_38 = vector.shape_cast %add3A_37 : vector<2048x256xf32> to vector<128x16x256xf32>
    %mul3A_39 = arith.mulf %div3A_23, %reshape3A_38 : vector<128x16x256xf32>
    %reduce_sum3A_40 = arith.constant dense<0.000000e+00> : vector<128x256xf32>
    %reduce_sum3A_41 = vector.multi_reduction <add>, %mul3A_39, %reduce_sum3A_40 [1] : vector<128x16x256xf32> to vector<128x256xf32>
    %get3A_42 = arith.constant 0 : index
    %get3A_43 = arith.constant 0 : index
    %get3A_44 = vector.load %arg8[%get3A_42, %get3A_43] : memref<256x256xf32, #tpu.memory_space<vmem>>, vector<256x256xf32>
    %dot_general3A_45 = arith.constant dense<0.000000e+00> : vector<128x256xf32>
    %dot_general3A_46 = tpu.matmul %reduce_sum3A_41, %get3A_44, %dot_general3A_45 {dimension_numbers = #tpu.dot_dimension_numbers<[1], [0], [0], [1], [0, 0, 1, 1], [], []>, transpose_lhs_hint = false} : vector<128x256xf32>, vector<256x256xf32>, vector<128x256xf32> -> vector<128x256xf32>
    %get3A_47 = arith.constant 0 : index
    %get3A_48 = arith.constant 0 : index
    %get3A_49 = vector.load %arg9[%get3A_47, %get3A_48] : memref<1x256xf32, #tpu.memory_space<vmem>>, vector<1x256xf32>
    %add3A_50 = vector.broadcast %get3A_49 : vector<1x256xf32> to vector<128x256xf32>
    %add3A_51 = arith.addf %dot_general3A_46, %add3A_50 : vector<128x256xf32>
    %get3A_52 = arith.constant 0 : index
    %get3A_53 = arith.constant 0 : index
    %get3A_54 = vector.load %arg4[%get3A_52, %get3A_53] : memref<128x256xf32, #tpu.memory_space<vmem>>, vector<128x256xf32>
    %add3A_55 = arith.addf %add3A_51, %get3A_54 : vector<128x256xf32>
    %swap3A = arith.constant 0 : index
    %swap3A_56 = arith.constant 0 : index
    %swap3A_57 = vector.load %arg10[%swap3A, %swap3A_56] : memref<128x256xf32, #tpu.memory_space<vmem>>, vector<128x256xf32>
    tpu.vector_store %arg10[%swap3A, %swap3A_56], %add3A_55 {strides = array<i32>} : memref<128x256xf32, #tpu.memory_space<vmem>>, vector<128x256xf32>,
    return
  }
  func.func @transform_0(%arg0: i32) -> (i32, i32) {
    %c0_i32 = arith.constant 0 : i32
    %c0_i32_0 = arith.constant 0 : i32
    return %arg0, %c0_i32 : i32, i32
  }
  func.func @transform_1(%arg0: i32) -> (i32, i32) {
    %c0_i32 = arith.constant 0 : i32
    %c0_i32_0 = arith.constant 0 : i32
    return %arg0, %c0_i32 : i32, i32
  }
  func.func @transform_2(%arg0: i32) -> (i32, i32) {
    %c0_i32 = arith.constant 0 : i32
    %c0_i32_0 = arith.constant 0 : i32
    return %arg0, %c0_i32 : i32, i32
  }
  func.func @transform_3(%arg0: i32) -> (i32, i32) {
    %c0_i32 = arith.constant 0 : i32
    %c0_i32_0 = arith.constant 0 : i32
    return %arg0, %c0_i32 : i32, i32
  }
  func.func @transform_4(%arg0: i32) -> (i32, i32) {
    %c0_i32 = arith.constant 0 : i32
    %c0_i32_0 = arith.constant 0 : i32
    %c0_i32_1 = arith.constant 0 : i32
    return %c0_i32, %c0_i32_0 : i32, i32
  }
  func.func @transform_5(%arg0: i32) -> (i32, i32) {
    %c0_i32 = arith.constant 0 : i32
    %c0_i32_0 = arith.constant 0 : i32
    %c0_i32_1 = arith.constant 0 : i32
    return %c0_i32, %c0_i32_0 : i32, i32
  }
  func.func @transform_6(%arg0: i32) -> (i32, i32) {
    %c0_i32 = arith.constant 0 : i32
    %c0_i32_0 = arith.constant 0 : i32
    %c0_i32_1 = arith.constant 0 : i32
    return %c0_i32, %c0_i32_0 : i32, i32
  }
  func.func @transform_7(%arg0: i32) -> (i32, i32) {
    %c0_i32 = arith.constant 0 : i32
    %c0_i32_0 = arith.constant 0 : i32
    %c0_i32_1 = arith.constant 0 : i32
    return %c0_i32, %c0_i32_0 : i32, i32
  }
  func.func @transform_8(%arg0: i32) -> (i32, i32) {
    %c0_i32 = arith.constant 0 : i32
    %c0_i32_0 = arith.constant 0 : i32
    %c0_i32_1 = arith.constant 0 : i32
    return %c0_i32, %c0_i32_0 : i32, i32
  }
  func.func @transform_9(%arg0: i32) -> (i32, i32) {
    %c0_i32 = arith.constant 0 : i32
    %c0_i32_0 = arith.constant 0 : i32
    return %arg0, %c0_i32 : i32, i32
  }
}

</mosaic_0001>

<sc_bundles>
// kernel: kernel.10.cloned.1.call-start
scs
__scs_entry_jumppad:
0x0: {  	(pc) =	sbr.rel $0x88, $3  }
0x1: {  	(tag) =	ssettag $0x0;
	lr =	simm.s32 $0x1  }
0x2: {  	[smem:$0x3F92] =	sst lr;
	_ =	strace $0xD0000000  }
0x3: {  	_ = 	snop  }
0x4: {  	_ = 	snop  }
0x5: {  	_ = 	snop  }
0x6: {  	_ = 	snop  }
0x7: {  	_ = 	snop  }
__scs_overlays_trampoline_lowered:
0x8: {  	[smem:$0x3FA1] =	sst s0  }
0x9: {  	[smem:$0x3FA2] =	sst s1  }
0xa: {  	[smem:$0x3FA3] =	sst s2  }
0xb: {  	[smem:$0x3FA4] =	sst s3  }
0xc: {  	[smem:$0x3FA5] =	sst s4  }
0xd: {  	[smem:$0x3FA6] =	sst s5  }
0xe: {  	[smem:$0x3FA7] =	sst s6  }
0xf: {  	[smem:$0x3FA8] =	sst s7  }
0x10: {  	[smem:$0x3FA9] =	sst s8  }
0x11: {  	[smem:$0x3FAA] =	sst s9;
	s0 =	simm.s32 @!p0 $0x0  }
0x12: {  	s1 =	sld [smem:$0x3F90];
	s0 =	simm.s32 @p0 $0x1  }
0x13: {  	[smem:$0x3FAB] =	sst s0;
	s0 =	simm.s32 @!p1 $0x0  }
0x14: {  	s2 =	sld [smem:$0x3F8F];
	s0 =	simm.s32 @p1 $0x1  }
0x15: {  	[smem:$0x3FAC] =	sst s0;
	s0 =	simm.s32 @!p2 $0x0  }
0x16: {  	s3 =	sld [smem:$0x3FDB];
	s0 =	simm.s32 @p2 $0x1  }
0x17: {  	s4 =	simm.s32 $0x1BF5;
	[smem:$0x3FAE] =	sst s0  }
0x18: {  	s0 =	sld [smem:$0x3F91];
	_ =	swait.ge [sflag:s4], $0x0  }
0x19: {  	s7 =	sld [smem:$0x3F92]  }
0x1a: {  	s8 =	sadd.s32 $0xFFFFE003, lr  }
0x1b: {  	s9 =	sadd.s32 $0xFFFFFEF7, lr;
	s5 =	simm.s32 $0xFFFFFFFF;
	p2 =	slt.u32 s8, $0xFFFFF086  }
0x1c: {  	p1 =	slt.u32 s9, $0xF7A;
	s5 =	simm.s32 @!p2 $0x0  }
0x1d: {  	s5 =	simm.s32 @p1 $0x1;
	p0 =	seq.s32 s7, s2  }
0x1e: {  	s7 =	smul.u32 @!p0 $0xF7A, s2;
	p2 =	seq.s32 @!p0 s5, $0x0  }
0x1f: {  	s9 =	smul.u32 $0xF7A, s1;
	s8 =	simm.s32 @!p0 $0x1BF5;
	p2 =	por !p2, p0  }
0x20: {  	[sflag:s8] =	ssyncset.s32 @!p0 $0xFFFFF086;
	s6 =	sadd.s32 @!p0 s3, s7;
	s7 =	simm.s32 @!p0 $0x108  }
0x21: {  	s3 =	sadd.s32 s3, s9;
	s6 =	sadd.s32 @!p0 $0x88, s6;
	s7 =	simm.s32 @p2 $0x1082  }
0x22: {  	[simem:s7], [sflag:s8] =	dma.local @!p0 [hbm:s6], $0xF7A  }
0x23: {  	s9 =	sor.u32 $0xD0000000, s2;
	s6 =	simm.s32 $0x108;
	_ =	swait.ge @!p0 [sflag:s8], $0x0  }
0x24: {  	s3 =	sadd.s32 $0x88, s3;
	s6 =	simm.s32 @!p1 $0x1082;
	[sflag:s4] =	ssyncset.s32 $0xFFFFF086  }
0x25: {  	[simem:s6], [sflag:s4] =	dma.local [hbm:s3], $0xF7A  }
0x26: {  	[smem:$0x3F92] =	sst s1;
	(tag) =	ssettag s2;
	_ =	strace s9  }
0x27: {  	s1 =	sld [smem:$0x3FA2]  }
0x28: {  	s2 =	sld [smem:$0x3FA3]  }
0x29: {  	s4 =	sld [smem:$0x3FA5]  }
0x2a: {  	p0 =	seq.s32 s5, $0x0;
	s5 =	sld [smem:$0x3FA6]  }
0x2b: {  	s6 =	sld [smem:$0x3FA7]  }
0x2c: {  	s7 =	sld [smem:$0x3FA8]  }
0x2d: {  	s3 =	simm.s32 $0x108;
	s8 =	sld [smem:$0x3FA9]  }
0x2e: {  	s3 =	simm.s32 @!p0 $0x1082;
	s9 =	sld [smem:$0x3FAA]  }
0x2f: {  	lr =	sadd.s32 s0, s3;
	s0 =	sld [smem:$0x3FA1]  }
0x30: {  	s3 =	sld [smem:$0x3FA4]  }
0x31: {  	[smem:$0x3FAD] =	sst s10  }
0x32: {  	s10 =	sld [smem:$0x3FAB];
	_ =	sdelay $0x3  }
0x33: {  	p0 =	seq.s32 s10, $0x1;
	s10 =	sld [smem:$0x3FAD];
	_ =	sdelay $0x3  }
0x34: {  	[smem:$0x3FAD] =	sst s10  }
0x35: {  	s10 =	sld [smem:$0x3FAC];
	_ =	sdelay $0x3  }
0x36: {  	p1 =	seq.s32 s10, $0x1;
	s10 =	sld [smem:$0x3FAD];
	_ =	sdelay $0x3  }
0x37: {  	[smem:$0x3FAD] =	sst s10  }
0x38: {  	s10 =	sld [smem:$0x3FAE]  }
0x39: {  	_ = 	snop;
	(pc) =	sbr.ind lr, $3  }
0x3a: {  	_ = 	snop  }
0x3b: {  	_ = 	snop  }
0x3c: {  	p2 =	seq.s32 s10, $0x1;
	s10 =	sld [smem:$0x3FAD]  }
0x3d: {  	_ =	shalt  }
0x3e: {  	_ =	shalt  }
0x3f: {  	_ =	shalt  }
0x40: {  	_ =	shalt  }
0x41: {  	_ =	shalt  }
0x42: {  	_ =	shalt  }
0x43: {  	_ =	shalt  }
0x44: {  	_ =	shalt  }
0x45: {  	_ =	shalt  }
0x46: {  	_ =	shalt  }
0x47: {  	_ =	shalt  }
0x48: {  	_ =	shalt  }
0x49: {  	_ =	shalt  }
0x4a: {  	_ =	shalt  }
0x4b: {  	_ =	shalt  }
0x4c: {  	_ =	shalt  }
0x4d: {  	_ =	shalt  }
0x4e: {  	_ =	shalt  }
0x4f: {  	_ =	shalt  }
0x50: {  	_ =	shalt  }
0x51: {  	_ =	shalt  }
0x52: {  	_ =	shalt  }
0x53: {  	_ =	shalt  }
0x54: {  	_ =	shalt  }
0x55: {  	_ =	shalt  }
0x56: {  	_ =	shalt  }
0x57: {  	_ =	shalt  }
0x58: {  	_ =	shalt  }
0x59: {  	_ =	shalt  }
0x5a: {  	_ =	shalt  }
0x5b: {  	_ =	shalt  }
0x5c: {  	_ =	shalt  }
0x5d: {  	_ =	shalt  }
0x5e: {  	_ =	shalt  }
0x5f: {  	_ =	shalt  }
0x60: {  	_ =	shalt  }
0x61: {  	_ =	shalt  }
0x62: {  	_ =	shalt  }
0x63: {  	_ =	shalt  }
0x64: {  	_ =	shalt  }
0x65: {  	_ =	shalt  }
0x66: {  	_ =	shalt  }
0x67: {  	_ =	shalt  }
0x68: {  	_ =	shalt  }
0x69: {  	_ =	shalt  }
0x6a: {  	_ =	shalt  }
0x6b: {  	_ =	shalt  }
0x6c: {  	_ =	shalt  }
0x6d: {  	_ =	shalt  }
0x6e: {  	_ =	shalt  }
0x6f: {  	_ =	shalt  }
0x70: {  	_ =	shalt  }
0x71: {  	_ =	shalt  }
0x72: {  	_ =	shalt  }
0x73: {  	_ =	shalt  }
0x74: {  	_ =	shalt  }
0x75: {  	_ =	shalt  }
0x76: {  	_ =	shalt  }
0x77: {  	_ =	shalt  }
0x78: {  	_ =	shalt  }
0x79: {  	_ =	shalt  }
0x7a: {  	_ =	shalt  }
0x7b: {  	_ =	shalt  }
0x7c: {  	_ =	shalt  }
0x7d: {  	_ =	shalt  }
0x7e: {  	_ =	shalt  }
0x7f: {  	_ =	shalt  }
0x80: {  	_ =	shalt  }
0x81: {  	_ =	shalt  }
0x82: {  	_ =	shalt  }
0x83: {  	_ =	shalt  }
0x84: {  	_ =	shalt  }
0x85: {  	_ =	shalt  }
0x86: {  	_ =	shalt  }
0x87: {  	_ =	shalt  }
.Lfunc_end0:
.L_simem_size_0:
called_computation_lowered:
.L_overlay_start_0:
0x88: {  	s2 =	sld [smem:$0x3FD9]  }
0x89: {  	s3 =	sld [smem:$0x3FFE];
	_ =	sdelay $0x1  }
0x8a: {  	s1 =	srdreg.scid  }
0x8b: {  	s0 =	sand.u32 $0x1, s1  }
0x8c: {  	s16 =	sshll.u32 s0, $0xA;
	s2 =	sadd.s32 s3, s2  }
0x8d: {  	s2 =	sadd.s32 s2, s16  }
0x8e: {  	[smem:$0x3FB9] =	sst s2  }
0x8f: {  	_ = 	snop  }
0x90: {  	(tm) =	ssettm $0x1  }
0x91: {  	s17 =	sld [smem:$0x3FFB];
	_ =	sdelay $0x3  }
0x92: {  	_ =	strace s17  }
0x93: {  	s2 =	sld [smem:$0x3FFC];
	_ =	sdelay $0x3  }
0x94: {  	_ =	strace s2  }
0x95: {  	s2 =	sld [smem:$0x3FFD];
	_ =	sdelay $0x3  }
0x96: {  	_ =	strace s2  }
0x97: {  	_ =	strace $0x8FFFFFFF  }
0x98: {  	s18 =	sld [smem:$0x3FDB];
	_ =	sdelay $0x1  }
0x99: {  	s19 =	simm.s32 $_scs_section_size  }
0x9a: {  	s4 =	simm.s32 $_size__tile_overlayer_lowered;
	s5 =	simm.s32 $_tile_overlayer_lowered  }
0x9b: {  	s22 =	simm.s32 $0x1BFF;
	s21 =	sshll.u32 s5, $0x1;
	s2 =	sadd.s32 s19, s18  }
0x9c: {  	s6 =	simm.s32 $0x0;
	s20 =	sshll.u32 s4, $0x1;
	s4 =	sadd.s32 s21, s2  }
0x9d: {  	[timem:s6], [sflag:s22] =	dma.local [hbm:s4], s20  }
0x9e: {  	_ =	swait.ge [sflag:s22], s20  }
0x9f: {  	s3 =	ssub.s32 $0x0, s20;
	[sflag:s22] =	ssyncset.done $0x0  }
0xa0: {  	[sflag:s22] =	ssyncadd.s32 s3;
	_ =	sdelay $0x1  }
0xa1: {  	s23 =	simm.s32 $0x1B8B  }
0xa2: {  	_ =	swait.ge [sflag:s23], $0x1  }
0xa3: {  	[sflag:s23] =	ssyncset.done $0x0  }
0xa4: {  	s25 =	simm.s32 $0x1B8E;
	s24 =	sld [smem:$0x3FFE];
	[sflag:s23] =	ssyncadd.s32 $0xFFFFFFFF  }
0xa5: {  	s26 =	simm.s32 $execute0_lowered;
	[smem:$0x3FD2] =	sst s25  }
0xa6: {  	s4 =	sshll.u32 s26, $0x1;
	_ =	strace $0x80000046;
	[dreg:$0x1] =	wrdreg $0xFFFFFFFF  }
0xa7: {  	s28 =	simm.s32 $_size_execute0_lowered;
	s2 =	sadd.s32 s2, s4;
	[dreg:$0x0] =	wrdreg $0x0  }
0xa8: {  	s4 =	sshll.u32 s28, $0x1;
	[dreg:$0x2] =	wrdreg s2  }
0xa9: {  	[dreg:$0x3] =	wrdreg s4  }
0xaa: {  	[dreg:$0x4] =	wrdreg $0xC0  }
0xab: {  	_ =	task [dreg:s6], $0x5FFFF  }
0xac: {  	[dreg:$0x1] =	wrdreg $0xFFFFFFFF  }
0xad: {  	[dreg:$0x0] =	wrdreg $0x60  }
0xae: {  	[dreg:$0x2] =	wrdreg s24  }
0xaf: {  	[dreg:$0x3] =	wrdreg $0x9  }
0xb0: {  	_ =	task.clear_ibuf [dreg:s6], $0x4FFFF;
	_ =	strace $0x90000046  }
0xb1: {  	s29 =	simm.s32 $0x9;
	_ =	strace $0x80000048  }
0xb2: {  	_ =	swait.ge [sflag:s29], $0x1  }
0xb3: {  	[sflag:s29] =	ssyncadd.s32 $0xFFFFFFFF  }
0xb4: {  	_ =	strace $0x90000048  }
0xb5: {  	_ =	sfence  }
0xb6: {  	s30 =	sld [smem:$0x0];
	_ =	sdelay $0x2  }
0xb7: {  	s31 =	sshll.u32 s1, $0xD;
	s1 =	sshrl.u32 s1, $0x2  }
0xb8: {  	s3 =	sand.u32 $0x4000, s31;
	s1 =	sadd.s32 s1, s30  }
0xb9: {  	s0 =	sor.u32 s3, s0;
	s1 =	sshll.u32 s1, $0x11  }
0xba: {  	s0 =	sor.u32 s1, s0  }
0xbb: {  	s0 =	sadd.s32 $0x8F2B, s0  }
0xbc: {  	[sflag:s0] =	ssyncadd.remote.s32 $0x1  }
0xbd: {  	_ =	sfence.sel $0xFFFF  }
0xbe: {  	[dreg:$0x0] =	wrdreg $0xFFFFFFFF;
	(pc) =	sbr.abs _section_cstart, $3  }
0xbf: {  	[dreg:$0x1] =	wrdreg $0xFFFFFFFF  }
0xc0: {  	_ =	task.clear_ibuf [dreg:s6], $0x2FFFF;
	_ =	strace $0x9FFFFFFF  }
0xc1: {  	(tm) =	ssettm $0x7FFFFFFF  }
tec
execute0_lowered:
.L_overlay_start_1:
0x0: {  	(tag) =	ssettag $0x1  }
0x1: {  	s4 =	rddreg [dreg:$0x0]  }
0x2: {  	s0 =	rddreg [dreg:$0x1]  }
0x3: {  	s2 =	simm.s32 $0x0;
	s3 =	srdreg.scid;
	s1 =	stileid.u32  }
0x4: {  	s10 =	simm.s32 $0x4;
	s11 =	simm.s32 $0x1;
	s12 =	simm.s32 $0xC100  }
0x5: {  	s14 =	simm.s32 $0x2;
	s15 =	simm.s32 $0x0;
	[smem:$0x7FF] =	sst s2  }
0x6: {  	s5 =	sand.u32 $0x1, s3;
	s31 =	sshll.u32 s1, $0x1;
	s3 =	sadd.s32 $0x24000, s4  }
0x7: {  	s9 =	sshll.u32 s1, $0x9;
	_ =	strace $0x80000047;
	s7 =	sor.u32 s5, s31  }
.Ltmp0:
0x8: {  	s5 =	ssub.s32 $0x2, s5;
	s13 =	sand.u32 $0x1000, s9;
	(pc) =	sbr.rel .LBB2_1-.Ltmp0, $4  }
0x9: {  	v0 =	vlaneseq.u32;
	s9 =	simm.s32 $0x2000;
	s6 =	sshll.u32 s7, $0xC;
	s8 =	sshrl.u32 s5, $0x1  }
0xa: {  	v2 =	vmul.u32 $0xFFFFFFFF, v0;
	v1 =	vmov s13;
	s13 =	simm.s32 $0x3;
	s6 =	sadd.s32 s6, s4;
	s4 =	sadd.s32 $0x444000, s4  }
0xb: {  	s8 =	ssub.s32 s5, s8;
	s5 =	sshll.u32 s7, $0x8;
	s7 =	sshll.u32 s7, $0x11  }
0xc: {  	v2 =	vadd.s32 $0xF, v2;
	s6 =	sadd.s32 $0x424000, s6;
	s7 =	sadd.s32 s3, s7;
	s8 =	smax.u32 s8, $0x1  }
.LBB2_30:
0xd: {  	s15 =	sadd.s32 $0x1, s15  }
0xe: {  	p0 =	sne.s32 s15, s8  }
.Ltmp1:
0xf: {  	_ = 	snop;
	(pc) =	sbr.rel @!p0 .LBB2_31-.Ltmp1, $1  }
0x10: {  	_ =	sdelay $0x3  }
.LBB2_1:
0x11: {  	[tilespmem:s9], [sflag:$0x4] =	stream.linear.gather [hbm4b:s6+s2], $0x8000, $0x38;
	[tilespmem:$0xC180] =	vst v63  }
0x12: {  	_ =	swait.ge [sflag:s10], $0x8000  }
0x13: {  	s16 =	sadd.s32 $0x0, s7;
	[sflag:s10] =	ssyncset.done $0x0  }
0x14: {  	s17 =	simm.s32 $0x80;
	s18 =	simm.s32 $0x0;
	[sflag:s10] =	ssyncadd.s32 $0xFFFF8000  }
0x15: {  	[tilespmem:s2], [sflag:$0x1] =	stream.linear.gather [hbm4b:s16+s2], $0x80, $0x38;
	[tilespmem:$0xC180] =	vst v63  }
.LBB2_2:
0x16: {  	p0 =	sne.s32 s17, $0xF80  }
.Ltmp2:
0x17: {  	_ = 	snop;
	(pc) =	sbr.rel @p0 .LBB2_2-.Ltmp2, $4  }
0x18: {  	_ = 	snop  }
0x19: {  	s19 =	sadd.s32 s17, s7;
	s18 =	sadd.s32 $0x100, s18  }
0x1a: {  	s16 =	simm.s32 $0x0;
	s17 =	sadd.s32 $0x80, s17  }
0x1b: {  	[tilespmem:s18], [sflag:$0x1] =	stream.linear.gather [hbm4b:s19+s16], $0x80, $0x38;
	[tilespmem:$0xC180] =	vst v63  }
.Ltmp3:
0x1c: {  	_ = 	snop;
	(pc) =	sbr.rel .LBB2_3-.Ltmp3, $1  }
0x1d: {  	_ =	sdelay $0x3  }
.LBB2_23:
0x1e: {  	_ = 	snop  }
.LBB2_28:
0x1f: {  	v7, v8, _ =	vpop @p0 (xrf1)  }
0x20: {  	v7 =	vperm.xlane @p0 v7, v2;
	v9, v10, _ =	vpop @p1 (xrf1)  }
0x21: {  	v8 =	vperm.xlane @p0 v8, v2;
	v9 =	vpsel p1, v9, v4  }
0x22: {  	v10 =	vpsel p1, v10, v3;
	vm0 =	vle.f32 @p0 v9, v7  }
0x23: {  	(xrf1) =	vsort.ascd.msk.f32 $0xffff, v5, v6;
	v5 =	vsel @p0 vm0, v9, v7;
	v6 =	vsel @p0 vm0, v10, v8  }
0x24: {  	(xrf1) =	vsort.ascd.msk.f32 @p0 $0xffff, v5, v6;
	_ =	sdelay $0xc  }
0x25: {  	v5, v6, _ =	vpop (xrf1)  }
0x26: {  	v5 =	vperm.xlane v5, v2;
	v7, v8, _ =	vpop @p0 (xrf1)  }
0x27: {  	v6 =	vperm.xlane v6, v2;
	v4 =	vpsel p0, v7, v4  }
0x28: {  	v3 =	vpsel p0, v8, v3;
	vm15 =	vle.f32 v4, v5  }
0x29: {  	v4 =	vsel vm15, v4, v5;
	v3 =	vsel vm15, v3, v6  }
0x2a: {  	(xrf1) =	vsort.ascd.msk.f32 $0xffff, v4, v3;
	_ =	sdelay $0xd  }
0x2b: {  	v4, v3, _ =	vpop (xrf1)  }
.LBB2_29:
0x2c: {  	s17 =	sshll.u32 s17, $0x4  }
0x2d: {  	s16 =	sadd.s32 $0x1, s16;
	s17 =	sand.u32 $0x70, s17  }
0x2e: {  	v3 =	vadd.s32 v1, v3;
	p0 =	sne.s32 s16, $0x80;
	s17 =	sadd.s32 s4, s17  }
.Ltmp4:
0x2f: {  	[tilespmem:$0xC100] =	vst v3;
	s17 =	sadd.s32 s18, s17;
	(pc) =	sbr.rel @!p0 .LBB2_30-.Ltmp4, $4  }
0x30: {  	[hbm4b:s17+s2] =	stream.linear.scatter [tilespmem:s12], [sflag:$0x3], $0x80, $0x38;
	[tilespmem:$0xC180] =	vst v63  }
0x31: {  	_ =	swait.ge [sflag:s13], $0x80  }
0x32: {  	[sflag:s13] =	ssyncset.done $0x0  }
0x33: {  	[sflag:s13] =	ssyncadd.s32 $0xFFFFFF80  }
.LBB2_3:
0x34: {  	s17 =	sshll.u32 s16, $0x1  }
0x35: {  	s18 =	sshll.u32 s16, $0x5;
	s19 =	sadd.s32 s5, s17  }
0x36: {  	s20 =	sand.u32 $0x60, s18;
	s21 =	sshll.u32 s19, $0x9  }
0x37: {  	s31 =	sadd.s32 s20, s3;
	s30 =	sand.u32 $0xFFFF000, s21  }
0x38: {  	s18 =	sadd.s32 s30, s31  }
0x39: {  	s22 =	simm.s32 $0x80;
	s18 =	sadd.s32 $0x10, s18  }
0x3a: {  	s23 =	simm.s32 $0x180;
	s21 =	simm.s32 $0x80;
	s24 =	sadd.s32 $0x0, s18  }
.LBB2_4:
0x3b: {  	[tilespmem:s21], [sflag:$0x2] =	stream.linear.gather [hbm4b:s24+s2], $0x80, $0x38;
	[tilespmem:$0xC180] =	vst v63  }
0x3c: {  	s24 =	smov.u32 s22;
	s21 =	smov.u32 s23;
	p0 =	sne.s32 s22, $0xF80  }
.Ltmp5:
0x3d: {  	s22 =	sadd.s32 $0x80, s22;
	(pc) =	sbr.rel @p0 .LBB2_4-.Ltmp5, $2  }
0x3e: {  	_ =	sdelay $0x2  }
0x3f: {  	s23 =	sadd.s32 $0x100, s23;
	s24 =	sadd.s32 s24, s18  }
0x40: {  	[tilespmem:s21], [sflag:$0x2] =	stream.linear.gather [hbm4b:s24+s2], $0x80, $0x38;
	[tilespmem:$0xC180] =	vst v63  }
0x41: {  	_ =	swait.ge [sflag:s11], $0x1000  }
0x42: {  	s18 =	sshll.u32 s16, $0x8;
	[sflag:s11] =	ssyncset.done $0x0  }
0x43: {  	s18 =	sand.u32 $0x3FFFFF00, s18;
	[sflag:s11] =	ssyncadd.s32 $0xFFFFF000  }
0x44: {  	s21 =	simm.s32 $0x40;
	s22 =	simm.s32 $0x0;
	v3 =	vld [tilespmem:s18+$0x2000];
	s18 =	simm.s32 $0x0  }
.LBB2_6:
0x45: {  	v11 =	vld [tilespmem:s21+$0xFFFFFFC0]  }
0x46: {  	v10 =	vld [tilespmem:s21+$0xFFFFFFD0]  }
0x47: {  	v9 =	vld [tilespmem:s21+$0xFFFFFFE0]  }
0x48: {  	v8 =	vld [tilespmem:s21+$0xFFFFFFF0]  }
0x49: {  	v7 =	vld [tilespmem:s21+$0x0]  }
0x4a: {  	v6 =	vld [tilespmem:s21+$0x10]  }
0x4b: {  	v5 =	vld [tilespmem:s21+$0x20];
	vm7 =	vle.f32 v11, v3;
	vm6 =	vle.f32 v10, v3  }
0x4c: {  	v4 =	vld [tilespmem:s21+$0x30];
	vm5 =	vle.f32 v9, v3;
	vm0 =	vmor vm7, vm6  }
0x4d: {  	vm4 =	vle.f32 v8, v3;
	vm0 =	vmor vm0, vm5  }
0x4e: {  	vm3 =	vle.f32 v7, v3;
	vm0 =	vmor vm0, vm4  }
0x4f: {  	vm2 =	vle.f32 v6, v3;
	vm0 =	vmor vm0, vm3  }
0x50: {  	vm1 =	vle.f32 v5, v3;
	vm8 =	vmor vm0, vm2  }
0x51: {  	vm0 =	vle.f32 v4, v3;
	vm8 =	vmor vm8, vm1  }
0x52: {  	vm8 =	vmor vm8, vm0  }
0x53: {  	v12 =	vmpcnt.ones.xlane vm8;
	_ =	sdelay $0x1  }
0x54: {  	(v2sf) =	vpush v12, $0x0;
	_ =	sdelay $0xe  }
0x55: {  	s23 =	spop (v2sf)  }
0x56: {  	p0 =	slt.s32 s23, $0x1  }
0x57: {  	v12 =	vmpcnt.ones.xlane @!p0 vm7;
	_ =	sdelay $0x1  }
0x58: {  	(v2sf) =	vpush @!p0 v12, $0x0;
	v12 =	vmpcnt.ones.xlane @!p0 vm6;
	_ =	sdelay $0x1  }
0x59: {  	(v2sf) =	vpush @!p0 v12, $0x0;
	v12 =	vmpcnt.ones.xlane @!p0 vm5;
	_ =	sdelay $0x1  }
0x5a: {  	(v2sf) =	vpush @!p0 v12, $0x0;
	v12 =	vmpcnt.ones.xlane @!p0 vm4;
	_ =	sdelay $0x1  }
0x5b: {  	(v2sf) =	vpush @!p0 v12, $0x0;
	v12 =	vmpcnt.ones.xlane @!p0 vm3;
	_ =	sdelay $0x1  }
0x5c: {  	(v2sf) =	vpush @!p0 v12, $0x0;
	v12 =	vmpcnt.ones.xlane @!p0 vm2;
	_ =	sdelay $0x1  }
0x5d: {  	(v2sf) =	vpush @!p0 v12, $0x0;
	v12 =	vmpcnt.ones.xlane @!p0 vm1;
	_ =	sdelay $0x1  }
0x5e: {  	(v2sf) =	vpush @!p0 v12, $0x0;
	v12 =	vmpcnt.ones.xlane @!p0 vm0;
	_ =	sdelay $0x1  }
0x5f: {  	(v2sf) =	vpush @!p0 v12, $0x0  }
0x60: {  	[tilespmem:s22+$0xA000] =	vst.msk @!p0 vm7, v11;
	v12 =	vor.u32 @!p0 s18, v0;
	s23 =	spop @!p0 (v2sf)  }
0x61: {  	s24 =	sadd.s32 @!p0 $0x10, s18;
	[tilespmem:s22+$0xB080] =	vst.msk @!p0 vm7, v12;
	s22 =	sadd.s32 @!p0 s22, s23  }
0x62: {  	v11 =	vor.u32 @!p0 s24, v0;
	s23 =	spop @!p0 (v2sf);
	[tilespmem:s22+$0xA000] =	vst.msk @!p0 vm6, v10  }
0x63: {  	s24 =	sadd.s32 @!p0 $0x20, s18;
	[tilespmem:s22+$0xB080] =	vst.msk @!p0 vm6, v11;
	s22 =	sadd.s32 @!p0 s23, s22  }
0x64: {  	v10 =	vor.u32 @!p0 s24, v0;
	s23 =	spop @!p0 (v2sf);
	[tilespmem:s22+$0xA000] =	vst.msk @!p0 vm5, v9  }
0x65: {  	s24 =	sadd.s32 @!p0 $0x30, s18;
	[tilespmem:s22+$0xB080] =	vst.msk @!p0 vm5, v10;
	s22 =	sadd.s32 @!p0 s23, s22  }
0x66: {  	v9 =	vor.u32 @!p0 s24, v0;
	s23 =	spop @!p0 (v2sf);
	[tilespmem:s22+$0xA000] =	vst.msk @!p0 vm4, v8  }
0x67: {  	s24 =	sadd.s32 @!p0 $0x40, s18;
	[tilespmem:s22+$0xB080] =	vst.msk @!p0 vm4, v9;
	s22 =	sadd.s32 @!p0 s23, s22  }
0x68: {  	v8 =	vor.u32 @!p0 s24, v0;
	s23 =	spop @!p0 (v2sf);
	[tilespmem:s22+$0xA000] =	vst.msk @!p0 vm3, v7  }
0x69: {  	s24 =	sadd.s32 @!p0 $0x50, s18;
	[tilespmem:s22+$0xB080] =	vst.msk @!p0 vm3, v8;
	s22 =	sadd.s32 @!p0 s23, s22  }
0x6a: {  	v7 =	vor.u32 @!p0 s24, v0;
	s23 =	spop @!p0 (v2sf);
	[tilespmem:s22+$0xA000] =	vst.msk @!p0 vm2, v6  }
0x6b: {  	s24 =	sadd.s32 @!p0 $0x60, s18;
	[tilespmem:s22+$0xB080] =	vst.msk @!p0 vm2, v7;
	s22 =	sadd.s32 @!p0 s23, s22  }
0x6c: {  	v6 =	vor.u32 @!p0 s24, v0;
	s23 =	spop @!p0 (v2sf);
	[tilespmem:s22+$0xA000] =	vst.msk @!p0 vm1, v5  }
0x6d: {  	s24 =	sadd.s32 @!p0 $0x70, s18;
	[tilespmem:s22+$0xB080] =	vst.msk @!p0 vm1, v6;
	s22 =	sadd.s32 @!p0 s23, s22  }
0x6e: {  	s18 =	sadd.s32 $0x80, s18;
	v5 =	vor.u32 @!p0 s24, v0;
	s23 =	spop @!p0 (v2sf);
	[tilespmem:s22+$0xA000] =	vst.msk @!p0 vm0, v4  }
0x6f: {  	[tilespmem:s22+$0xB080] =	vst.msk @!p0 vm0, v5;
	s22 =	sadd.s32 @!p0 s23, s22;
	p0 =	sne.s32 s18, $0x1000  }
.Ltmp6:
0x70: {  	_ = 	snop;
	(pc) =	sbr.rel @p0 .LBB2_6-.Ltmp6, $2  }
0x71: {  	_ =	sdelay $0x2  }
0x72: {  	s21 =	sadd.s32 $0x100, s21  }
0x73: {  	s18 =	sadd.s32 $0xF, s22  }
0x74: {  	s21 =	sand.u32 $0xF, s18  }
0x75: {  	s31 =	sshra.s32 s18, $0x1F;
	p1 =	slt.s32 s18, $0x1;
	p0 =	sne.s32 s21, $0x0  }
0x76: {  	s21 =	sshrl.u32 s31, $0x1C;
	p0 =	por !p1, !p0  }
0x77: {  	s18 =	sadd.s32 s21, s18;
	s21 =	simm.s32 $0x1;
	p0 =	por !p0, !p0  }
0x78: {  	s18 =	sshra.s32 s18, $0x4;
	s21 =	simm.s32 @!p0 $0x0  }
0x79: {  	s18 =	ssub.s32 s18, s21  }
0x7a: {  	p0 =	slt.s32 s18, $0x1  }
.Ltmp7:
0x7b: {  	_ = 	snop;
	(pc) =	sbr.rel @p0 .LBB2_15-.Ltmp7, $3  }
0x7c: {  	_ =	sdelay $0x1  }
0x7d: {  	v4 =	vimm.f32 $+Inf  }
0x7e: {  	v3 =	vimm.s32 $0x0;
	[tilespmem:s22+$0xA000] =	vst v4  }
0x7f: {  	p2 =	sne.s32 s18, $0x1  }
.Ltmp8:
0x80: {  	_ = 	snop;
	(pc) =	sbr.rel @!p2 .LBB2_9-.Ltmp8, $4  }
0x81: {  	_ = 	snop  }
0x82: {  	s21 =	simm.s32 $0xA000  }
0x83: {  	s22 =	simm.s32 $0xB080;
	v5 =	vld [tilespmem:s21+$0x0]  }
0x84: {  	s18 =	sadd.s32 $0xFFFFFFFF, s18;
	p0 =	por $0x0, $0x0;
	p1 =	por $0x0, $0x0;
	v6 =	vld [tilespmem:s22+$0x0]  }
0x85: {  	p2 =	sne.s32 s18, $0x1  }
.Ltmp9:
0x86: {  	_ = 	snop;
	(pc) =	sbr.rel @!p2 .LBB2_11-.Ltmp9, $4  }
0x87: {  	_ = 	snop  }
0x88: {  	s21 =	simm.s32 $0xA010  }
0x89: {  	s31 =	simm.s32 $0xB090;
	(xrf1) =	vsort.ascd.msk.f32 $0xffff, v5, v6;
	v5 =	vld [tilespmem:s21+$0x0]  }
0x8a: {  	s22 =	sadd.s32 $0xFFFFFFFF, s18;
	p0 =	por $0x1, $0x1;
	v6 =	vld [tilespmem:s31+$0x0]  }
0x8b: {  	_ =	sdelay $0xb  }
0x8c: {  	v7, v8, _ =	vpop (xrf1)  }
0x8d: {  	v7 =	vperm.xlane v7, v2  }
0x8e: {  	v8 =	vperm.xlane v8, v2  }
0x8f: {  	(xrf1) =	vsort.ascd.msk.f32 $0xffff, v5, v6;
	vm0 =	vle.f32 v4, v7  }
0x90: {  	v6 =	vsel vm0, v4, v7;
	v7 =	vsel vm0, v3, v8  }
0x91: {  	(xrf1) =	vsort.ascd.msk.f32 $0xffff, v6, v7;
	_ =	sdelay $0x4  }
0x92: {  	p2 =	sne.s32 s22, $0x1  }
.Ltmp10:
0x93: {  	_ = 	snop;
	(pc) =	sbr.rel @!p2 .LBB2_14-.Ltmp10, $4  }
0x94: {  	_ = 	snop  }
0x95: {  	s18 =	simm.s32 $0xA020  }
0x96: {  	s21 =	simm.s32 $0xB0A0;
	v5 =	vld [tilespmem:s18+$0x0]  }
0x97: {  	s22 =	sadd.s32 $0xFFFFFFFF, s22;
	p1 =	por $0x1, $0x1;
	v6 =	vld [tilespmem:s21+$0x0]  }
.LBB2_13:
0x98: {  	p2 =	sne.s32 s22, $0x1  }
0x99: {  	v7, v8, _ =	vpop (xrf1)  }
0x9a: {  	v7 =	vperm.xlane v7, v2  }
0x9b: {  	v8 =	vperm.xlane v8, v2;
	v9, v10, _ =	vpop (xrf1)  }
0x9c: {  	(xrf1) =	vsort.ascd.msk.f32 $0xffff, v5, v6;
	vm0 =	vle.f32 v9, v7  }
0x9d: {  	v5 =	vsel vm0, v9, v7;
	v6 =	vsel vm0, v10, v8  }
0x9e: {  	(xrf1) =	vsort.ascd.msk.f32 $0xffff, v5, v6;
	_ =	sdelay $0x5  }
.Ltmp11:
0x9f: {  	(pc) =	sbr.rel @p2 .LBB2_13-.Ltmp11, $4  }
0xa0: {  	_ = 	snop  }
0xa1: {  	s18 =	sadd.s32 $0x10, s18  }
0xa2: {  	s21 =	sadd.s32 $0x10, s21;
	v5 =	vld [tilespmem:s18+$0x0]  }
0xa3: {  	s22 =	sadd.s32 $0xFFFFFFFF, s22;
	v6 =	vld [tilespmem:s21+$0x0]  }
.LBB2_14:
0xa4: {  	_ =	sdelay $0x1  }
0xa5: {  	v7, v8, _ =	vpop @p0 (xrf1)  }
0xa6: {  	v7 =	vperm.xlane @p0 v7, v2;
	v9, v10, _ =	vpop @p1 (xrf1)  }
0xa7: {  	v8 =	vperm.xlane @p0 v8, v2;
	v9 =	vpsel p1, v9, v4  }
0xa8: {  	v10 =	vpsel p1, v10, v3;
	vm0 =	vle.f32 @p0 v9, v7  }
0xa9: {  	(xrf1) =	vsort.ascd.msk.f32 $0xffff, v5, v6;
	v5 =	vsel @p0 vm0, v9, v7;
	v6 =	vsel @p0 vm0, v10, v8  }
0xaa: {  	(xrf1) =	vsort.ascd.msk.f32 @p0 $0xffff, v5, v6;
	_ =	sdelay $0xc  }
0xab: {  	v5, v6, _ =	vpop (xrf1)  }
0xac: {  	v5 =	vperm.xlane v5, v2;
	v7, v8, _ =	vpop @p0 (xrf1)  }
0xad: {  	v6 =	vperm.xlane v6, v2;
	v4 =	vpsel p0, v7, v4  }
0xae: {  	v3 =	vpsel p0, v8, v3;
	vm15 =	vle.f32 v4, v5  }
0xaf: {  	v4 =	vsel vm15, v4, v5;
	v3 =	vsel vm15, v3, v6  }
0xb0: {  	(xrf1) =	vsort.ascd.msk.f32 $0xffff, v4, v3;
	_ =	sdelay $0xd  }
0xb1: {  	v4, v3, _ =	vpop (xrf1)  }
.LBB2_15:
0xb2: {  	s18 =	sshll.u32 s19, $0x4  }
0xb3: {  	v3 =	vadd.s32 v1, v3;
	s20 =	sadd.s32 s4, s20;
	p0 =	seq.s32 s16, $0x7F;
	s18 =	sand.u32 $0xFFFFF80, s18  }
.Ltmp12:
0xb4: {  	[tilespmem:$0xC100] =	vst v3;
	s20 =	sadd.s32 s18, s20;
	(pc) =	sbr.rel @p0 .LBB2_19-.Ltmp12, $4  }
0xb5: {  	[hbm4b:s20+s2] =	stream.linear.scatter [tilespmem:s12], [sflag:$0x3], $0x80, $0x38;
	[tilespmem:$0xC180] =	vst v63  }
0xb6: {  	_ =	swait.ge [sflag:s13], $0x80  }
0xb7: {  	[sflag:s13] =	ssyncset.done $0x0  }
0xb8: {  	[sflag:s13] =	ssyncadd.s32 $0xFFFFFF80  }
0xb9: {  	s19 =	sadd.s32 $0x2, s19  }
0xba: {  	s20 =	sshll.u32 s19, $0x4  }
0xbb: {  	s19 =	sshll.u32 s19, $0x9;
	s20 =	sand.u32 $0x60, s20  }
0xbc: {  	s19 =	sand.u32 $0xFFFF000, s19;
	s20 =	sadd.s32 s3, s20  }
0xbd: {  	s21 =	simm.s32 $0x80;
	s19 =	sadd.s32 s19, s20  }
0xbe: {  	s22 =	simm.s32 $0x100;
	s20 =	simm.s32 $0x0;
	s23 =	sadd.s32 $0x0, s19  }
.LBB2_17:
0xbf: {  	[tilespmem:s20], [sflag:$0x1] =	stream.linear.gather [hbm4b:s23+s2], $0x80, $0x38;
	[tilespmem:$0xC180] =	vst v63  }
0xc0: {  	s23 =	smov.u32 s21;
	s20 =	smov.u32 s22;
	p0 =	sne.s32 s21, $0xF80  }
.Ltmp13:
0xc1: {  	s21 =	sadd.s32 $0x80, s21;
	(pc) =	sbr.rel @p0 .LBB2_17-.Ltmp13, $2  }
0xc2: {  	_ =	sdelay $0x2  }
0xc3: {  	s22 =	sadd.s32 $0x100, s22;
	s23 =	sadd.s32 s23, s19  }
0xc4: {  	[tilespmem:s20], [sflag:$0x1] =	stream.linear.gather [hbm4b:s23+s2], $0x80, $0x38;
	[tilespmem:$0xC180] =	vst v63  }
.LBB2_19:
0xc5: {  	_ =	swait.ge [sflag:s14], $0x1000;
	s17 =	sor.u32 $0x1, s17  }
0xc6: {  	[sflag:s14] =	ssyncset.done $0x0;
	s19 =	sshll.u32 s17, $0x7  }
0xc7: {  	[sflag:s14] =	ssyncadd.s32 $0xFFFFF000;
	s19 =	sand.u32 $0x3FFFFF80, s19  }
0xc8: {  	s20 =	simm.s32 $0xF0;
	s21 =	simm.s32 $0x0;
	v3 =	vld [tilespmem:s19+$0x2000];
	s19 =	simm.s32 $0x0  }
.LBB2_20:
0xc9: {  	v11 =	vld [tilespmem:s20+$0xFFFFFF90]  }
0xca: {  	v10 =	vld [tilespmem:s20+$0xFFFFFFA0]  }
0xcb: {  	v9 =	vld [tilespmem:s20+$0xFFFFFFB0]  }
0xcc: {  	v8 =	vld [tilespmem:s20+$0xFFFFFFC0]  }
0xcd: {  	v7 =	vld [tilespmem:s20+$0xFFFFFFD0]  }
0xce: {  	v6 =	vld [tilespmem:s20+$0xFFFFFFE0]  }
0xcf: {  	v5 =	vld [tilespmem:s20+$0xFFFFFFF0];
	vm7 =	vle.f32 v11, v3;
	vm6 =	vle.f32 v10, v3  }
0xd0: {  	v4 =	vld [tilespmem:s20+$0x0];
	vm5 =	vle.f32 v9, v3;
	vm0 =	vmor vm7, vm6  }
0xd1: {  	vm4 =	vle.f32 v8, v3;
	vm0 =	vmor vm0, vm5  }
0xd2: {  	vm3 =	vle.f32 v7, v3;
	vm0 =	vmor vm0, vm4  }
0xd3: {  	vm2 =	vle.f32 v6, v3;
	vm0 =	vmor vm0, vm3  }
0xd4: {  	vm1 =	vle.f32 v5, v3;
	vm8 =	vmor vm0, vm2  }
0xd5: {  	vm0 =	vle.f32 v4, v3;
	vm8 =	vmor vm8, vm1  }
0xd6: {  	vm8 =	vmor vm8, vm0  }
0xd7: {  	v12 =	vmpcnt.ones.xlane vm8;
	_ =	sdelay $0x1  }
0xd8: {  	(v2sf) =	vpush v12, $0x0;
	_ =	sdelay $0xe  }
0xd9: {  	s22 =	spop (v2sf)  }
0xda: {  	p0 =	slt.s32 s22, $0x1  }
0xdb: {  	v12 =	vmpcnt.ones.xlane @!p0 vm7;
	_ =	sdelay $0x1  }
0xdc: {  	(v2sf) =	vpush @!p0 v12, $0x0;
	v12 =	vmpcnt.ones.xlane @!p0 vm6;
	_ =	sdelay $0x1  }
0xdd: {  	(v2sf) =	vpush @!p0 v12, $0x0;
	v12 =	vmpcnt.ones.xlane @!p0 vm5;
	_ =	sdelay $0x1  }
0xde: {  	(v2sf) =	vpush @!p0 v12, $0x0;
	v12 =	vmpcnt.ones.xlane @!p0 vm4;
	_ =	sdelay $0x1  }
0xdf: {  	(v2sf) =	vpush @!p0 v12, $0x0;
	v12 =	vmpcnt.ones.xlane @!p0 vm3;
	_ =	sdelay $0x1  }
0xe0: {  	(v2sf) =	vpush @!p0 v12, $0x0;
	v12 =	vmpcnt.ones.xlane @!p0 vm2;
	_ =	sdelay $0x1  }
0xe1: {  	(v2sf) =	vpush @!p0 v12, $0x0;
	v12 =	vmpcnt.ones.xlane @!p0 vm1;
	_ =	sdelay $0x1  }
0xe2: {  	(v2sf) =	vpush @!p0 v12, $0x0;
	v12 =	vmpcnt.ones.xlane @!p0 vm0;
	_ =	sdelay $0x1  }
0xe3: {  	(v2sf) =	vpush @!p0 v12, $0x0  }
0xe4: {  	[tilespmem:s21+$0xA000] =	vst.msk @!p0 vm7, v11;
	v12 =	vor.u32 @!p0 s19, v0;
	s22 =	spop @!p0 (v2sf)  }
0xe5: {  	s23 =	sadd.s32 @!p0 $0x10, s19;
	[tilespmem:s21+$0xB080] =	vst.msk @!p0 vm7, v12;
	s21 =	sadd.s32 @!p0 s21, s22  }
0xe6: {  	v11 =	vor.u32 @!p0 s23, v0;
	s22 =	spop @!p0 (v2sf);
	[tilespmem:s21+$0xA000] =	vst.msk @!p0 vm6, v10  }
0xe7: {  	s23 =	sadd.s32 @!p0 $0x20, s19;
	[tilespmem:s21+$0xB080] =	vst.msk @!p0 vm6, v11;
	s21 =	sadd.s32 @!p0 s22, s21  }
0xe8: {  	v10 =	vor.u32 @!p0 s23, v0;
	s22 =	spop @!p0 (v2sf);
	[tilespmem:s21+$0xA000] =	vst.msk @!p0 vm5, v9  }
0xe9: {  	s23 =	sadd.s32 @!p0 $0x30, s19;
	[tilespmem:s21+$0xB080] =	vst.msk @!p0 vm5, v10;
	s21 =	sadd.s32 @!p0 s22, s21  }
0xea: {  	v9 =	vor.u32 @!p0 s23, v0;
	s22 =	spop @!p0 (v2sf);
	[tilespmem:s21+$0xA000] =	vst.msk @!p0 vm4, v8  }
0xeb: {  	s23 =	sadd.s32 @!p0 $0x40, s19;
	[tilespmem:s21+$0xB080] =	vst.msk @!p0 vm4, v9;
	s21 =	sadd.s32 @!p0 s22, s21  }
0xec: {  	v8 =	vor.u32 @!p0 s23, v0;
	s22 =	spop @!p0 (v2sf);
	[tilespmem:s21+$0xA000] =	vst.msk @!p0 vm3, v7  }
0xed: {  	s23 =	sadd.s32 @!p0 $0x50, s19;
	[tilespmem:s21+$0xB080] =	vst.msk @!p0 vm3, v8;
	s21 =	sadd.s32 @!p0 s22, s21  }
0xee: {  	v7 =	vor.u32 @!p0 s23, v0;
	s22 =	spop @!p0 (v2sf);
	[tilespmem:s21+$0xA000] =	vst.msk @!p0 vm2, v6  }
0xef: {  	s23 =	sadd.s32 @!p0 $0x60, s19;
	[tilespmem:s21+$0xB080] =	vst.msk @!p0 vm2, v7;
	s21 =	sadd.s32 @!p0 s22, s21  }
0xf0: {  	v6 =	vor.u32 @!p0 s23, v0;
	s22 =	spop @!p0 (v2sf);
	[tilespmem:s21+$0xA000] =	vst.msk @!p0 vm1, v5  }
0xf1: {  	s23 =	sadd.s32 @!p0 $0x70, s19;
	[tilespmem:s21+$0xB080] =	vst.msk @!p0 vm1, v6;
	s21 =	sadd.s32 @!p0 s22, s21  }
0xf2: {  	s19 =	sadd.s32 $0x80, s19;
	v5 =	vor.u32 @!p0 s23, v0;
	s22 =	spop @!p0 (v2sf);
	[tilespmem:s21+$0xA000] =	vst.msk @!p0 vm0, v4  }
0xf3: {  	[tilespmem:s21+$0xB080] =	vst.msk @!p0 vm0, v5;
	s21 =	sadd.s32 @!p0 s22, s21;
	p0 =	sne.s32 s19, $0x1000  }
.Ltmp14:
0xf4: {  	_ = 	snop;
	(pc) =	sbr.rel @p0 .LBB2_20-.Ltmp14, $2  }
0xf5: {  	_ =	sdelay $0x2  }
0xf6: {  	s20 =	sadd.s32 $0x100, s20  }
0xf7: {  	s19 =	sadd.s32 $0xF, s21  }
0xf8: {  	s20 =	sand.u32 $0xF, s19  }
0xf9: {  	s31 =	sshra.s32 s19, $0x1F;
	p1 =	slt.s32 s19, $0x1;
	p0 =	sne.s32 s20, $0x0  }
0xfa: {  	s20 =	sshrl.u32 s31, $0x1C;
	p0 =	por !p1, !p0  }
0xfb: {  	s19 =	sadd.s32 s20, s19;
	s20 =	simm.s32 $0x1;
	p0 =	por !p0, !p0  }
0xfc: {  	s19 =	sshra.s32 s19, $0x4;
	s20 =	simm.s32 @!p0 $0x0  }
0xfd: {  	s19 =	ssub.s32 s19, s20  }
0xfe: {  	p0 =	slt.s32 s19, $0x1  }
.Ltmp15:
0xff: {  	_ = 	snop;
	(pc) =	sbr.rel @p0 .LBB2_29-.Ltmp15, $3  }
0x100: {  	_ =	sdelay $0x1  }
0x101: {  	v4 =	vimm.f32 $+Inf  }
0x102: {  	v3 =	vimm.s32 $0x0;
	[tilespmem:s21+$0xA000] =	vst v4  }
0x103: {  	p2 =	sne.s32 s19, $0x1  }
.Ltmp16:
0x104: {  	_ = 	snop;
	(pc) =	sbr.rel @!p2 .LBB2_23-.Ltmp16, $4  }
0x105: {  	_ = 	snop  }
0x106: {  	s20 =	simm.s32 $0xA000  }
0x107: {  	s21 =	simm.s32 $0xB080;
	v5 =	vld [tilespmem:s20+$0x0]  }
0x108: {  	s19 =	sadd.s32 $0xFFFFFFFF, s19;
	p0 =	por $0x0, $0x0;
	p1 =	por $0x0, $0x0;
	v6 =	vld [tilespmem:s21+$0x0]  }
0x109: {  	_ =	sdelay $0x3  }
0x10a: {  	(xrf1) =	vsort.ascd.msk.f32 $0xffff, v5, v6;
	_ =	sdelay $0x7  }
0x10b: {  	p2 =	sne.s32 s19, $0x1  }
.Ltmp17:
0x10c: {  	_ = 	snop;
	(pc) =	sbr.rel @!p2 .LBB2_25-.Ltmp17, $4  }
0x10d: {  	_ = 	snop  }
0x10e: {  	s20 =	simm.s32 $0xA010  }
0x10f: {  	s31 =	simm.s32 $0xB090;
	v5 =	vld [tilespmem:s20+$0x0]  }
0x110: {  	s21 =	sadd.s32 $0xFFFFFFFF, s19;
	p0 =	por $0x1, $0x1;
	v6 =	vld [tilespmem:s31+$0x0]  }
0x111: {  	v7, v8, _ =	vpop (xrf1)  }
0x112: {  	v7 =	vperm.xlane v7, v2  }
0x113: {  	v8 =	vperm.xlane v8, v2  }
0x114: {  	vm0 =	vle.f32 v4, v7  }
0x115: {  	(xrf1) =	vsort.ascd.msk.f32 $0xffff, v5, v6;
	v6 =	vsel vm0, v4, v7;
	v7 =	vsel vm0, v3, v8  }
0x116: {  	(xrf1) =	vsort.ascd.msk.f32 $0xffff, v6, v7;
	_ =	sdelay $0x6  }
0x117: {  	p2 =	sne.s32 s21, $0x1  }
.Ltmp18:
0x118: {  	_ = 	snop;
	(pc) =	sbr.rel @!p2 .LBB2_28-.Ltmp18, $4  }
0x119: {  	_ = 	snop  }
0x11a: {  	s19 =	simm.s32 $0xA020  }
0x11b: {  	s20 =	simm.s32 $0xB0A0;
	v5 =	vld [tilespmem:s19+$0x0]  }
0x11c: {  	s21 =	sadd.s32 $0xFFFFFFFF, s21;
	p1 =	por $0x1, $0x1;
	v6 =	vld [tilespmem:s20+$0x0]  }
.LBB2_27:
0x11d: {  	p2 =	sne.s32 s21, $0x1  }
0x11e: {  	v7, v8, _ =	vpop (xrf1)  }
0x11f: {  	v7 =	vperm.xlane v7, v2  }
0x120: {  	v8 =	vperm.xlane v8, v2;
	v9, v10, _ =	vpop (xrf1)  }
0x121: {  	(xrf1) =	vsort.ascd.msk.f32 $0xffff, v5, v6;
	vm0 =	vle.f32 v9, v7  }
0x122: {  	v5 =	vsel vm0, v9, v7;
	v6 =	vsel vm0, v10, v8  }
0x123: {  	(xrf1) =	vsort.ascd.msk.f32 $0xffff, v5, v6;
	_ =	sdelay $0x5  }
.Ltmp19:
0x124: {  	(pc) =	sbr.rel @p2 .LBB2_27-.Ltmp19, $4  }
0x125: {  	_ = 	snop  }
0x126: {  	s19 =	sadd.s32 $0x10, s19  }
0x127: {  	s20 =	sadd.s32 $0x10, s20;
	v5 =	vld [tilespmem:s19+$0x0]  }
0x128: {  	s21 =	sadd.s32 $0xFFFFFFFF, s21;
	v6 =	vld [tilespmem:s20+$0x0]  }
.Ltmp20:
0x129: {  	_ = 	snop;
	(pc) =	sbr.rel .LBB2_28-.Ltmp20, $1  }
0x12a: {  	_ =	sdelay $0x3  }
.LBB2_9:
.Ltmp21:
0x12b: {  	(pc) =	sbr.rel .LBB2_14-.Ltmp21, $2  }
0x12c: {  	_ =	sdelay $0x2  }
0x12d: {  	_ = 	snop  }
.LBB2_11:
.Ltmp22:
0x12e: {  	(pc) =	sbr.rel .LBB2_14-.Ltmp22, $2  }
0x12f: {  	_ =	sdelay $0x2  }
0x130: {  	_ = 	snop  }
.LBB2_25:
.Ltmp23:
0x131: {  	(pc) =	sbr.rel .LBB2_28-.Ltmp23, $2  }
0x132: {  	_ =	sdelay $0x2  }
0x133: {  	_ = 	snop  }
.LBB2_31:
0x134: {  	_ =	sfence.sel $0x180000  }
0x135: {  	[bflag:$0x0] =	sbarrier.arrive $0xFFFF  }
0x136: {  	p0 =	sne.s32 s1, $0x0;
	_ =	strace $0x90000047  }
0x137: {  	s0 =	sadd.s32 @!p0 $0x100000, s0;
	[bflag:$0x2] =	sbarrier.arrive $0xFFFF  }
0x138: {  	[sflag:s0] =	ssyncadd.tile.s32 @!p0 $0x1;
	_ =	shalt  }
.Lfunc_end2:
_tile_overlayer_lowered:
.L_overlay_start_2:
0x139: {  	(tag) =	ssettag $0x2  }
0x13a: {  	s0 =	rddreg [dreg:$0x0];
	s2 =	stileid.u32  }
0x13b: {  	s1 =	rddreg [dreg:$0x1];
	p0 =	sne.s32 s2, $0x0  }
0x13c: {  	s3 =	rddreg [dreg:$0x2];
	[bflag:$0x3] =	sbarrier.arrive $0xFFFF;
	s2 =	simm.s32 @!p0 $0x1C04  }
0x13d: {  	[timem:s3], [sflag:s2] =	dma.local @!p0 [hbm:s0], s1  }
0x13e: {  	s0 =	simm.s32 @!p0 $0x4  }
0x13f: {  	_ =	swait.ge @!p0 [sflag:s0], s1  }
0x140: {  	s1 =	ssub.s32 @!p0 $0x0, s1;
	[sflag:s0] =	ssyncset.done @!p0 $0x0  }
0x141: {  	[sflag:s0] =	ssyncadd.s32 @!p0 s1  }
0x142: {  	[bflag:$0x3] =	sbarrier.arrive $0xFFFF  }
0x143: {  	_ =	shalt  }

// kernel: kernel.13.cloned.1.call-start
scs
__scs_entry_jumppad:
0x0: {  	(pc) =	sbr.rel $0x88, $3  }
0x1: {  	(tag) =	ssettag $0x0;
	lr =	simm.s32 $0x1  }
0x2: {  	[smem:$0x3F92] =	sst lr;
	_ =	strace $0xD0000000  }
0x3: {  	_ = 	snop  }
0x4: {  	_ = 	snop  }
0x5: {  	_ = 	snop  }
0x6: {  	_ = 	snop  }
0x7: {  	_ = 	snop  }
__scs_overlays_trampoline_lowered:
0x8: {  	[smem:$0x3FA1] =	sst s0  }
0x9: {  	[smem:$0x3FA2] =	sst s1  }
0xa: {  	[smem:$0x3FA3] =	sst s2  }
0xb: {  	[smem:$0x3FA4] =	sst s3  }
0xc: {  	[smem:$0x3FA5] =	sst s4  }
0xd: {  	[smem:$0x3FA6] =	sst s5  }
0xe: {  	[smem:$0x3FA7] =	sst s6  }
0xf: {  	[smem:$0x3FA8] =	sst s7  }
0x10: {  	[smem:$0x3FA9] =	sst s8  }
0x11: {  	[smem:$0x3FAA] =	sst s9;
	s0 =	simm.s32 @!p0 $0x0  }
0x12: {  	s1 =	sld [smem:$0x3F90];
	s0 =	simm.s32 @p0 $0x1  }
0x13: {  	[smem:$0x3FAB] =	sst s0;
	s0 =	simm.s32 @!p1 $0x0  }
0x14: {  	s2 =	sld [smem:$0x3F8F];
	s0 =	simm.s32 @p1 $0x1  }
0x15: {  	[smem:$0x3FAC] =	sst s0;
	s0 =	simm.s32 @!p2 $0x0  }
0x16: {  	s3 =	sld [smem:$0x3FDB];
	s0 =	simm.s32 @p2 $0x1  }
0x17: {  	s4 =	simm.s32 $0x1BF5;
	[smem:$0x3FAE] =	sst s0  }
0x18: {  	s0 =	sld [smem:$0x3F91];
	_ =	swait.ge [sflag:s4], $0x0  }
0x19: {  	s7 =	sld [smem:$0x3F92]  }
0x1a: {  	s8 =	sadd.s32 $0xFFFFE003, lr  }
0x1b: {  	s9 =	sadd.s32 $0xFFFFFEF7, lr;
	s5 =	simm.s32 $0xFFFFFFFF;
	p2 =	slt.u32 s8, $0xFFFFF086  }
0x1c: {  	p1 =	slt.u32 s9, $0xF7A;
	s5 =	simm.s32 @!p2 $0x0  }
0x1d: {  	s5 =	simm.s32 @p1 $0x1;
	p0 =	seq.s32 s7, s2  }
0x1e: {  	s7 =	smul.u32 @!p0 $0xF7A, s2;
	p2 =	seq.s32 @!p0 s5, $0x0  }
0x1f: {  	s9 =	smul.u32 $0xF7A, s1;
	s8 =	simm.s32 @!p0 $0x1BF5;
	p2 =	por !p2, p0  }
0x20: {  	[sflag:s8] =	ssyncset.s32 @!p0 $0xFFFFF086;
	s6 =	sadd.s32 @!p0 s3, s7;
	s7 =	simm.s32 @!p0 $0x108  }
0x21: {  	s3 =	sadd.s32 s3, s9;
	s6 =	sadd.s32 @!p0 $0x88, s6;
	s7 =	simm.s32 @p2 $0x1082  }
0x22: {  	[simem:s7], [sflag:s8] =	dma.local @!p0 [hbm:s6], $0xF7A  }
0x23: {  	s9 =	sor.u32 $0xD0000000, s2;
	s6 =	simm.s32 $0x108;
	_ =	swait.ge @!p0 [sflag:s8], $0x0  }
0x24: {  	s3 =	sadd.s32 $0x88, s3;
	s6 =	simm.s32 @!p1 $0x1082;
	[sflag:s4] =	ssyncset.s32 $0xFFFFF086  }
0x25: {  	[simem:s6], [sflag:s4] =	dma.local [hbm:s3], $0xF7A  }
0x26: {  	[smem:$0x3F92] =	sst s1;
	(tag) =	ssettag s2;
	_ =	strace s9  }
0x27: {  	s1 =	sld [smem:$0x3FA2]  }
0x28: {  	s2 =	sld [smem:$0x3FA3]  }
0x29: {  	s4 =	sld [smem:$0x3FA5]  }
0x2a: {  	p0 =	seq.s32 s5, $0x0;
	s5 =	sld [smem:$0x3FA6]  }
0x2b: {  	s6 =	sld [smem:$0x3FA7]  }
0x2c: {  	s7 =	sld [smem:$0x3FA8]  }
0x2d: {  	s3 =	simm.s32 $0x108;
	s8 =	sld [smem:$0x3FA9]  }
0x2e: {  	s3 =	simm.s32 @!p0 $0x1082;
	s9 =	sld [smem:$0x3FAA]  }
0x2f: {  	lr =	sadd.s32 s0, s3;
	s0 =	sld [smem:$0x3FA1]  }
0x30: {  	s3 =	sld [smem:$0x3FA4]  }
0x31: {  	[smem:$0x3FAD] =	sst s10  }
0x32: {  	s10 =	sld [smem:$0x3FAB];
	_ =	sdelay $0x3  }
0x33: {  	p0 =	seq.s32 s10, $0x1;
	s10 =	sld [smem:$0x3FAD];
	_ =	sdelay $0x3  }
0x34: {  	[smem:$0x3FAD] =	sst s10  }
0x35: {  	s10 =	sld [smem:$0x3FAC];
	_ =	sdelay $0x3  }
0x36: {  	p1 =	seq.s32 s10, $0x1;
	s10 =	sld [smem:$0x3FAD];
	_ =	sdelay $0x3  }
0x37: {  	[smem:$0x3FAD] =	sst s10  }
0x38: {  	s10 =	sld [smem:$0x3FAE]  }
0x39: {  	_ = 	snop;
	(pc) =	sbr.ind lr, $3  }
0x3a: {  	_ = 	snop  }
0x3b: {  	_ = 	snop  }
0x3c: {  	p2 =	seq.s32 s10, $0x1;
	s10 =	sld [smem:$0x3FAD]  }
0x3d: {  	_ =	shalt  }
0x3e: {  	_ =	shalt  }
0x3f: {  	_ =	shalt  }
0x40: {  	_ =	shalt  }
0x41: {  	_ =	shalt  }
0x42: {  	_ =	shalt  }
0x43: {  	_ =	shalt  }
0x44: {  	_ =	shalt  }
0x45: {  	_ =	shalt  }
0x46: {  	_ =	shalt  }
0x47: {  	_ =	shalt  }
0x48: {  	_ =	shalt  }
0x49: {  	_ =	shalt  }
0x4a: {  	_ =	shalt  }
0x4b: {  	_ =	shalt  }
0x4c: {  	_ =	shalt  }
0x4d: {  	_ =	shalt  }
0x4e: {  	_ =	shalt  }
0x4f: {  	_ =	shalt  }
0x50: {  	_ =	shalt  }
0x51: {  	_ =	shalt  }
0x52: {  	_ =	shalt  }
0x53: {  	_ =	shalt  }
0x54: {  	_ =	shalt  }
0x55: {  	_ =	shalt  }
0x56: {  	_ =	shalt  }
0x57: {  	_ =	shalt  }
0x58: {  	_ =	shalt  }
0x59: {  	_ =	shalt  }
0x5a: {  	_ =	shalt  }
0x5b: {  	_ =	shalt  }
0x5c: {  	_ =	shalt  }
0x5d: {  	_ =	shalt  }
0x5e: {  	_ =	shalt  }
0x5f: {  	_ =	shalt  }
0x60: {  	_ =	shalt  }
0x61: {  	_ =	shalt  }
0x62: {  	_ =	shalt  }
0x63: {  	_ =	shalt  }
0x64: {  	_ =	shalt  }
0x65: {  	_ =	shalt  }
0x66: {  	_ =	shalt  }
0x67: {  	_ =	shalt  }
0x68: {  	_ =	shalt  }
0x69: {  	_ =	shalt  }
0x6a: {  	_ =	shalt  }
0x6b: {  	_ =	shalt  }
0x6c: {  	_ =	shalt  }
0x6d: {  	_ =	shalt  }
0x6e: {  	_ =	shalt  }
0x6f: {  	_ =	shalt  }
0x70: {  	_ =	shalt  }
0x71: {  	_ =	shalt  }
0x72: {  	_ =	shalt  }
0x73: {  	_ =	shalt  }
0x74: {  	_ =	shalt  }
0x75: {  	_ =	shalt  }
0x76: {  	_ =	shalt  }
0x77: {  	_ =	shalt  }
0x78: {  	_ =	shalt  }
0x79: {  	_ =	shalt  }
0x7a: {  	_ =	shalt  }
0x7b: {  	_ =	shalt  }
0x7c: {  	_ =	shalt  }
0x7d: {  	_ =	shalt  }
0x7e: {  	_ =	shalt  }
0x7f: {  	_ =	shalt  }
0x80: {  	_ =	shalt  }
0x81: {  	_ =	shalt  }
0x82: {  	_ =	shalt  }
0x83: {  	_ =	shalt  }
0x84: {  	_ =	shalt  }
0x85: {  	_ =	shalt  }
0x86: {  	_ =	shalt  }
0x87: {  	_ =	shalt  }
.Lfunc_end0:
.L_simem_size_0:
called_computation.1_lowered:
.L_overlay_start_0:
0x88: {  	s2 =	sld [smem:$0x3FD9]  }
0x89: {  	s3 =	sld [smem:$0x3FFE];
	_ =	sdelay $0x1  }
0x8a: {  	s1 =	srdreg.scid  }
0x8b: {  	s0 =	sand.u32 $0x1, s1  }
0x8c: {  	s16 =	sshll.u32 s0, $0xA;
	s2 =	sadd.s32 s3, s2  }
0x8d: {  	s2 =	sadd.s32 s2, s16  }
0x8e: {  	[smem:$0x3FB9] =	sst s2  }
0x8f: {  	_ = 	snop  }
0x90: {  	(tm) =	ssettm $0x1  }
0x91: {  	s17 =	sld [smem:$0x3FFB];
	_ =	sdelay $0x3  }
0x92: {  	_ =	strace s17  }
0x93: {  	s2 =	sld [smem:$0x3FFC];
	_ =	sdelay $0x3  }
0x94: {  	_ =	strace s2  }
0x95: {  	s2 =	sld [smem:$0x3FFD];
	_ =	sdelay $0x3  }
0x96: {  	_ =	strace s2  }
0x97: {  	_ =	strace $0x8FFFFFFF  }
0x98: {  	s18 =	sld [smem:$0x3FDB];
	_ =	sdelay $0x1  }
0x99: {  	s19 =	simm.s32 $_scs_section_size  }
0x9a: {  	s4 =	simm.s32 $_size__tile_overlayer_lowered;
	s5 =	simm.s32 $_tile_overlayer_lowered  }
0x9b: {  	s22 =	simm.s32 $0x1BFF;
	s21 =	sshll.u32 s5, $0x1;
	s2 =	sadd.s32 s19, s18  }
0x9c: {  	s6 =	simm.s32 $0x0;
	s20 =	sshll.u32 s4, $0x1;
	s4 =	sadd.s32 s21, s2  }
0x9d: {  	[timem:s6], [sflag:s22] =	dma.local [hbm:s4], s20  }
0x9e: {  	_ =	swait.ge [sflag:s22], s20  }
0x9f: {  	s3 =	ssub.s32 $0x0, s20;
	[sflag:s22] =	ssyncset.done $0x0  }
0xa0: {  	[sflag:s22] =	ssyncadd.s32 s3;
	_ =	sdelay $0x1  }
0xa1: {  	s23 =	simm.s32 $0x1B8B  }
0xa2: {  	_ =	swait.ge [sflag:s23], $0x1  }
0xa3: {  	[sflag:s23] =	ssyncset.done $0x0  }
0xa4: {  	s25 =	simm.s32 $0x1B8E;
	s24 =	sld [smem:$0x3FFE];
	[sflag:s23] =	ssyncadd.s32 $0xFFFFFFFF  }
0xa5: {  	s26 =	simm.s32 $execute0_lowered;
	[smem:$0x3FD2] =	sst s25  }
0xa6: {  	s4 =	sshll.u32 s26, $0x1;
	_ =	strace $0x80000049;
	[dreg:$0x1] =	wrdreg $0xFFFFFFFF  }
0xa7: {  	s28 =	simm.s32 $_size_execute0_lowered;
	s2 =	sadd.s32 s2, s4;
	[dreg:$0x0] =	wrdreg $0x0  }
0xa8: {  	s4 =	sshll.u32 s28, $0x1;
	[dreg:$0x2] =	wrdreg s2  }
0xa9: {  	[dreg:$0x3] =	wrdreg s4  }
0xaa: {  	[dreg:$0x4] =	wrdreg $0xC0  }
0xab: {  	_ =	task [dreg:s6], $0x5FFFF  }
0xac: {  	[dreg:$0x1] =	wrdreg $0xFFFFFFFF  }
0xad: {  	[dreg:$0x0] =	wrdreg $0x60  }
0xae: {  	[dreg:$0x2] =	wrdreg s24  }
0xaf: {  	[dreg:$0x3] =	wrdreg $0x9  }
0xb0: {  	_ =	task.clear_ibuf [dreg:s6], $0x4FFFF;
	_ =	strace $0x90000049  }
0xb1: {  	s29 =	simm.s32 $0x9;
	_ =	strace $0x8000004B  }
0xb2: {  	_ =	swait.ge [sflag:s29], $0x1  }
0xb3: {  	[sflag:s29] =	ssyncadd.s32 $0xFFFFFFFF  }
0xb4: {  	_ =	strace $0x9000004B  }
0xb5: {  	_ =	sfence  }
0xb6: {  	s30 =	sld [smem:$0x0];
	_ =	sdelay $0x2  }
0xb7: {  	s31 =	sshll.u32 s1, $0xD;
	s1 =	sshrl.u32 s1, $0x2  }
0xb8: {  	s3 =	sand.u32 $0x4000, s31;
	s1 =	sadd.s32 s1, s30  }
0xb9: {  	s0 =	sor.u32 s3, s0;
	s1 =	sshll.u32 s1, $0x11  }
0xba: {  	s0 =	sor.u32 s1, s0  }
0xbb: {  	s0 =	sadd.s32 $0x8F2B, s0  }
0xbc: {  	[sflag:s0] =	ssyncadd.remote.s32 $0x1  }
0xbd: {  	_ =	sfence.sel $0xFFFF  }
0xbe: {  	[dreg:$0x0] =	wrdreg $0xFFFFFFFF;
	(pc) =	sbr.abs _section_cstart, $3  }
0xbf: {  	[dreg:$0x1] =	wrdreg $0xFFFFFFFF  }
0xc0: {  	_ =	task.clear_ibuf [dreg:s6], $0x2FFFF;
	_ =	strace $0x9FFFFFFF  }
0xc1: {  	(tm) =	ssettm $0x7FFFFFFF  }
tec
execute0_lowered:
.L_overlay_start_1:
0x0: {  	(tag) =	ssettag $0x1  }
0x1: {  	s0 =	srdreg.scid  }
0x2: {  	s2 =	stileid.u32;
	s1 =	sand.u32 $0x1, s0  }
0x3: {  	s20 =	sshll.u32 s2, $0xD;
	s21 =	sshll.u32 s1, $0xC  }
0x4: {  	s3 =	sor.u32 s21, s20  }
0x5: {  	s2 =	sor.u32 $0x80, s3  }
0x6: {  	s0 =	rddreg [dreg:$0x0];
	s5 =	sshrl.u32 s2, $0x3;
	s2 =	simm.s32 $0x0  }
0x7: {  	s25 =	simm.s32 $0x1800;
	[smem:$0x7FF] =	sst s2  }
0x8: {  	s26 =	simm.s32 $0x1C00;
	_ =	strace $0x8000004A;
	[dreg:$0x4] =	wrdreg s25  }
0x9: {  	s22 =	smul.u32 $0x180, s5;
	s5 =	simm.s32 $0x2400;
	[dreg:$0x5] =	wrdreg s26  }
0xa: {  	s7 =	simm.s32 $0x3000;
	[dreg:$0x6] =	wrdreg s5  }
0xb: {  	s8 =	simm.s32 $0x3400;
	[dreg:$0x8] =	wrdreg s7  }
0xc: {  	s9 =	simm.s32 $0x3C00;
	[dreg:$0x9] =	wrdreg s8  }
0xd: {  	s10 =	simm.s32 $0x4000;
	[dreg:$0xa] =	wrdreg s9  }
0xe: {  	s11 =	simm.s32 $0x4800;
	[dreg:$0xb] =	wrdreg s10  }
0xf: {  	s12 =	simm.s32 $0x4C00;
	[dreg:$0xc] =	wrdreg s11  }
0x10: {  	s13 =	simm.s32 $0x5400;
	[dreg:$0xd] =	wrdreg s12  }
0x11: {  	s14 =	simm.s32 $0x5800;
	[dreg:$0xe] =	wrdreg s13  }
0x12: {  	s15 =	simm.s32 $0x6000;
	[dreg:$0xf] =	wrdreg s14  }
0x13: {  	s16 =	simm.s32 $0x6400;
	[dreg:$0x10] =	wrdreg s15  }
0x14: {  	s17 =	simm.s32 $0x6C00;
	[dreg:$0x11] =	wrdreg s16  }
0x15: {  	s18 =	simm.s32 $0x7000;
	[dreg:$0x12] =	wrdreg s17  }
0x16: {  	s19 =	simm.s32 $0x7800;
	s20 =	simm.s32 $0x7C00;
	[dreg:$0x13] =	wrdreg s18  }
0x17: {  	s21 =	simm.s32 $0x8400;
	s4 =	sshrl.u32 s3, $0x3;
	[dreg:$0x14] =	wrdreg s19  }
0x18: {  	s6 =	smul.u32 $0x180, s4;
	s4 =	sadd.s32 s4, s0;
	[dreg:$0x15] =	wrdreg s20  }
0x19: {  	s23 =	sadd.s32 $0x504000, s0;
	s4 =	sadd.s32 $0x24000, s4;
	[dreg:$0x16] =	wrdreg s21  }
0x1a: {  	s24 =	sadd.s32 s6, s23;
	[smem:$0x7F6] =	sst s4  }
0x1b: {  	s6 =	simm.s32 $0x2800;
	[dreg:$0x3] =	wrdreg s24  }
0x1c: {  	s25 =	simm.s32 $0x9C00;
	[dreg:$0x7] =	wrdreg s6  }
0x1d: {  	s26 =	simm.s32 $0xA000;
	[dreg:$0x1a] =	wrdreg s25  }
0x1e: {  	s5 =	simm.s32 $0xA800;
	[dreg:$0x1b] =	wrdreg s26  }
0x1f: {  	s7 =	simm.s32 $0xB400;
	[dreg:$0x1c] =	wrdreg s5  }
0x20: {  	s8 =	simm.s32 $0xB800;
	[dreg:$0x1e] =	wrdreg s7  }
0x21: {  	s9 =	simm.s32 $0xC000;
	[dreg:$0x1f] =	wrdreg s8  }
0x22: {  	s10 =	simm.s32 $0xC400;
	[smem:$0x7EB] =	sst s9  }
0x23: {  	s28 =	simm.s32 $0x1;
	s11 =	simm.s32 $0xCC00;
	[smem:$0x7EC] =	sst s10  }
0x24: {  	s29 =	simm.s32 $0x2;
	s12 =	simm.s32 $0xD800;
	[smem:$0x7ED] =	sst s11  }
0x25: {  	s30 =	simm.s32 $0x3;
	s13 =	simm.s32 $0xDC00;
	[smem:$0x7EE] =	sst s12  }
0x26: {  	s31 =	simm.s32 $0x4;
	s14 =	simm.s32 $0xE400;
	[smem:$0x7EF] =	sst s13  }
0x27: {  	s1 =	ssub.s32 $0x2, s1;
	s15 =	simm.s32 $0xE800;
	[smem:$0x7F0] =	sst s14  }
0x28: {  	s16 =	simm.s32 $0xF000;
	s17 =	simm.s32 $0xF400;
	[smem:$0x7F1] =	sst s15  }
0x29: {  	s18 =	simm.s32 $0xFC00;
	s19 =	sshrl.u32 s1, $0x1;
	[smem:$0x7F2] =	sst s16  }
0x2a: {  	s20 =	simm.s32 $0x10000;
	s21 =	simm.s32 $0x10800;
	[smem:$0x7F3] =	sst s17  }
0x2b: {  	s3 =	sadd.s32 s22, s23;
	s22 =	simm.s32 $0x8800;
	[smem:$0x7F4] =	sst s18  }
0x2c: {  	s23 =	simm.s32 $0x9000;
	s24 =	simm.s32 $0x9400;
	[smem:$0x7F5] =	sst s20  }
0x2d: {  	s6 =	simm.s32 $0xAC00;
	s1 =	ssub.s32 s1, s19;
	[smem:$0x7F7] =	sst s21  }
0x2e: {  	s5 =	sadd.s32 $0x4A4100, s0;
	s25 =	simm.s32 $0x12000;
	s8 =	simm.s32 $0x1000  }
0x2f: {  	s26 =	simm.s32 $0x12400;
	s9 =	simm.s32 $0xD000;
	[dreg:$0x2] =	wrdreg s3  }
0x30: {  	s10 =	simm.s32 $0x12C00;
	s11 =	simm.s32 $0x13000;
	[dreg:$0x17] =	wrdreg s22  }
0x31: {  	s12 =	simm.s32 $0x13800;
	s13 =	simm.s32 $0x13C00;
	[dreg:$0x18] =	wrdreg s23  }
0x32: {  	s14 =	simm.s32 $0x14400;
	s15 =	simm.s32 $0x14800;
	[dreg:$0x19] =	wrdreg s24  }
0x33: {  	s16 =	simm.s32 $0x15000;
	s17 =	simm.s32 $0x15400;
	[dreg:$0x1d] =	wrdreg s6  }
0x34: {  	s18 =	simm.s32 $0x15C00;
	s19 =	simm.s32 $0x16000;
	[smem:$0x7FC] =	sst s25  }
0x35: {  	s20 =	simm.s32 $0x16800;
	s22 =	simm.s32 $0x10C00;
	[smem:$0x7FD] =	sst s26  }
0x36: {  	s21 =	simm.s32 $0x16C00;
	s1 =	smax.u32 s1, $0x1;
	[smem:$0x7F8] =	sst s22  }
0x37: {  	s3 =	sadd.s32 $0x4A4000, s0;
	s23 =	simm.s32 $0x11400;
	[smem:$0x7F9] =	sst s1  }
0x38: {  	v2 =	vlaneseq.u32;
	s24 =	simm.s32 $0x11800;
	s25 =	simm.s32 $0x18400;
	[smem:$0x7FA] =	sst s23  }
0x39: {  	vm0 =	vmmov $0xffff;
	vm1 =	vmmov $0xff;
	v1 =	vshrl.u32 v2, $0x3;
	s26 =	simm.s32 $0x18C00;
	[smem:$0x7FB] =	sst s24;
	s22 =	simm.s32 $0x17400  }
0x3a: {  	v0 =	vand.u32 $0x7, v2;
	v2 =	vor.u32 $0x8, v2;
	v1 =	vmul.u32 $0x8, v1;
	s23 =	simm.s32 $0x17800;
	s24 =	simm.s32 $0x18000;
	s1 =	simm.s32 $0x0  }
.LBB2_1:
0x3b: {  	s0 =	sld [smem:$0x7F6];
	_ =	sdelay $0x1  }
0x3c: {  	s7 =	simm.s32 $0x5  }
0x3d: {  	[tilespmem:s2], [sflag:$0x5] =	stream.linear.gather [hbm4b:s0+s2], $0x1000, $0x38;
	[tilespmem:$0x19000] =	vst v63  }
0x3e: {  	_ =	swait.ge [sflag:s7], $0x1000  }
0x3f: {  	[sflag:s7] =	ssyncset.done $0x0  }
0x40: {  	s4 =	simm.s32 $0x0;
	s0 =	simm.s32 $0x80;
	[sflag:s7] =	ssyncadd.s32 $0xFFFFF000  }
.LBB2_2:
0x41: {  	p0 =	seq.s32 s4, $0x0  }
0x42: {  	s6 =	simm.s32 @!p0 $0x3  }
0x43: {  	_ =	swait.ge @!p0 [sflag:s6], $0xC000  }
0x44: {  	[sflag:s6] =	ssyncset.done @!p0 $0x0  }
0x45: {  	[sflag:s6] =	ssyncadd.s32 @!p0 $0xFFFF4000  }
0x46: {  	v3 =	vld [tilespmem:s0+$0xFFFFFF80];
	_ =	sdelay $0x4  }
0x47: {  	v4 =	vshrl.u32 v3, $0x3  }
0x48: {  	v4 =	vmul.u32 $0x18, v4  }
0x49: {  	v3 =	vand.u32 $0x7, v3  }
0x4a: {  	v3 =	vor.u32 v3, v4  }
0x4b: {  	v4 =	vperm.xlane v3, v0;
	_ =	sdelay $0x1  }
0x4c: {  	v4 =	vadd.s32 v1, v4;
	_ =	sdelay $0x1  }
0x4d: {  	v3 =	vperm.xlane v3, v2;
	_ =	sdelay $0x1  }
0x4e: {  	v3 =	vadd.s32 v1, v3  }
0x4f: {  	[tilespmem:s8], [sflag:$0x1] =	stream.indirect_vreg.gather [hbm4b:s3+s2], $0x80, v4, vm0, $0xb8;
	[tilespmem:$0x19000] =	vst v63  }
0x50: {  	s6 =	rddreg [dreg:$0x4]  }
0x51: {  	[tilespmem:s6], [sflag:$0x1] =	stream.indirect_vreg.gather [hbm4b:s5+s2], $0x80, v4, vm1, $0xb8;
	[tilespmem:$0x19000] =	vst v63  }
0x52: {  	s7 =	rddreg [dreg:$0x5]  }
0x53: {  	[tilespmem:s7], [sflag:$0x1] =	stream.indirect_vreg.gather [hbm4b:s3+s2], $0x80, v3, vm0, $0xb8;
	[tilespmem:$0x19000] =	vst v63  }
0x54: {  	s6 =	rddreg [dreg:$0x6]  }
0x55: {  	[tilespmem:s6], [sflag:$0x1] =	stream.indirect_vreg.gather [hbm4b:s5+s2], $0x80, v3, vm1, $0xb8;
	[tilespmem:$0x19000] =	vst v63  }
0x56: {  	v3 =	vld [tilespmem:s0+$0xFFFFFF90];
	_ =	sdelay $0x4  }
0x57: {  	v49 =	vshrl.u32 v3, $0x3  }
0x58: {  	v4 =	vmul.u32 $0x18, v49  }
0x59: {  	v3 =	vand.u32 $0x7, v3  }
0x5a: {  	v3 =	vor.u32 v3, v4  }
0x5b: {  	v4 =	vperm.xlane v3, v0;
	_ =	sdelay $0x1  }
0x5c: {  	v4 =	vadd.s32 v1, v4;
	_ =	sdelay $0x1  }
0x5d: {  	v3 =	vperm.xlane v3, v2;
	_ =	sdelay $0x1  }
0x5e: {  	s6 =	rddreg [dreg:$0x7];
	v3 =	vadd.s32 v1, v3  }
0x5f: {  	[tilespmem:s6], [sflag:$0x1] =	stream.indirect_vreg.gather [hbm4b:s3+s2], $0x80, v4, vm0, $0xb8;
	[tilespmem:$0x19000] =	vst v63  }
0x60: {  	s7 =	rddreg [dreg:$0x8]  }
0x61: {  	[tilespmem:s7], [sflag:$0x1] =	stream.indirect_vreg.gather [hbm4b:s5+s2], $0x80, v4, vm1, $0xb8;
	[tilespmem:$0x19000] =	vst v63  }
0x62: {  	s6 =	rddreg [dreg:$0x9]  }
0x63: {  	[tilespmem:s6], [sflag:$0x1] =	stream.indirect_vreg.gather [hbm4b:s3+s2], $0x80, v3, vm0, $0xb8;
	[tilespmem:$0x19000] =	vst v63  }
0x64: {  	s7 =	rddreg [dreg:$0xa]  }
0x65: {  	[tilespmem:s7], [sflag:$0x1] =	stream.indirect_vreg.gather [hbm4b:s5+s2], $0x80, v3, vm1, $0xb8;
	[tilespmem:$0x19000] =	vst v63  }
0x66: {  	v3 =	vld [tilespmem:s0+$0xFFFFFFA0];
	_ =	sdelay $0x4  }
0x67: {  	v50 =	vshrl.u32 v3, $0x3  }
0x68: {  	v4 =	vmul.u32 $0x18, v50  }
0x69: {  	v3 =	vand.u32 $0x7, v3  }
0x6a: {  	v3 =	vor.u32 v3, v4  }
0x6b: {  	v4 =	vperm.xlane v3, v0;
	_ =	sdelay $0x1  }
0x6c: {  	v4 =	vadd.s32 v1, v4;
	_ =	sdelay $0x1  }
0x6d: {  	v3 =	vperm.xlane v3, v2;
	_ =	sdelay $0x1  }
0x6e: {  	s6 =	rddreg [dreg:$0xb];
	v3 =	vadd.s32 v1, v3  }
0x6f: {  	[tilespmem:s6], [sflag:$0x1] =	stream.indirect_vreg.gather [hbm4b:s3+s2], $0x80, v4, vm0, $0xb8;
	[tilespmem:$0x19000] =	vst v63  }
0x70: {  	s7 =	rddreg [dreg:$0xc]  }
0x71: {  	[tilespmem:s7], [sflag:$0x1] =	stream.indirect_vreg.gather [hbm4b:s5+s2], $0x80, v4, vm1, $0xb8;
	[tilespmem:$0x19000] =	vst v63  }
0x72: {  	s6 =	rddreg [dreg:$0xd]  }
0x73: {  	[tilespmem:s6], [sflag:$0x1] =	stream.indirect_vreg.gather [hbm4b:s3+s2], $0x80, v3, vm0, $0xb8;
	[tilespmem:$0x19000] =	vst v63  }
0x74: {  	s7 =	rddreg [dreg:$0xe]  }
0x75: {  	[tilespmem:s7], [sflag:$0x1] =	stream.indirect_vreg.gather [hbm4b:s5+s2], $0x80, v3, vm1, $0xb8;
	[tilespmem:$0x19000] =	vst v63  }
0x76: {  	v3 =	vld [tilespmem:s0+$0xFFFFFFB0];
	_ =	sdelay $0x4  }
0x77: {  	v51 =	vshrl.u32 v3, $0x3  }
0x78: {  	v4 =	vmul.u32 $0x18, v51  }
0x79: {  	v3 =	vand.u32 $0x7, v3  }
0x7a: {  	v3 =	vor.u32 v3, v4  }
0x7b: {  	v4 =	vperm.xlane v3, v0;
	_ =	sdelay $0x1  }
0x7c: {  	v4 =	vadd.s32 v1, v4;
	_ =	sdelay $0x1  }
0x7d: {  	v3 =	vperm.xlane v3, v2;
	_ =	sdelay $0x1  }
0x7e: {  	s6 =	rddreg [dreg:$0xf];
	v3 =	vadd.s32 v1, v3  }
0x7f: {  	[tilespmem:s6], [sflag:$0x1] =	stream.indirect_vreg.gather [hbm4b:s3+s2], $0x80, v4, vm0, $0xb8;
	[tilespmem:$0x19000] =	vst v63  }
0x80: {  	s7 =	rddreg [dreg:$0x10]  }
0x81: {  	[tilespmem:s7], [sflag:$0x1] =	stream.indirect_vreg.gather [hbm4b:s5+s2], $0x80, v4, vm1, $0xb8;
	[tilespmem:$0x19000] =	vst v63  }
0x82: {  	s6 =	rddreg [dreg:$0x11]  }
0x83: {  	[tilespmem:s6], [sflag:$0x1] =	stream.indirect_vreg.gather [hbm4b:s3+s2], $0x80, v3, vm0, $0xb8;
	[tilespmem:$0x19000] =	vst v63  }
0x84: {  	s7 =	rddreg [dreg:$0x12]  }
0x85: {  	[tilespmem:s7], [sflag:$0x1] =	stream.indirect_vreg.gather [hbm4b:s5+s2], $0x80, v3, vm1, $0xb8;
	[tilespmem:$0x19000] =	vst v63  }
0x86: {  	v3 =	vld [tilespmem:s0+$0xFFFFFFC0];
	_ =	sdelay $0x4  }
0x87: {  	v52 =	vshrl.u32 v3, $0x3  }
0x88: {  	v4 =	vmul.u32 $0x18, v52  }
0x89: {  	v3 =	vand.u32 $0x7, v3  }
0x8a: {  	v3 =	vor.u32 v3, v4  }
0x8b: {  	v4 =	vperm.xlane v3, v0;
	_ =	sdelay $0x1  }
0x8c: {  	v4 =	vadd.s32 v1, v4;
	_ =	sdelay $0x1  }
0x8d: {  	v3 =	vperm.xlane v3, v2;
	_ =	sdelay $0x1  }
0x8e: {  	s6 =	rddreg [dreg:$0x13];
	v3 =	vadd.s32 v1, v3  }
0x8f: {  	[tilespmem:s6], [sflag:$0x1] =	stream.indirect_vreg.gather [hbm4b:s3+s2], $0x80, v4, vm0, $0xb8;
	[tilespmem:$0x19000] =	vst v63  }
0x90: {  	s7 =	rddreg [dreg:$0x14]  }
0x91: {  	[tilespmem:s7], [sflag:$0x1] =	stream.indirect_vreg.gather [hbm4b:s5+s2], $0x80, v4, vm1, $0xb8;
	[tilespmem:$0x19000] =	vst v63  }
0x92: {  	s6 =	rddreg [dreg:$0x15]  }
0x93: {  	[tilespmem:s6], [sflag:$0x1] =	stream.indirect_vreg.gather [hbm4b:s3+s2], $0x80, v3, vm0, $0xb8;
	[tilespmem:$0x19000] =	vst v63  }
0x94: {  	s7 =	rddreg [dreg:$0x16]  }
0x95: {  	[tilespmem:s7], [sflag:$0x1] =	stream.indirect_vreg.gather [hbm4b:s5+s2], $0x80, v3, vm1, $0xb8;
	[tilespmem:$0x19000] =	vst v63  }
0x96: {  	v3 =	vld [tilespmem:s0+$0xFFFFFFD0];
	_ =	sdelay $0x4  }
0x97: {  	v53 =	vshrl.u32 v3, $0x3  }
0x98: {  	v4 =	vmul.u32 $0x18, v53  }
0x99: {  	v3 =	vand.u32 $0x7, v3  }
0x9a: {  	v3 =	vor.u32 v3, v4  }
0x9b: {  	v4 =	vperm.xlane v3, v0;
	_ =	sdelay $0x1  }
0x9c: {  	v4 =	vadd.s32 v1, v4;
	_ =	sdelay $0x1  }
0x9d: {  	v3 =	vperm.xlane v3, v2;
	_ =	sdelay $0x1  }
0x9e: {  	s6 =	rddreg [dreg:$0x17];
	v3 =	vadd.s32 v1, v3  }
0x9f: {  	[tilespmem:s6], [sflag:$0x1] =	stream.indirect_vreg.gather [hbm4b:s3+s2], $0x80, v4, vm0, $0xb8;
	[tilespmem:$0x19000] =	vst v63  }
0xa0: {  	s7 =	rddreg [dreg:$0x18]  }
0xa1: {  	[tilespmem:s7], [sflag:$0x1] =	stream.indirect_vreg.gather [hbm4b:s5+s2], $0x80, v4, vm1, $0xb8;
	[tilespmem:$0x19000] =	vst v63  }
0xa2: {  	s6 =	rddreg [dreg:$0x19]  }
0xa3: {  	[tilespmem:s6], [sflag:$0x1] =	stream.indirect_vreg.gather [hbm4b:s3+s2], $0x80, v3, vm0, $0xb8;
	[tilespmem:$0x19000] =	vst v63  }
0xa4: {  	s7 =	rddreg [dreg:$0x1a]  }
0xa5: {  	[tilespmem:s7], [sflag:$0x1] =	stream.indirect_vreg.gather [hbm4b:s5+s2], $0x80, v3, vm1, $0xb8;
	[tilespmem:$0x19000] =	vst v63  }
0xa6: {  	v3 =	vld [tilespmem:s0+$0xFFFFFFE0];
	_ =	sdelay $0x4  }
0xa7: {  	v54 =	vshrl.u32 v3, $0x3  }
0xa8: {  	v4 =	vmul.u32 $0x18, v54  }
0xa9: {  	v3 =	vand.u32 $0x7, v3  }
0xaa: {  	v3 =	vor.u32 v3, v4  }
0xab: {  	v4 =	vperm.xlane v3, v0;
	_ =	sdelay $0x1  }
0xac: {  	v4 =	vadd.s32 v1, v4;
	_ =	sdelay $0x1  }
0xad: {  	v3 =	vperm.xlane v3, v2;
	_ =	sdelay $0x1  }
0xae: {  	s6 =	rddreg [dreg:$0x1b];
	v3 =	vadd.s32 v1, v3  }
0xaf: {  	[tilespmem:s6], [sflag:$0x1] =	stream.indirect_vreg.gather [hbm4b:s3+s2], $0x80, v4, vm0, $0xb8;
	[tilespmem:$0x19000] =	vst v63  }
0xb0: {  	s7 =	rddreg [dreg:$0x1c]  }
0xb1: {  	[tilespmem:s7], [sflag:$0x1] =	stream.indirect_vreg.gather [hbm4b:s5+s2], $0x80, v4, vm1, $0xb8;
	[tilespmem:$0x19000] =	vst v63  }
0xb2: {  	s6 =	rddreg [dreg:$0x1d]  }
0xb3: {  	[tilespmem:s6], [sflag:$0x1] =	stream.indirect_vreg.gather [hbm4b:s3+s2], $0x80, v3, vm0, $0xb8;
	[tilespmem:$0x19000] =	vst v63  }
0xb4: {  	s7 =	rddreg [dreg:$0x1e]  }
0xb5: {  	[tilespmem:s7], [sflag:$0x1] =	stream.indirect_vreg.gather [hbm4b:s5+s2], $0x80, v3, vm1, $0xb8;
	[tilespmem:$0x19000] =	vst v63  }
0xb6: {  	v3 =	vld [tilespmem:s0+$0xFFFFFFF0];
	_ =	sdelay $0x4  }
0xb7: {  	v55 =	vshrl.u32 v3, $0x3  }
0xb8: {  	v4 =	vmul.u32 $0x18, v55  }
0xb9: {  	v3 =	vand.u32 $0x7, v3  }
0xba: {  	v3 =	vor.u32 v3, v4  }
0xbb: {  	v4 =	vperm.xlane v3, v0;
	_ =	sdelay $0x1  }
0xbc: {  	v4 =	vadd.s32 v1, v4;
	_ =	sdelay $0x1  }
0xbd: {  	v3 =	vperm.xlane v3, v2  }
0xbe: {  	s6 =	rddreg [dreg:$0x1f]  }
0xbf: {  	s7 =	sld [smem:$0x7EB];
	v3 =	vadd.s32 v1, v3  }
0xc0: {  	[tilespmem:s6], [sflag:$0x1] =	stream.indirect_vreg.gather [hbm4b:s3+s2], $0x80, v4, vm0, $0xb8;
	[tilespmem:$0x19000] =	vst v63  }
0xc1: {  	s6 =	sld [smem:$0x7EC]  }
0xc2: {  	[tilespmem:s7], [sflag:$0x1] =	stream.indirect_vreg.gather [hbm4b:s5+s2], $0x80, v4, vm1, $0xb8;
	[tilespmem:$0x19000] =	vst v63  }
0xc3: {  	s7 =	sld [smem:$0x7ED]  }
0xc4: {  	[tilespmem:s6], [sflag:$0x1] =	stream.indirect_vreg.gather [hbm4b:s3+s2], $0x80, v3, vm0, $0xb8;
	[tilespmem:$0x19000] =	vst v63  }
0xc5: {  	s6 =	simm.s32 @!p0 $0x4  }
0xc6: {  	[tilespmem:s7], [sflag:$0x1] =	stream.indirect_vreg.gather [hbm4b:s5+s2], $0x80, v3, vm1, $0xb8;
	[tilespmem:$0x19000] =	vst v63  }
0xc7: {  	_ =	swait.ge @!p0 [sflag:s6], $0xC000  }
0xc8: {  	[sflag:s6] =	ssyncset.done @!p0 $0x0  }
0xc9: {  	[sflag:s6] =	ssyncadd.s32 @!p0 $0xFFFF4000  }
0xca: {  	v3 =	vld [tilespmem:s0+$0x0];
	_ =	sdelay $0x4  }
0xcb: {  	v56 =	vshrl.u32 v3, $0x3  }
0xcc: {  	v4 =	vmul.u32 $0x18, v56  }
0xcd: {  	v3 =	vand.u32 $0x7, v3  }
0xce: {  	v3 =	vor.u32 v3, v4  }
0xcf: {  	v4 =	vperm.xlane v3, v0;
	_ =	sdelay $0x1  }
0xd0: {  	v4 =	vadd.s32 v1, v4;
	_ =	sdelay $0x1  }
0xd1: {  	v3 =	vperm.xlane v3, v2;
	_ =	sdelay $0x1  }
0xd2: {  	s6 =	sld [smem:$0x7EE];
	v3 =	vadd.s32 v1, v3  }
0xd3: {  	[tilespmem:s9], [sflag:$0x2] =	stream.indirect_vreg.gather [hbm4b:s3+s2], $0x80, v4, vm0, $0xb8;
	[tilespmem:$0x19000] =	vst v63  }
0xd4: {  	s7 =	sld [smem:$0x7EF]  }
0xd5: {  	[tilespmem:s6], [sflag:$0x2] =	stream.indirect_vreg.gather [hbm4b:s5+s2], $0x80, v4, vm1, $0xb8;
	[tilespmem:$0x19000] =	vst v63  }
0xd6: {  	s6 =	sld [smem:$0x7F0]  }
0xd7: {  	[tilespmem:s7], [sflag:$0x2] =	stream.indirect_vreg.gather [hbm4b:s3+s2], $0x80, v3, vm0, $0xb8;
	[tilespmem:$0x19000] =	vst v63  }
0xd8: {  	_ = 	snop  }
0xd9: {  	[tilespmem:s6], [sflag:$0x2] =	stream.indirect_vreg.gather [hbm4b:s5+s2], $0x80, v3, vm1, $0xb8;
	[tilespmem:$0x19000] =	vst v63  }
0xda: {  	v3 =	vld [tilespmem:s0+$0x10];
	_ =	sdelay $0x4  }
0xdb: {  	v57 =	vshrl.u32 v3, $0x3  }
0xdc: {  	v4 =	vmul.u32 $0x18, v57  }
0xdd: {  	v3 =	vand.u32 $0x7, v3  }
0xde: {  	v3 =	vor.u32 v3, v4  }
0xdf: {  	v4 =	vperm.xlane v3, v0;
	_ =	sdelay $0x1  }
0xe0: {  	v4 =	vadd.s32 v1, v4;
	_ =	sdelay $0x1  }
0xe1: {  	s6 =	sld [smem:$0x7F1];
	v3 =	vperm.xlane v3, v2;
	_ =	sdelay $0x1  }
0xe2: {  	s7 =	sld [smem:$0x7F2];
	v3 =	vadd.s32 v1, v3  }
0xe3: {  	[tilespmem:s6], [sflag:$0x2] =	stream.indirect_vreg.gather [hbm4b:s3+s2], $0x80, v4, vm0, $0xb8;
	[tilespmem:$0x19000] =	vst v63  }
0xe4: {  	s6 =	sld [smem:$0x7F3]  }
0xe5: {  	[tilespmem:s7], [sflag:$0x2] =	stream.indirect_vreg.gather [hbm4b:s5+s2], $0x80, v4, vm1, $0xb8;
	[tilespmem:$0x19000] =	vst v63  }
0xe6: {  	s7 =	sld [smem:$0x7F4]  }
0xe7: {  	[tilespmem:s6], [sflag:$0x2] =	stream.indirect_vreg.gather [hbm4b:s3+s2], $0x80, v3, vm0, $0xb8;
	[tilespmem:$0x19000] =	vst v63  }
0xe8: {  	_ = 	snop  }
0xe9: {  	[tilespmem:s7], [sflag:$0x2] =	stream.indirect_vreg.gather [hbm4b:s5+s2], $0x80, v3, vm1, $0xb8;
	[tilespmem:$0x19000] =	vst v63  }
0xea: {  	v3 =	vld [tilespmem:s0+$0x20];
	_ =	sdelay $0x4  }
0xeb: {  	v58 =	vshrl.u32 v3, $0x3  }
0xec: {  	v4 =	vmul.u32 $0x18, v58  }
0xed: {  	v3 =	vand.u32 $0x7, v3  }
0xee: {  	v3 =	vor.u32 v3, v4  }
0xef: {  	v4 =	vperm.xlane v3, v0;
	_ =	sdelay $0x1  }
0xf0: {  	v4 =	vadd.s32 v1, v4;
	_ =	sdelay $0x1  }
0xf1: {  	s6 =	sld [smem:$0x7F5];
	v3 =	vperm.xlane v3, v2;
	_ =	sdelay $0x1  }
0xf2: {  	s7 =	sld [smem:$0x7F7];
	v3 =	vadd.s32 v1, v3  }
0xf3: {  	[tilespmem:s6], [sflag:$0x2] =	stream.indirect_vreg.gather [hbm4b:s3+s2], $0x80, v4, vm0, $0xb8;
	[tilespmem:$0x19000] =	vst v63  }
0xf4: {  	s6 =	sld [smem:$0x7F8]  }
0xf5: {  	[tilespmem:s7], [sflag:$0x2] =	stream.indirect_vreg.gather [hbm4b:s5+s2], $0x80, v4, vm1, $0xb8;
	[tilespmem:$0x19000] =	vst v63  }
0xf6: {  	s7 =	sld [smem:$0x7FA]  }
0xf7: {  	[tilespmem:s6], [sflag:$0x2] =	stream.indirect_vreg.gather [hbm4b:s3+s2], $0x80, v3, vm0, $0xb8;
	[tilespmem:$0x19000] =	vst v63  }
0xf8: {  	_ = 	snop  }
0xf9: {  	[tilespmem:s7], [sflag:$0x2] =	stream.indirect_vreg.gather [hbm4b:s5+s2], $0x80, v3, vm1, $0xb8;
	[tilespmem:$0x19000] =	vst v63  }
0xfa: {  	v3 =	vld [tilespmem:s0+$0x30];
	_ =	sdelay $0x4  }
0xfb: {  	v59 =	vshrl.u32 v3, $0x3  }
0xfc: {  	v4 =	vmul.u32 $0x18, v59  }
0xfd: {  	v3 =	vand.u32 $0x7, v3  }
0xfe: {  	v3 =	vor.u32 v3, v4  }
0xff: {  	v4 =	vperm.xlane v3, v0;
	_ =	sdelay $0x1  }
0x100: {  	v4 =	vadd.s32 v1, v4;
	_ =	sdelay $0x1  }
0x101: {  	s6 =	sld [smem:$0x7FB];
	v3 =	vperm.xlane v3, v2;
	_ =	sdelay $0x1  }
0x102: {  	s7 =	sld [smem:$0x7FC];
	v3 =	vadd.s32 v1, v3  }
0x103: {  	[tilespmem:s6], [sflag:$0x2] =	stream.indirect_vreg.gather [hbm4b:s3+s2], $0x80, v4, vm0, $0xb8;
	[tilespmem:$0x19000] =	vst v63  }
0x104: {  	s6 =	sld [smem:$0x7FD]  }
0x105: {  	[tilespmem:s7], [sflag:$0x2] =	stream.indirect_vreg.gather [hbm4b:s5+s2], $0x80, v4, vm1, $0xb8;
	[tilespmem:$0x19000] =	vst v63  }
0x106: {  	_ = 	snop  }
0x107: {  	[tilespmem:s6], [sflag:$0x2] =	stream.indirect_vreg.gather [hbm4b:s3+s2], $0x80, v3, vm0, $0xb8;
	[tilespmem:$0x19000] =	vst v63  }
0x108: {  	_ = 	snop  }
0x109: {  	[tilespmem:s10], [sflag:$0x2] =	stream.indirect_vreg.gather [hbm4b:s5+s2], $0x80, v3, vm1, $0xb8;
	[tilespmem:$0x19000] =	vst v63  }
0x10a: {  	v3 =	vld [tilespmem:s0+$0x40];
	_ =	sdelay $0x4  }
0x10b: {  	v60 =	vshrl.u32 v3, $0x3  }
0x10c: {  	v4 =	vmul.u32 $0x18, v60  }
0x10d: {  	v3 =	vand.u32 $0x7, v3  }
0x10e: {  	v3 =	vor.u32 v3, v4  }
0x10f: {  	v4 =	vperm.xlane v3, v0;
	_ =	sdelay $0x1  }
0x110: {  	v4 =	vadd.s32 v1, v4;
	_ =	sdelay $0x1  }
0x111: {  	v3 =	vperm.xlane v3, v2;
	_ =	sdelay $0x1  }
0x112: {  	v3 =	vadd.s32 v1, v3  }
0x113: {  	[tilespmem:s11], [sflag:$0x2] =	stream.indirect_vreg.gather [hbm4b:s3+s2], $0x80, v4, vm0, $0xb8;
	[tilespmem:$0x19000] =	vst v63  }
0x114: {  	_ = 	snop  }
0x115: {  	[tilespmem:s12], [sflag:$0x2] =	stream.indirect_vreg.gather [hbm4b:s5+s2], $0x80, v4, vm1, $0xb8;
	[tilespmem:$0x19000] =	vst v63  }
0x116: {  	_ = 	snop  }
0x117: {  	[tilespmem:s13], [sflag:$0x2] =	stream.indirect_vreg.gather [hbm4b:s3+s2], $0x80, v3, vm0, $0xb8;
	[tilespmem:$0x19000] =	vst v63  }
0x118: {  	_ = 	snop  }
0x119: {  	[tilespmem:s14], [sflag:$0x2] =	stream.indirect_vreg.gather [hbm4b:s5+s2], $0x80, v3, vm1, $0xb8;
	[tilespmem:$0x19000] =	vst v63  }
0x11a: {  	v3 =	vld [tilespmem:s0+$0x50];
	_ =	sdelay $0x4  }
0x11b: {  	v61 =	vshrl.u32 v3, $0x3  }
0x11c: {  	v4 =	vmul.u32 $0x18, v61  }
0x11d: {  	v3 =	vand.u32 $0x7, v3  }
0x11e: {  	v3 =	vor.u32 v3, v4  }
0x11f: {  	v4 =	vperm.xlane v3, v0;
	_ =	sdelay $0x1  }
0x120: {  	v4 =	vadd.s32 v1, v4;
	_ =	sdelay $0x1  }
0x121: {  	v3 =	vperm.xlane v3, v2;
	_ =	sdelay $0x1  }
0x122: {  	v3 =	vadd.s32 v1, v3  }
0x123: {  	[tilespmem:s15], [sflag:$0x2] =	stream.indirect_vreg.gather [hbm4b:s3+s2], $0x80, v4, vm0, $0xb8;
	[tilespmem:$0x19000] =	vst v63  }
0x124: {  	_ = 	snop  }
0x125: {  	[tilespmem:s16], [sflag:$0x2] =	stream.indirect_vreg.gather [hbm4b:s5+s2], $0x80, v4, vm1, $0xb8;
	[tilespmem:$0x19000] =	vst v63  }
0x126: {  	_ = 	snop  }
0x127: {  	[tilespmem:s17], [sflag:$0x2] =	stream.indirect_vreg.gather [hbm4b:s3+s2], $0x80, v3, vm0, $0xb8;
	[tilespmem:$0x19000] =	vst v63  }
0x128: {  	_ = 	snop  }
0x129: {  	[tilespmem:s18], [sflag:$0x2] =	stream.indirect_vreg.gather [hbm4b:s5+s2], $0x80, v3, vm1, $0xb8;
	[tilespmem:$0x19000] =	vst v63  }
0x12a: {  	v3 =	vld [tilespmem:s0+$0x60];
	_ =	sdelay $0x4  }
0x12b: {  	v62 =	vshrl.u32 v3, $0x3  }
0x12c: {  	v4 =	vmul.u32 $0x18, v62  }
0x12d: {  	v3 =	vand.u32 $0x7, v3  }
0x12e: {  	v3 =	vor.u32 v3, v4  }
0x12f: {  	v4 =	vperm.xlane v3, v0;
	_ =	sdelay $0x1  }
0x130: {  	v4 =	vadd.s32 v1, v4;
	_ =	sdelay $0x1  }
0x131: {  	v3 =	vperm.xlane v3, v2;
	_ =	sdelay $0x1  }
0x132: {  	v3 =	vadd.s32 v1, v3  }
0x133: {  	[tilespmem:s19], [sflag:$0x2] =	stream.indirect_vreg.gather [hbm4b:s3+s2], $0x80, v4, vm0, $0xb8;
	[tilespmem:$0x19000] =	vst v63  }
0x134: {  	_ = 	snop  }
0x135: {  	[tilespmem:s20], [sflag:$0x2] =	stream.indirect_vreg.gather [hbm4b:s5+s2], $0x80, v4, vm1, $0xb8;
	[tilespmem:$0x19000] =	vst v63  }
0x136: {  	_ = 	snop  }
0x137: {  	[tilespmem:s21], [sflag:$0x2] =	stream.indirect_vreg.gather [hbm4b:s3+s2], $0x80, v3, vm0, $0xb8;
	[tilespmem:$0x19000] =	vst v63  }
0x138: {  	_ = 	snop  }
0x139: {  	[tilespmem:s22], [sflag:$0x2] =	stream.indirect_vreg.gather [hbm4b:s5+s2], $0x80, v3, vm1, $0xb8;
	[tilespmem:$0x19000] =	vst v63  }
0x13a: {  	v3 =	vld [tilespmem:s0+$0x70];
	_ =	sdelay $0x4  }
0x13b: {  	v63 =	vshrl.u32 v3, $0x3  }
0x13c: {  	v4 =	vmul.u32 $0x18, v63  }
0x13d: {  	v3 =	vand.u32 $0x7, v3  }
0x13e: {  	v3 =	vor.u32 v3, v4  }
0x13f: {  	v4 =	vperm.xlane v3, v0;
	_ =	sdelay $0x1  }
0x140: {  	v4 =	vadd.s32 v1, v4;
	_ =	sdelay $0x1  }
0x141: {  	v3 =	vperm.xlane v3, v2;
	_ =	sdelay $0x1  }
0x142: {  	v3 =	vadd.s32 v1, v3  }
0x143: {  	[tilespmem:s23], [sflag:$0x2] =	stream.indirect_vreg.gather [hbm4b:s3+s2], $0x80, v4, vm0, $0xb8;
	[tilespmem:$0x19000] =	vst v63  }
0x144: {  	_ = 	snop  }
0x145: {  	[tilespmem:s24], [sflag:$0x2] =	stream.indirect_vreg.gather [hbm4b:s5+s2], $0x80, v4, vm1, $0xb8;
	[tilespmem:$0x19000] =	vst v63  }
0x146: {  	_ = 	snop  }
0x147: {  	[tilespmem:s25], [sflag:$0x2] =	stream.indirect_vreg.gather [hbm4b:s3+s2], $0x80, v3, vm0, $0xb8;
	[tilespmem:$0x19000] =	vst v63  }
0x148: {  	_ = 	snop  }
0x149: {  	[tilespmem:s26], [sflag:$0x2] =	stream.indirect_vreg.gather [hbm4b:s5+s2], $0x80, v3, vm1, $0xb8;
	[tilespmem:$0x19000] =	vst v63  }
0x14a: {  	_ =	swait.ge [sflag:s28], $0xC000  }
0x14b: {  	s7 =	rddreg [dreg:$0x3];
	[sflag:s28] =	ssyncset.done $0x0  }
0x14c: {  	[sflag:s28] =	ssyncadd.s32 $0xFFFF4000;
	s6 =	sadd.s32 s4, s7  }
0x14d: {  	[hbm4b:s6+s2] =	stream.linear.scatter [tilespmem:s8], [sflag:$0x3], $0xC000, $0x38;
	[tilespmem:$0x19000] =	vst v63  }
0x14e: {  	_ =	swait.ge [sflag:s29], $0xC000  }
0x14f: {  	s7 =	rddreg [dreg:$0x2]  }
0x150: {  	s6 =	sadd.s32 s4, s7;
	s4 =	sadd.s32 $0x3000, s4  }
0x151: {  	p0 =	sne.s32 s4, $0x30000  }
.Ltmp0:
0x152: {  	_ = 	snop;
	(pc) =	sbr.rel @p0 .LBB2_2-.Ltmp0, $4  }
0x153: {  	_ = 	snop  }
0x154: {  	[sflag:s29] =	ssyncset.done $0x0  }
0x155: {  	s0 =	sadd.s32 $0x100, s0;
	[sflag:s29] =	ssyncadd.s32 $0xFFFF4000  }
0x156: {  	[hbm4b:s6+s2] =	stream.linear.scatter [tilespmem:s9], [sflag:$0x4], $0xC000, $0x38;
	[tilespmem:$0x19000] =	vst v63  }
0x157: {  	_ =	swait.ge [sflag:s30], $0xC000  }
0x158: {  	[sflag:s30] =	ssyncset.done $0x0  }
0x159: {  	[sflag:s30] =	ssyncadd.s32 $0xFFFF4000  }
0x15a: {  	_ =	swait.ge [sflag:s31], $0xC000  }
0x15b: {  	s0 =	sld [smem:$0x7F9];
	_ =	sdelay $0x1  }
0x15c: {  	s1 =	sadd.s32 $0x1, s1  }
0x15d: {  	p0 =	sne.s32 s1, s0  }
.Ltmp1:
0x15e: {  	_ = 	snop;
	(pc) =	sbr.rel @p0 .LBB2_1-.Ltmp1, $3  }
0x15f: {  	_ =	sdelay $0x1  }
0x160: {  	[sflag:s31] =	ssyncset.done $0x0  }
0x161: {  	[sflag:s31] =	ssyncadd.s32 $0xFFFF4000  }
0x162: {  	_ =	sfence.sel $0x180000  }
0x163: {  	[bflag:$0x0] =	sbarrier.arrive $0xFFFF  }
0x164: {  	_ =	strace $0x9000004A  }
0x165: {  	s0 =	stileid.u32;
	[bflag:$0x2] =	sbarrier.arrive $0xFFFF  }
0x166: {  	p0 =	sne.s32 s0, $0x0;
	s0 =	rddreg [dreg:$0x1]  }
0x167: {  	s0 =	sadd.s32 @!p0 $0x100000, s0  }
0x168: {  	[sflag:s0] =	ssyncadd.tile.s32 @!p0 $0x1;
	_ =	shalt  }
.Lfunc_end2:
_tile_overlayer_lowered:
.L_overlay_start_2:
0x169: {  	(tag) =	ssettag $0x2  }
0x16a: {  	s0 =	rddreg [dreg:$0x0];
	s2 =	stileid.u32  }
0x16b: {  	s1 =	rddreg [dreg:$0x1];
	p0 =	sne.s32 s2, $0x0  }
0x16c: {  	s3 =	rddreg [dreg:$0x2];
	[bflag:$0x3] =	sbarrier.arrive $0xFFFF;
	s2 =	simm.s32 @!p0 $0x1C05  }
0x16d: {  	[timem:s3], [sflag:s2] =	dma.local @!p0 [hbm:s0], s1  }
0x16e: {  	s0 =	simm.s32 @!p0 $0x5  }
0x16f: {  	_ =	swait.ge @!p0 [sflag:s0], s1  }
0x170: {  	s1 =	ssub.s32 @!p0 $0x0, s1;
	[sflag:s0] =	ssyncset.done @!p0 $0x0  }
0x171: {  	[sflag:s0] =	ssyncadd.s32 @!p0 s1  }
0x172: {  	[bflag:$0x3] =	sbarrier.arrive $0xFFFF  }
0x173: {  	_ =	shalt  }

// kernel: kernel.16.cloned.1.call-start
scs
__scs_entry_jumppad:
0x0: {  	(pc) =	sbr.rel $0x88, $3  }
0x1: {  	(tag) =	ssettag $0x0;
	lr =	simm.s32 $0x1  }
0x2: {  	[smem:$0x3F92] =	sst lr;
	_ =	strace $0xD0000000  }
0x3: {  	_ = 	snop  }
0x4: {  	_ = 	snop  }
0x5: {  	_ = 	snop  }
0x6: {  	_ = 	snop  }
0x7: {  	_ = 	snop  }
__scs_overlays_trampoline_lowered:
0x8: {  	[smem:$0x3FA1] =	sst s0  }
0x9: {  	[smem:$0x3FA2] =	sst s1  }
0xa: {  	[smem:$0x3FA3] =	sst s2  }
0xb: {  	[smem:$0x3FA4] =	sst s3  }
0xc: {  	[smem:$0x3FA5] =	sst s4  }
0xd: {  	[smem:$0x3FA6] =	sst s5  }
0xe: {  	[smem:$0x3FA7] =	sst s6  }
0xf: {  	[smem:$0x3FA8] =	sst s7  }
0x10: {  	[smem:$0x3FA9] =	sst s8  }
0x11: {  	[smem:$0x3FAA] =	sst s9;
	s0 =	simm.s32 @!p0 $0x0  }
0x12: {  	s1 =	sld [smem:$0x3F90];
	s0 =	simm.s32 @p0 $0x1  }
0x13: {  	[smem:$0x3FAB] =	sst s0;
	s0 =	simm.s32 @!p1 $0x0  }
0x14: {  	s2 =	sld [smem:$0x3F8F];
	s0 =	simm.s32 @p1 $0x1  }
0x15: {  	[smem:$0x3FAC] =	sst s0;
	s0 =	simm.s32 @!p2 $0x0  }
0x16: {  	s3 =	sld [smem:$0x3FDB];
	s0 =	simm.s32 @p2 $0x1  }
0x17: {  	s4 =	simm.s32 $0x1BF5;
	[smem:$0x3FAE] =	sst s0  }
0x18: {  	s0 =	sld [smem:$0x3F91];
	_ =	swait.ge [sflag:s4], $0x0  }
0x19: {  	s7 =	sld [smem:$0x3F92]  }
0x1a: {  	s8 =	sadd.s32 $0xFFFFE003, lr  }
0x1b: {  	s9 =	sadd.s32 $0xFFFFFEF7, lr;
	s5 =	simm.s32 $0xFFFFFFFF;
	p2 =	slt.u32 s8, $0xFFFFF086  }
0x1c: {  	p1 =	slt.u32 s9, $0xF7A;
	s5 =	simm.s32 @!p2 $0x0  }
0x1d: {  	s5 =	simm.s32 @p1 $0x1;
	p0 =	seq.s32 s7, s2  }
0x1e: {  	s7 =	smul.u32 @!p0 $0xF7A, s2;
	p2 =	seq.s32 @!p0 s5, $0x0  }
0x1f: {  	s9 =	smul.u32 $0xF7A, s1;
	s8 =	simm.s32 @!p0 $0x1BF5;
	p2 =	por !p2, p0  }
0x20: {  	[sflag:s8] =	ssyncset.s32 @!p0 $0xFFFFF086;
	s6 =	sadd.s32 @!p0 s3, s7;
	s7 =	simm.s32 @!p0 $0x108  }
0x21: {  	s3 =	sadd.s32 s3, s9;
	s6 =	sadd.s32 @!p0 $0x88, s6;
	s7 =	simm.s32 @p2 $0x1082  }
0x22: {  	[simem:s7], [sflag:s8] =	dma.local @!p0 [hbm:s6], $0xF7A  }
0x23: {  	s9 =	sor.u32 $0xD0000000, s2;
	s6 =	simm.s32 $0x108;
	_ =	swait.ge @!p0 [sflag:s8], $0x0  }
0x24: {  	s3 =	sadd.s32 $0x88, s3;
	s6 =	simm.s32 @!p1 $0x1082;
	[sflag:s4] =	ssyncset.s32 $0xFFFFF086  }
0x25: {  	[simem:s6], [sflag:s4] =	dma.local [hbm:s3], $0xF7A  }
0x26: {  	[smem:$0x3F92] =	sst s1;
	(tag) =	ssettag s2;
	_ =	strace s9  }
0x27: {  	s1 =	sld [smem:$0x3FA2]  }
0x28: {  	s2 =	sld [smem:$0x3FA3]  }
0x29: {  	s4 =	sld [smem:$0x3FA5]  }
0x2a: {  	p0 =	seq.s32 s5, $0x0;
	s5 =	sld [smem:$0x3FA6]  }
0x2b: {  	s6 =	sld [smem:$0x3FA7]  }
0x2c: {  	s7 =	sld [smem:$0x3FA8]  }
0x2d: {  	s3 =	simm.s32 $0x108;
	s8 =	sld [smem:$0x3FA9]  }
0x2e: {  	s3 =	simm.s32 @!p0 $0x1082;
	s9 =	sld [smem:$0x3FAA]  }
0x2f: {  	lr =	sadd.s32 s0, s3;
	s0 =	sld [smem:$0x3FA1]  }
0x30: {  	s3 =	sld [smem:$0x3FA4]  }
0x31: {  	[smem:$0x3FAD] =	sst s10  }
0x32: {  	s10 =	sld [smem:$0x3FAB];
	_ =	sdelay $0x3  }
0x33: {  	p0 =	seq.s32 s10, $0x1;
	s10 =	sld [smem:$0x3FAD];
	_ =	sdelay $0x3  }
0x34: {  	[smem:$0x3FAD] =	sst s10  }
0x35: {  	s10 =	sld [smem:$0x3FAC];
	_ =	sdelay $0x3  }
0x36: {  	p1 =	seq.s32 s10, $0x1;
	s10 =	sld [smem:$0x3FAD];
	_ =	sdelay $0x3  }
0x37: {  	[smem:$0x3FAD] =	sst s10  }
0x38: {  	s10 =	sld [smem:$0x3FAE]  }
0x39: {  	_ = 	snop;
	(pc) =	sbr.ind lr, $3  }
0x3a: {  	_ = 	snop  }
0x3b: {  	_ = 	snop  }
0x3c: {  	p2 =	seq.s32 s10, $0x1;
	s10 =	sld [smem:$0x3FAD]  }
0x3d: {  	_ =	shalt  }
0x3e: {  	_ =	shalt  }
0x3f: {  	_ =	shalt  }
0x40: {  	_ =	shalt  }
0x41: {  	_ =	shalt  }
0x42: {  	_ =	shalt  }
0x43: {  	_ =	shalt  }
0x44: {  	_ =	shalt  }
0x45: {  	_ =	shalt  }
0x46: {  	_ =	shalt  }
0x47: {  	_ =	shalt  }
0x48: {  	_ =	shalt  }
0x49: {  	_ =	shalt  }
0x4a: {  	_ =	shalt  }
0x4b: {  	_ =	shalt  }
0x4c: {  	_ =	shalt  }
0x4d: {  	_ =	shalt  }
0x4e: {  	_ =	shalt  }
0x4f: {  	_ =	shalt  }
0x50: {  	_ =	shalt  }
0x51: {  	_ =	shalt  }
0x52: {  	_ =	shalt  }
0x53: {  	_ =	shalt  }
0x54: {  	_ =	shalt  }
0x55: {  	_ =	shalt  }
0x56: {  	_ =	shalt  }
0x57: {  	_ =	shalt  }
0x58: {  	_ =	shalt  }
0x59: {  	_ =	shalt  }
0x5a: {  	_ =	shalt  }
0x5b: {  	_ =	shalt  }
0x5c: {  	_ =	shalt  }
0x5d: {  	_ =	shalt  }
0x5e: {  	_ =	shalt  }
0x5f: {  	_ =	shalt  }
0x60: {  	_ =	shalt  }
0x61: {  	_ =	shalt  }
0x62: {  	_ =	shalt  }
0x63: {  	_ =	shalt  }
0x64: {  	_ =	shalt  }
0x65: {  	_ =	shalt  }
0x66: {  	_ =	shalt  }
0x67: {  	_ =	shalt  }
0x68: {  	_ =	shalt  }
0x69: {  	_ =	shalt  }
0x6a: {  	_ =	shalt  }
0x6b: {  	_ =	shalt  }
0x6c: {  	_ =	shalt  }
0x6d: {  	_ =	shalt  }
0x6e: {  	_ =	shalt  }
0x6f: {  	_ =	shalt  }
0x70: {  	_ =	shalt  }
0x71: {  	_ =	shalt  }
0x72: {  	_ =	shalt  }
0x73: {  	_ =	shalt  }
0x74: {  	_ =	shalt  }
0x75: {  	_ =	shalt  }
0x76: {  	_ =	shalt  }
0x77: {  	_ =	shalt  }
0x78: {  	_ =	shalt  }
0x79: {  	_ =	shalt  }
0x7a: {  	_ =	shalt  }
0x7b: {  	_ =	shalt  }
0x7c: {  	_ =	shalt  }
0x7d: {  	_ =	shalt  }
0x7e: {  	_ =	shalt  }
0x7f: {  	_ =	shalt  }
0x80: {  	_ =	shalt  }
0x81: {  	_ =	shalt  }
0x82: {  	_ =	shalt  }
0x83: {  	_ =	shalt  }
0x84: {  	_ =	shalt  }
0x85: {  	_ =	shalt  }
0x86: {  	_ =	shalt  }
0x87: {  	_ =	shalt  }
.Lfunc_end0:
.L_simem_size_0:
called_computation.2_lowered:
.L_overlay_start_0:
0x88: {  	s2 =	sld [smem:$0x3FD9]  }
0x89: {  	s3 =	sld [smem:$0x3FFE];
	_ =	sdelay $0x1  }
0x8a: {  	s1 =	srdreg.scid  }
0x8b: {  	s0 =	sand.u32 $0x1, s1  }
0x8c: {  	s17 =	sshll.u32 s0, $0xA;
	s2 =	sadd.s32 s3, s2  }
0x8d: {  	s2 =	sadd.s32 s2, s17  }
0x8e: {  	[smem:$0x3FB9] =	sst s2  }
0x8f: {  	_ = 	snop  }
0x90: {  	s18 =	sld [smem:$0x3FD0];
	(tm) =	ssettm $0x1  }
0x91: {  	s19 =	sld [smem:$0x3FFB];
	_ =	sdelay $0x3  }
0x92: {  	_ =	strace s19  }
0x93: {  	s2 =	sld [smem:$0x3FFC];
	_ =	sdelay $0x3  }
0x94: {  	_ =	strace s2  }
0x95: {  	s2 =	sld [smem:$0x3FFD];
	_ =	sdelay $0x3  }
0x96: {  	_ =	strace s2  }
0x97: {  	_ =	strace $0x8FFFFFFF  }
0x98: {  	s20 =	sld [smem:$0x3FDB];
	_ =	sdelay $0x1  }
0x99: {  	s4 =	simm.s32 $_scs_section_size  }
0x9a: {  	s5 =	simm.s32 $_size__tile_overlayer_lowered;
	s6 =	simm.s32 $_tile_overlayer_lowered  }
0x9b: {  	s7 =	simm.s32 $0x1BFF;
	s21 =	sshll.u32 s6, $0x1;
	s4 =	sadd.s32 s4, s20  }
0x9c: {  	s22 =	simm.s32 $0x0;
	s5 =	sshll.u32 s5, $0x1;
	s6 =	sadd.s32 s21, s4  }
0x9d: {  	[timem:s22], [sflag:s7] =	dma.local [hbm:s6], s5  }
0x9e: {  	_ =	swait.ge [sflag:s7], s5  }
0x9f: {  	s5 =	ssub.s32 $0x0, s5;
	[sflag:s7] =	ssyncset.done $0x0  }
0xa0: {  	[sflag:s7] =	ssyncadd.s32 s5;
	_ =	sdelay $0x1  }
0xa1: {  	s23 =	simm.s32 $0x1B8B  }
0xa2: {  	_ =	swait.ge [sflag:s23], $0x1  }
0xa3: {  	[sflag:s23] =	ssyncset.done $0x0  }
0xa4: {  	[sflag:s23] =	ssyncadd.s32 $0xFFFFFFFF  }
0xa5: {  	s5 =	sld [smem:$0x0]  }
0xa6: {  	s6 =	sand.u32 $0xFFFFFFFE, s1  }
0xa7: {  	p0 =	sne.s32 s1, s6  }
0xa8: {  	s6 =	sshll.u32 @p0 s6, $0xE  }
0xa9: {  	s6 =	sadd.s32 @p0 $0x11B8D, s6;
	s7 =	sshll.u32 @p0 s5, $0x11  }
0xaa: {  	s6 =	sor.u32 @p0 s7, s6  }
0xab: {  	[sflag:s6] =	ssyncadd.remote.s32 @p0 $0x1;
	_ =	sdelay $0x1  }
0xac: {  	s6 =	simm.s32 @p0 $0x1B8D  }
0xad: {  	_ =	swait.eq @p0 [sflag:s6], $0x1  }
0xae: {  	[sflag:s6] =	ssyncadd.s32 @p0 $0xFFFFFFFF  }
0xaf: {  	s7 =	sshll.u32 @!p0 s1, $0xE  }
0xb0: {  	s7 =	sor.u32 @!p0 $0x4000, s7;
	s6 =	simm.s32 @!p0 $0x1B8D  }
0xb1: {  	s5 =	sshll.u32 @!p0 s5, $0x11;
	s7 =	sadd.s32 @!p0 $0x11B8D, s7;
	_ =	swait.eq @!p0 [sflag:s6], $0x1  }
0xb2: {  	s5 =	sor.u32 @!p0 s5, s7;
	[sflag:s6] =	ssyncadd.s32 @!p0 $0xFFFFFFFF  }
0xb3: {  	s25 =	simm.s32 $0x1B8E;
	s24 =	sld [smem:$0x3FFE];
	[sflag:s5] =	ssyncadd.remote.s32 @!p0 $0x1  }
0xb4: {  	s26 =	simm.s32 $execute0_lowered;
	[smem:$0x3FD2] =	sst s25  }
0xb5: {  	s6 =	sshll.u32 s26, $0x1;
	_ =	strace $0x8000004C;
	[dreg:$0x1] =	wrdreg $0xFFFFFFFF  }
0xb6: {  	s28 =	simm.s32 $_size_execute0_lowered;
	s4 =	sadd.s32 s4, s6;
	[dreg:$0x0] =	wrdreg $0x0  }
0xb7: {  	s6 =	sshll.u32 s28, $0x1;
	[dreg:$0x2] =	wrdreg s4  }
0xb8: {  	[dreg:$0x3] =	wrdreg s6  }
0xb9: {  	[dreg:$0x4] =	wrdreg $0xC0  }
0xba: {  	_ =	task [dreg:s22], $0x5FFFF  }
0xbb: {  	[dreg:$0x1] =	wrdreg $0xFFFFFFFF  }
0xbc: {  	[dreg:$0x0] =	wrdreg $0x60  }
0xbd: {  	[dreg:$0x2] =	wrdreg s18  }
0xbe: {  	[dreg:$0x3] =	wrdreg s24  }
0xbf: {  	[dreg:$0x4] =	wrdreg $0xA  }
0xc0: {  	_ =	task.clear_ibuf [dreg:s22], $0x5FFFF;
	_ =	strace $0x9000004C  }
0xc1: {  	s29 =	simm.s32 $0xA;
	_ =	strace $0x8000004E  }
0xc2: {  	_ =	swait.ge [sflag:s29], $0x1  }
0xc3: {  	[sflag:s29] =	ssyncadd.s32 $0xFFFFFFFF  }
0xc4: {  	_ =	strace $0x9000004E  }
0xc5: {  	_ =	sfence  }
0xc6: {  	s30 =	sld [smem:$0x0];
	_ =	sdelay $0x2  }
0xc7: {  	s31 =	sshll.u32 s1, $0xD;
	s1 =	sshrl.u32 s1, $0x2  }
0xc8: {  	s4 =	sand.u32 $0x4000, s31;
	s1 =	sadd.s32 s1, s30  }
0xc9: {  	s0 =	sor.u32 s4, s0;
	s1 =	sshll.u32 s1, $0x11  }
0xca: {  	s0 =	sor.u32 s1, s0  }
0xcb: {  	s0 =	sadd.s32 $0x8F2B, s0  }
0xcc: {  	[sflag:s0] =	ssyncadd.remote.s32 $0x1  }
0xcd: {  	_ =	sfence.sel $0xFFFF  }
0xce: {  	[dreg:$0x0] =	wrdreg $0xFFFFFFFF;
	(pc) =	sbr.abs _section_cstart, $3  }
0xcf: {  	[dreg:$0x1] =	wrdreg $0xFFFFFFFF  }
0xd0: {  	_ =	task.clear_ibuf [dreg:s22], $0x2FFFF;
	_ =	strace $0x9FFFFFFF  }
0xd1: {  	(tm) =	ssettm $0x7FFFFFFF  }
tec
execute0_lowered:
.L_overlay_start_1:
0x0: {  	(tag) =	ssettag $0x1  }
0x1: {  	s2 =	rddreg [dreg:$0x0]  }
0x2: {  	s4 =	rddreg [dreg:$0x1];
	s3 =	srdreg.scid  }
0x3: {  	s0 =	rddreg [dreg:$0x2];
	s1 =	stileid.u32;
	s11 =	simm.s32 $0x1000  }
0x4: {  	s12 =	simm.s32 $0x9000;
	s13 =	simm.s32 $0x1;
	s14 =	simm.s32 $0x2  }
0x5: {  	s15 =	simm.s32 $0x3;
	s16 =	simm.s32 $0x4;
	s17 =	simm.s32 $0x0  }
0x6: {  	s6 =	sand.u32 $0x1, s3;
	s3 =	simm.s32 $0x0;
	s5 =	sshll.u32 s1, $0xD  }
0x7: {  	s10 =	sadd.s32 $0x28000, s4;
	s30 =	sshll.u32 s1, $0x11;
	s7 =	sshll.u32 s6, $0xC  }
0x8: {  	[smem:$0x7FF] =	sst s3;
	s29 =	ssub.s32 $0x2, s6;
	s31 =	sshll.u32 s6, $0x10  }
0x9: {  	s5 =	sor.u32 s7, s5;
	_ =	strace $0x8000004D;
	s9 =	sshrl.u32 s29, $0x1  }
0xa: {  	s8 =	sshrl.u32 s5, $0x3;
	s7 =	ssub.s32 s29, s9;
	s5 =	sshll.u32 s5, $0x4  }
0xb: {  	s9 =	simm.s32 $0x5;
	s8 =	sadd.s32 s8, s4;
	s5 =	sadd.s32 s10, s5  }
0xc: {  	s6 =	smax.u32 s7, $0x1;
	s4 =	sadd.s32 $0x24000, s8;
	s8 =	sadd.s32 s30, s10  }
0xd: {  	s7 =	sadd.s32 $0x1000, s5;
	s10 =	simm.s32 $0x100;
	s8 =	sadd.s32 s31, s8  }
.LBB2_1:
0xe: {  	[tilespmem:s3], [sflag:$0x5] =	stream.linear.gather [hbm4b:s4+s3], $0x1000, $0x38;
	[tilespmem:$0x11000] =	vst v63  }
0xf: {  	_ =	swait.ge [sflag:s9], $0x1000  }
0x10: {  	[sflag:s9] =	ssyncset.done $0x0  }
0x11: {  	[sflag:s9] =	ssyncadd.s32 $0xFFFFF000  }
0x12: {  	[tilespmem:s11], [sflag:$0x1] =	stream.indirect.gather [hbm4b:s2+s10], $0x80, s3, s10, $0xb8;
	[tilespmem:$0x11000] =	vst v63  }
0x13: {  	_ = 	snop  }
0x14: {  	[tilespmem:s12], [sflag:$0x2] =	stream.indirect.gather [hbm4b:s2+s10], $0x80, s10, s10, $0xb8;
	[tilespmem:$0x11000] =	vst v63  }
0x15: {  	_ =	swait.ge [sflag:s13], $0x8000  }
0x16: {  	[sflag:s13] =	ssyncset.done $0x0  }
0x17: {  	[sflag:s13] =	ssyncadd.s32 $0xFFFF8000  }
0x18: {  	[hbm4b:s5+s3] =	stream.linear.scatter [tilespmem:s11], [sflag:$0x3], $0x8000, $0x38;
	[tilespmem:$0x11000] =	vst v63  }
0x19: {  	_ =	swait.ge [sflag:s14], $0x8000  }
0x1a: {  	[sflag:s14] =	ssyncset.done $0x0  }
0x1b: {  	[sflag:s14] =	ssyncadd.s32 $0xFFFF8000  }
0x1c: {  	[hbm4b:s7+s3] =	stream.linear.scatter [tilespmem:s12], [sflag:$0x4], $0x8000, $0x38;
	[tilespmem:$0x11000] =	vst v63  }
0x1d: {  	_ =	swait.ge [sflag:s15], $0x8000  }
0x1e: {  	[sflag:s15] =	ssyncset.done $0x0  }
0x1f: {  	s18 =	simm.s32 $0x200;
	[sflag:s15] =	ssyncadd.s32 $0xFFFF8000  }
0x20: {  	[tilespmem:s11], [sflag:$0x1] =	stream.indirect.gather [hbm4b:s2+s10], $0x80, s18, s10, $0xb8;
	[tilespmem:$0x11000] =	vst v63  }
0x21: {  	_ =	swait.ge [sflag:s16], $0x8000  }
0x22: {  	[sflag:s16] =	ssyncset.done $0x0  }
0x23: {  	s30 =	simm.s32 $0x300;
	[sflag:s16] =	ssyncadd.s32 $0xFFFF8000  }
0x24: {  	[tilespmem:s12], [sflag:$0x2] =	stream.indirect.gather [hbm4b:s2+s10], $0x80, s30, s10, $0xb8;
	[tilespmem:$0x11000] =	vst v63  }
0x25: {  	_ =	swait.ge [sflag:s13], $0x8000  }
0x26: {  	s19 =	sadd.s32 $0x0, s8;
	[sflag:s13] =	ssyncset.done $0x0  }
0x27: {  	s31 =	sadd.s32 $0x2000, s19;
	[sflag:s13] =	ssyncadd.s32 $0xFFFF8000  }
0x28: {  	[hbm4b:s31+s3] =	stream.linear.scatter [tilespmem:s11], [sflag:$0x3], $0x8000, $0x38;
	[tilespmem:$0x11000] =	vst v63  }
0x29: {  	_ =	swait.ge [sflag:s14], $0x8000  }
0x2a: {  	s20 =	sadd.s32 $0x3000, s19;
	[sflag:s14] =	ssyncset.done $0x0  }
0x2b: {  	s19 =	simm.s32 $0x400;
	s18 =	simm.s32 $0x2000;
	[sflag:s14] =	ssyncadd.s32 $0xFFFF8000  }
.LBB2_2:
0x2c: {  	[hbm4b:s20+s3] =	stream.linear.scatter [tilespmem:s12], [sflag:$0x4], $0x8000, $0x38;
	[tilespmem:$0x11000] =	vst v63  }
0x2d: {  	s20 =	smov.u32 s18  }
0x2e: {  	p0 =	sne.s32 s18, $0xC000;
	s18 =	sadd.s32 $0x2000, s18;
	_ =	swait.ge [sflag:s15], $0x8000  }
0x2f: {  	[sflag:s15] =	ssyncset.done $0x0  }
0x30: {  	[sflag:s15] =	ssyncadd.s32 $0xFFFF8000  }
0x31: {  	[tilespmem:s11], [sflag:$0x1] =	stream.indirect.gather [hbm4b:s2+s10], $0x80, s19, s10, $0xb8;
	[tilespmem:$0x11000] =	vst v63  }
0x32: {  	_ =	swait.ge [sflag:s16], $0x8000  }
0x33: {  	[sflag:s16] =	ssyncset.done $0x0  }
0x34: {  	s21 =	sadd.s32 $0x100, s19;
	[sflag:s16] =	ssyncadd.s32 $0xFFFF8000  }
0x35: {  	[tilespmem:s12], [sflag:$0x2] =	stream.indirect.gather [hbm4b:s2+s10], $0x80, s21, s10, $0xb8;
	[tilespmem:$0x11000] =	vst v63  }
0x36: {  	_ =	swait.ge [sflag:s13], $0x8000  }
0x37: {  	s20 =	sadd.s32 s20, s8;
	[sflag:s13] =	ssyncset.done $0x0  }
.Ltmp0:
0x38: {  	s21 =	sadd.s32 $0x2000, s20;
	[sflag:s13] =	ssyncadd.s32 $0xFFFF8000;
	(pc) =	sbr.rel @p0 .LBB2_2-.Ltmp0, $4  }
0x39: {  	[hbm4b:s21+s3] =	stream.linear.scatter [tilespmem:s11], [sflag:$0x3], $0x8000, $0x38;
	[tilespmem:$0x11000] =	vst v63  }
0x3a: {  	_ =	swait.ge [sflag:s14], $0x8000  }
0x3b: {  	[sflag:s14] =	ssyncset.done $0x0  }
0x3c: {  	s19 =	sadd.s32 $0x200, s19;
	s20 =	sadd.s32 $0x3000, s20;
	[sflag:s14] =	ssyncadd.s32 $0xFFFF8000  }
0x3d: {  	[hbm4b:s20+s3] =	stream.linear.scatter [tilespmem:s12], [sflag:$0x4], $0x8000, $0x38;
	[tilespmem:$0x11000] =	vst v63  }
0x3e: {  	s17 =	sadd.s32 $0x1, s17  }
0x3f: {  	_ =	swait.ge [sflag:s15], $0x8000;
	p0 =	sne.s32 s17, s6  }
.Ltmp1:
0x40: {  	[sflag:s15] =	ssyncset.done $0x0;
	(pc) =	sbr.rel @p0 .LBB2_1-.Ltmp1, $4  }
0x41: {  	[sflag:s15] =	ssyncadd.s32 $0xFFFF8000  }
0x42: {  	_ =	swait.ge [sflag:s16], $0x8000  }
0x43: {  	[sflag:s16] =	ssyncset.done $0x0  }
0x44: {  	[sflag:s16] =	ssyncadd.s32 $0xFFFF8000  }
0x45: {  	_ =	sfence.sel $0x180000  }
0x46: {  	[bflag:$0x0] =	sbarrier.arrive $0xFFFF  }
0x47: {  	p0 =	sne.s32 s1, $0x0;
	_ =	strace $0x9000004D  }
0x48: {  	s0 =	sadd.s32 @!p0 $0x100000, s0;
	[bflag:$0x2] =	sbarrier.arrive $0xFFFF  }
0x49: {  	[sflag:s0] =	ssyncadd.tile.s32 @!p0 $0x1;
	_ =	shalt  }
.Lfunc_end2:
_tile_overlayer_lowered:
.L_overlay_start_2:
0x4a: {  	(tag) =	ssettag $0x2  }
0x4b: {  	s0 =	rddreg [dreg:$0x0];
	s2 =	stileid.u32  }
0x4c: {  	s1 =	rddreg [dreg:$0x1];
	p0 =	sne.s32 s2, $0x0  }
0x4d: {  	s3 =	rddreg [dreg:$0x2];
	[bflag:$0x3] =	sbarrier.arrive $0xFFFF;
	s2 =	simm.s32 @!p0 $0x1C05  }
0x4e: {  	[timem:s3], [sflag:s2] =	dma.local @!p0 [hbm:s0], s1  }
0x4f: {  	s0 =	simm.s32 @!p0 $0x5  }
0x50: {  	_ =	swait.ge @!p0 [sflag:s0], s1  }
0x51: {  	s1 =	ssub.s32 @!p0 $0x0, s1;
	[sflag:s0] =	ssyncset.done @!p0 $0x0  }
0x52: {  	[sflag:s0] =	ssyncadd.s32 @!p0 s1  }
0x53: {  	[bflag:$0x3] =	sbarrier.arrive $0xFFFF  }
0x54: {  	_ =	shalt  }

</sc_bundles>
